<compile_context>
chip_gen: v7x
topology: tpu7x:2x2x1
jax: 0.10.2.dev20260603
libtpu: 0.0.44.dev20260713+nightly
codegen_flags: <defaults>
</compile_context>

<pallas_src>
import functools

import jax
import jax.numpy as jnp
import numpy as np
from jax import lax
from jax.experimental import pallas as pl
from jax.experimental.pallas import tpu as pltpu
from jax.experimental.pallas import tpu_sc as plsc

FIELD_DIMS = [100000] * 26
TOTAL = int(np.sum(FIELD_DIMS))
K = 5
F = 26
B = 16384
_OFFSETS = np.concatenate(([0], np.cumsum(FIELD_DIMS)[:-1])).astype(np.int32)

NC = 2
NS = 16
L = 16
NW = NC * NS
PER_W = B // NW
CB = 64
NCHUNK = PER_W // CB
IPC = CB * F
NV = 2 * K


def _sc_body(wclf_hbm, wlr_hbm, xo_hbm, bias_hbm, out_hbm,
             idx_v, idx10_v, rows_v, outb_v, bias_v, sem):
    wid = lax.axis_index("s") * NC + lax.axis_index("c")
    pltpu.sync_copy(bias_hbm, bias_v)
    pltpu.sync_copy(xo_hbm.at[pl.ds(wid * PER_W * F, PER_W * F)], idx_v)
    lane = lax.iota(jnp.int32, L)

    def chunk_body(c, _):
        def idx_body(m, _):
            seg = idx_v[pl.ds(c * IPC + m * L, L)]
            for k in range(K):
                idx10_v[pl.ds(k * IPC + m * L, L)] = seg + (k * TOTAL)
            seg5 = seg * 5
            for j in range(K):
                idx10_v[pl.ds((K + j) * IPC + m * L, L)] = seg5 + j
            return _

        lax.fori_loop(0, IPC // L, idx_body, None)

        copies = []
        for v in range(NV):
            src = wlr_hbm if v < K else wclf_hbm
            copies.append(
                pltpu.async_copy(
                    src.at[idx10_v.at[pl.ds(v * IPC, IPC)]],
                    rows_v.at[pl.ds(v * IPC, IPC)],
                    sem,
                )
            )
        for cp in copies:
            cp.wait()

        def grp_body(grp, _):
            ibase = (grp * L + lane) * F

            def colsum(v):
                s = plsc.load_gather(rows_v, [ibase + (v * IPC)])
                for f in range(1, F):
                    s = s + plsc.load_gather(rows_v, [ibase + (v * IPC + f)])
                return s

            lrs = [colsum(k) for k in range(K)]
            cols = [colsum(K + j) for j in range(K)]
            m = cols[0]
            for j in range(1, K):
                m = jnp.maximum(m, cols[j])
            es = [jnp.exp(cols[j] - m) for j in range(K)]
            z = es[0]
            for j in range(1, K):
                z = z + es[j]
            num = None
            for k in range(K):
                bk = plsc.load_gather(bias_v, [jnp.full((L,), k, jnp.int32)])
                sig = 1.0 / (1.0 + jnp.exp(-(lrs[k] + bk)))
                term = es[k] * sig
                num = term if num is None else num + term
            outb_v[pl.ds(grp * L, L)] = num / z
            return _

        lax.fori_loop(0, CB // L, grp_body, None)
        pltpu.sync_copy(outb_v, out_hbm.at[pl.ds(wid * PER_W + c * CB, CB)])
        return _

    lax.fori_loop(0, NCHUNK, chunk_body, None)


@functools.partial(
    pl.kernel,
    out_type=jax.ShapeDtypeStruct((B,), jnp.float32),
    mesh=plsc.VectorSubcoreMesh(core_axis_name="c", subcore_axis_name="s"),
    compiler_params=pltpu.CompilerParams(
        needs_layout_passes=False, use_tc_tiling_on_sc=False
    ),
    scratch_types=[
        pltpu.VMEM((PER_W * F,), jnp.int32),
        pltpu.VMEM((NV * IPC,), jnp.int32),
        pltpu.VMEM((NV * IPC,), jnp.float32),
        pltpu.VMEM((CB,), jnp.float32),
        pltpu.VMEM((L,), jnp.float32),
        pltpu.SemaphoreType.DMA,
    ],
)
def _sc_kernel(wclf_hbm, wlr_hbm, xo_hbm, bias_hbm, out_hbm,
               idx_v, idx10_v, rows_v, outb_v, bias_v, sem):
    _sc_body(wclf_hbm, wlr_hbm, xo_hbm, bias_hbm, out_hbm,
             idx_v, idx10_v, rows_v, outb_v, bias_v, sem)


def kernel(x, W_clf, W_lr, bias):
    xo = (x.astype(jnp.int32) + _OFFSETS[None, :]).reshape(B * F)
    bias16 = jnp.zeros((L,), jnp.float32).at[:K].set(bias[:, 0])
    out = _sc_kernel(
        W_clf.reshape(TOTAL * K), W_lr.reshape(K * TOTAL), xo, bias16
    )
    return out.reshape(B, 1)

# --- scband reference (transcript-rebuilt; emitter-appended) ---
"""Pipeline reference for scband-mixed-logistic-regression-62843961475144 (READ-ONLY COPY).

The authoritative reference and input builder live on the scoring server;
editing this copy changes nothing except your own understanding.
"""

import jax, jax.numpy as jnp
import numpy as np

FIELD_DIMS = [100000] * 26
TOTAL = int(np.sum(FIELD_DIMS))
K = 5
OFFSETS = jnp.asarray(np.concatenate(([0], np.cumsum(FIELD_DIMS)[:-1])), dtype=jnp.int32)


def setup_inputs(seed: int = 0) -> dict:
    key = jax.random.key(seed)
    k1, k2, k3 = jax.random.split(key, 3)
    x = jax.random.randint(k1, (16384, 26), 0, 100000)
    W_clf = jax.random.normal(k2, (TOTAL, K), dtype=jnp.float32) * 0.01
    W_lr = jax.random.normal(k3, (K, TOTAL, 1), dtype=jnp.float32) * 0.01
    bias = jnp.zeros((K, 1), dtype=jnp.float32)
    return {"x": x, "W_clf": W_clf, "W_lr": W_lr, "bias": bias}


def reference(x, W_clf, W_lr, bias):
    # FeaturesEmbedding: per-field index + exclusive-cumsum offsets, single shared table
    xo = x + OFFSETS[None, :]  # [B, 26]
    # Classifier: embed(x).sum(dim=1) -> softmax
    clf_emb = jnp.take(W_clf, xo, axis=0)          # [B, 26, K]
    clf_out = jax.nn.softmax(clf_emb.sum(axis=1), axis=1)  # [B, K]
    # K independent LogisticRegression heads (each its own table + bias)
    lr_emb = jnp.take(W_lr, xo, axis=1)            # [K, B, 26, 1]
    lr_lin = lr_emb.sum(axis=2) + bias[:, None, :] # [K, B, 1]
    lr_out = jax.nn.sigmoid(lr_lin)[..., 0].T      # [B, K]
    output = (clf_out * lr_out).sum(axis=1, keepdims=True)  # [B, 1]
    return output

if __name__ == "__main__":
    import jax
    _d = setup_inputs()
    print(jax.jit(kernel)(*tuple(_d.values())))

</pallas_src>

<mosaic_0001>
#map = affine_map<(d0, d1) -> (0)>
module attributes {stable_mosaic.version = 14 : i64} {
  func.func @_sc_kernel(%arg0: i32, %arg1: i32, %arg2: memref<13000000xf32, #tpu.memory_space<hbm>>, %arg3: memref<13000000xf32, #tpu.memory_space<hbm>>, %arg4: memref<425984xi32, #tpu.memory_space<hbm>>, %arg5: memref<16xf32, #tpu.memory_space<hbm>>, %arg6: memref<16384xf32, #tpu.memory_space<hbm>>, %arg7: memref<13312xi32, #tpu.memory_space<vmem>>, %arg8: memref<16640xi32, #tpu.memory_space<vmem>>, %arg9: memref<16640xf32, #tpu.memory_space<vmem>>, %arg10: memref<64xf32, #tpu.memory_space<vmem>>, %arg11: memref<16xf32, #tpu.memory_space<vmem>>, %arg12: memref<!tpu.dma_semaphore, #tpu.memory_space<semaphore_mem>>) attributes {dimension_semantics = [#tpu.dimension_semantics<core_parallel>, #tpu.dimension_semantics<subcore_parallel>], iteration_bounds = array<i64: 2, 16>, scalar_prefetch = 0 : i64, scratch_operands = 6 : i64, tpu.core_type = #tpu.core_type<sc_vector_subcore>, window_params = [{transform_indices = #map}, {transform_indices = #map}, {transform_indices = #map}, {transform_indices = #map}, {transform_indices = #map}]} {
    %mul3A = arith.constant 2 : i32
    %mul3A_0 = arith.muli %arg1, %mul3A : i32
    %add3A = arith.addi %mul3A_0, %arg0 : i32
    "tpu.region"() ({
      %run_scoped3A = tpu.sem_alloc : memref<!tpu.dma_semaphore, #tpu.memory_space<semaphore_mem>>
      tpu.enqueue_dma source(%arg5 : memref<16xf32, #tpu.memory_space<hbm>>) target(%arg11 : memref<16xf32, #tpu.memory_space<vmem>>) target_semaphore(%run_scoped3A : memref<!tpu.dma_semaphore, #tpu.memory_space<semaphore_mem>>)
      tpu.wait_dma2 semaphore(%run_scoped3A : memref<!tpu.dma_semaphore, #tpu.memory_space<semaphore_mem>>) src(%arg5 : memref<16xf32, #tpu.memory_space<hbm>>) dst(%arg11 : memref<16xf32, #tpu.memory_space<vmem>>)
      tpu.yield
    }) : () -> ()
    %mul3A_1 = arith.constant 512 : i32
    %mul3A_2 = arith.muli %add3A, %mul3A_1 : i32
    %mul3A_3 = arith.constant 26 : i32
    %mul3A_4 = arith.muli %mul3A_2, %mul3A_3 : i32
    "tpu.region"() ({
      %run_scoped3A = tpu.sem_alloc : memref<!tpu.dma_semaphore, #tpu.memory_space<semaphore_mem>>
      %dma_start3A = tpu.memref_slice %arg4[%mul3A_4] : memref<425984xi32, #tpu.memory_space<hbm>> -> memref<13312xi32, #tpu.memory_space<hbm>>
      %dma_start3A_9 = tpu.memref_slice %arg4[%mul3A_4] : memref<425984xi32, #tpu.memory_space<hbm>> -> memref<13312xi32, #tpu.memory_space<hbm>>
      tpu.enqueue_dma source(%dma_start3A_9 : memref<13312xi32, #tpu.memory_space<hbm>>) target(%arg7 : memref<13312xi32, #tpu.memory_space<vmem>>) target_semaphore(%run_scoped3A : memref<!tpu.dma_semaphore, #tpu.memory_space<semaphore_mem>>)
      %dma_wait3A = tpu.memref_slice %arg4[%mul3A_4] : memref<425984xi32, #tpu.memory_space<hbm>> -> memref<13312xi32, #tpu.memory_space<hbm>>
      %dma_wait3A_10 = tpu.memref_slice %arg4[%mul3A_4] : memref<425984xi32, #tpu.memory_space<hbm>> -> memref<13312xi32, #tpu.memory_space<hbm>>
      tpu.wait_dma2 semaphore(%run_scoped3A : memref<!tpu.dma_semaphore, #tpu.memory_space<semaphore_mem>>) src(%dma_wait3A_10 : memref<13312xi32, #tpu.memory_space<hbm>>) dst(%arg7 : memref<13312xi32, #tpu.memory_space<vmem>>)
      tpu.yield
    }) : () -> ()
    %iota3A = tpu.iota {dimensions = array<i32: 0>} : vector<16xi32>
    %scan3A = arith.constant 0 : i32
    %scan3A_5 = arith.constant 8 : i32
    %scan3A_6 = arith.addi %scan3A, %scan3A_5 : i32
    %scan3A_7 = arith.constant 1 : i32
    scf.for %scan3A_9 = %scan3A to %scan3A_6 step %scan3A_7  : i32 {
      %scan3A_10 = arith.constant 0 : i32
      %scan3A_11 = arith.constant 104 : i32
      %scan3A_12 = arith.addi %scan3A_10, %scan3A_11 : i32
      %scan3A_13 = arith.constant 1 : i32
      scf.for %scan3A_143 = %scan3A_10 to %scan3A_12 step %scan3A_13  : i32 {
        %mul3A_144 = arith.constant 1664 : i32
        %mul3A_145 = arith.muli %scan3A_9, %mul3A_144 : i32
        %mul3A_146 = arith.constant 16 : i32
        %mul3A_147 = arith.muli %scan3A_143, %mul3A_146 : i32
        %add3A_148 = arith.addi %mul3A_145, %mul3A_147 : i32
        %get3A = arith.index_cast %add3A_148 : i32 to index
        %get3A_149 = tpu.vector_load %arg7[%get3A] {strides = array<i32>} : memref<13312xi32, #tpu.memory_space<vmem>>, vector<16xi32>,
        %add3A_150 = arith.constant 0 : i32
        %add3A_151 = vector.broadcast %add3A_150 : i32 to vector<16xi32>
        %add3A_152 = arith.addi %get3A_149, %add3A_151 : vector<16xi32>
        %mul3A_153 = arith.constant 16 : i32
        %mul3A_154 = arith.muli %scan3A_143, %mul3A_153 : i32
        %add3A_155 = arith.constant 0 : i32
        %add3A_156 = arith.addi %add3A_155, %mul3A_154 : i32
        %swap3A = arith.index_cast %add3A_156 : i32 to index
        %swap3A_157 = tpu.vector_load %arg8[%swap3A] {strides = array<i32>} : memref<16640xi32, #tpu.memory_space<vmem>>, vector<16xi32>,
        tpu.vector_store %arg8[%swap3A], %add3A_152 {strides = array<i32>} : memref<16640xi32, #tpu.memory_space<vmem>>, vector<16xi32>,
        %add3A_158 = arith.constant 2600000 : i32
        %add3A_159 = vector.broadcast %add3A_158 : i32 to vector<16xi32>
        %add3A_160 = arith.addi %get3A_149, %add3A_159 : vector<16xi32>
        %mul3A_161 = arith.constant 16 : i32
        %mul3A_162 = arith.muli %scan3A_143, %mul3A_161 : i32
        %add3A_163 = arith.constant 1664 : i32
        %add3A_164 = arith.addi %add3A_163, %mul3A_162 : i32
        %swap3A_165 = arith.index_cast %add3A_164 : i32 to index
        %swap3A_166 = tpu.vector_load %arg8[%swap3A_165] {strides = array<i32>} : memref<16640xi32, #tpu.memory_space<vmem>>, vector<16xi32>,
        tpu.vector_store %arg8[%swap3A_165], %add3A_160 {strides = array<i32>} : memref<16640xi32, #tpu.memory_space<vmem>>, vector<16xi32>,
        %add3A_167 = arith.constant 5200000 : i32
        %add3A_168 = vector.broadcast %add3A_167 : i32 to vector<16xi32>
        %add3A_169 = arith.addi %get3A_149, %add3A_168 : vector<16xi32>
        %mul3A_170 = arith.constant 16 : i32
        %mul3A_171 = arith.muli %scan3A_143, %mul3A_170 : i32
        %add3A_172 = arith.constant 3328 : i32
        %add3A_173 = arith.addi %add3A_172, %mul3A_171 : i32
        %swap3A_174 = arith.index_cast %add3A_173 : i32 to index
        %swap3A_175 = tpu.vector_load %arg8[%swap3A_174] {strides = array<i32>} : memref<16640xi32, #tpu.memory_space<vmem>>, vector<16xi32>,
        tpu.vector_store %arg8[%swap3A_174], %add3A_169 {strides = array<i32>} : memref<16640xi32, #tpu.memory_space<vmem>>, vector<16xi32>,
        %add3A_176 = arith.constant 7800000 : i32
        %add3A_177 = vector.broadcast %add3A_176 : i32 to vector<16xi32>
        %add3A_178 = arith.addi %get3A_149, %add3A_177 : vector<16xi32>
        %mul3A_179 = arith.constant 16 : i32
        %mul3A_180 = arith.muli %scan3A_143, %mul3A_179 : i32
        %add3A_181 = arith.constant 4992 : i32
        %add3A_182 = arith.addi %add3A_181, %mul3A_180 : i32
        %swap3A_183 = arith.index_cast %add3A_182 : i32 to index
        %swap3A_184 = tpu.vector_load %arg8[%swap3A_183] {strides = array<i32>} : memref<16640xi32, #tpu.memory_space<vmem>>, vector<16xi32>,
        tpu.vector_store %arg8[%swap3A_183], %add3A_178 {strides = array<i32>} : memref<16640xi32, #tpu.memory_space<vmem>>, vector<16xi32>,
        %add3A_185 = arith.constant 10400000 : i32
        %add3A_186 = vector.broadcast %add3A_185 : i32 to vector<16xi32>
        %add3A_187 = arith.addi %get3A_149, %add3A_186 : vector<16xi32>
        %mul3A_188 = arith.constant 16 : i32
        %mul3A_189 = arith.muli %scan3A_143, %mul3A_188 : i32
        %add3A_190 = arith.constant 6656 : i32
        %add3A_191 = arith.addi %add3A_190, %mul3A_189 : i32
        %swap3A_192 = arith.index_cast %add3A_191 : i32 to index
        %swap3A_193 = tpu.vector_load %arg8[%swap3A_192] {strides = array<i32>} : memref<16640xi32, #tpu.memory_space<vmem>>, vector<16xi32>,
        tpu.vector_store %arg8[%swap3A_192], %add3A_187 {strides = array<i32>} : memref<16640xi32, #tpu.memory_space<vmem>>, vector<16xi32>,
        %mul3A_194 = arith.constant 5 : i32
        %mul3A_195 = vector.broadcast %mul3A_194 : i32 to vector<16xi32>
        %mul3A_196 = arith.muli %get3A_149, %mul3A_195 : vector<16xi32>
        %add3A_197 = arith.constant 0 : i32
        %add3A_198 = vector.broadcast %add3A_197 : i32 to vector<16xi32>
        %add3A_199 = arith.addi %mul3A_196, %add3A_198 : vector<16xi32>
        %mul3A_200 = arith.constant 16 : i32
        %mul3A_201 = arith.muli %scan3A_143, %mul3A_200 : i32
        %add3A_202 = arith.constant 8320 : i32
        %add3A_203 = arith.addi %add3A_202, %mul3A_201 : i32
        %swap3A_204 = arith.index_cast %add3A_203 : i32 to index
        %swap3A_205 = tpu.vector_load %arg8[%swap3A_204] {strides = array<i32>} : memref<16640xi32, #tpu.memory_space<vmem>>, vector<16xi32>,
        tpu.vector_store %arg8[%swap3A_204], %add3A_199 {strides = array<i32>} : memref<16640xi32, #tpu.memory_space<vmem>>, vector<16xi32>,
        %add3A_206 = arith.constant 1 : i32
        %add3A_207 = vector.broadcast %add3A_206 : i32 to vector<16xi32>
        %add3A_208 = arith.addi %mul3A_196, %add3A_207 : vector<16xi32>
        %mul3A_209 = arith.constant 16 : i32
        %mul3A_210 = arith.muli %scan3A_143, %mul3A_209 : i32
        %add3A_211 = arith.constant 9984 : i32
        %add3A_212 = arith.addi %add3A_211, %mul3A_210 : i32
        %swap3A_213 = arith.index_cast %add3A_212 : i32 to index
        %swap3A_214 = tpu.vector_load %arg8[%swap3A_213] {strides = array<i32>} : memref<16640xi32, #tpu.memory_space<vmem>>, vector<16xi32>,
        tpu.vector_store %arg8[%swap3A_213], %add3A_208 {strides = array<i32>} : memref<16640xi32, #tpu.memory_space<vmem>>, vector<16xi32>,
        %add3A_215 = arith.constant 2 : i32
        %add3A_216 = vector.broadcast %add3A_215 : i32 to vector<16xi32>
        %add3A_217 = arith.addi %mul3A_196, %add3A_216 : vector<16xi32>
        %mul3A_218 = arith.constant 16 : i32
        %mul3A_219 = arith.muli %scan3A_143, %mul3A_218 : i32
        %add3A_220 = arith.constant 11648 : i32
        %add3A_221 = arith.addi %add3A_220, %mul3A_219 : i32
        %swap3A_222 = arith.index_cast %add3A_221 : i32 to index
        %swap3A_223 = tpu.vector_load %arg8[%swap3A_222] {strides = array<i32>} : memref<16640xi32, #tpu.memory_space<vmem>>, vector<16xi32>,
        tpu.vector_store %arg8[%swap3A_222], %add3A_217 {strides = array<i32>} : memref<16640xi32, #tpu.memory_space<vmem>>, vector<16xi32>,
        %add3A_224 = arith.constant 3 : i32
        %add3A_225 = vector.broadcast %add3A_224 : i32 to vector<16xi32>
        %add3A_226 = arith.addi %mul3A_196, %add3A_225 : vector<16xi32>
        %mul3A_227 = arith.constant 16 : i32
        %mul3A_228 = arith.muli %scan3A_143, %mul3A_227 : i32
        %add3A_229 = arith.constant 13312 : i32
        %add3A_230 = arith.addi %add3A_229, %mul3A_228 : i32
        %swap3A_231 = arith.index_cast %add3A_230 : i32 to index
        %swap3A_232 = tpu.vector_load %arg8[%swap3A_231] {strides = array<i32>} : memref<16640xi32, #tpu.memory_space<vmem>>, vector<16xi32>,
        tpu.vector_store %arg8[%swap3A_231], %add3A_226 {strides = array<i32>} : memref<16640xi32, #tpu.memory_space<vmem>>, vector<16xi32>,
        %add3A_233 = arith.constant 4 : i32
        %add3A_234 = vector.broadcast %add3A_233 : i32 to vector<16xi32>
        %add3A_235 = arith.addi %mul3A_196, %add3A_234 : vector<16xi32>
        %mul3A_236 = arith.constant 16 : i32
        %mul3A_237 = arith.muli %scan3A_143, %mul3A_236 : i32
        %add3A_238 = arith.constant 14976 : i32
        %add3A_239 = arith.addi %add3A_238, %mul3A_237 : i32
        %swap3A_240 = arith.index_cast %add3A_239 : i32 to index
        %swap3A_241 = tpu.vector_load %arg8[%swap3A_240] {strides = array<i32>} : memref<16640xi32, #tpu.memory_space<vmem>>, vector<16xi32>,
        tpu.vector_store %arg8[%swap3A_240], %add3A_235 {strides = array<i32>} : memref<16640xi32, #tpu.memory_space<vmem>>, vector<16xi32>,
      }
      %scan3A_14 = arith.constant 104 : i32
      %dma_start3A = arith.constant 0 : i32
      %dma_start3A_15 = tpu.memref_slice %arg9[%dma_start3A] : memref<16640xf32, #tpu.memory_space<vmem>> -> memref<1664xf32, #tpu.memory_space<vmem>>
      %dma_start3A_16 = arith.constant 0 : i32
      %dma_start3A_17 = tpu.memref_slice %arg8[%dma_start3A_16] : memref<16640xi32, #tpu.memory_space<vmem>> -> memref<1664xi32, #tpu.memory_space<vmem>>
      %dma_start3A_18 = arith.constant 0 : i32
      %dma_start3A_19 = tpu.memref_slice %arg3[%dma_start3A_18] : memref<13000000xf32, #tpu.memory_space<hbm>> -> memref<13000000xf32, #tpu.memory_space<hbm>>
      tpu.enqueue_indirect_dma source(%dma_start3A_19 : memref<13000000xf32, #tpu.memory_space<hbm>>) target(%dma_start3A_15 : memref<1664xf32, #tpu.memory_space<vmem>>) offsets(%dma_start3A_17 : memref<1664xi32, #tpu.memory_space<vmem>>) semaphore(%arg12 : memref<!tpu.dma_semaphore, #tpu.memory_space<semaphore_mem>>)
      %dma_start3A_20 = arith.constant 1664 : i32
      %dma_start3A_21 = tpu.memref_slice %arg9[%dma_start3A_20] : memref<16640xf32, #tpu.memory_space<vmem>> -> memref<1664xf32, #tpu.memory_space<vmem>>
      %dma_start3A_22 = arith.constant 1664 : i32
      %dma_start3A_23 = tpu.memref_slice %arg8[%dma_start3A_22] : memref<16640xi32, #tpu.memory_space<vmem>> -> memref<1664xi32, #tpu.memory_space<vmem>>
      %dma_start3A_24 = arith.constant 0 : i32
      %dma_start3A_25 = tpu.memref_slice %arg3[%dma_start3A_24] : memref<13000000xf32, #tpu.memory_space<hbm>> -> memref<13000000xf32, #tpu.memory_space<hbm>>
      tpu.enqueue_indirect_dma source(%dma_start3A_25 : memref<13000000xf32, #tpu.memory_space<hbm>>) target(%dma_start3A_21 : memref<1664xf32, #tpu.memory_space<vmem>>) offsets(%dma_start3A_23 : memref<1664xi32, #tpu.memory_space<vmem>>) semaphore(%arg12 : memref<!tpu.dma_semaphore, #tpu.memory_space<semaphore_mem>>)
      %dma_start3A_26 = arith.constant 3328 : i32
      %dma_start3A_27 = tpu.memref_slice %arg9[%dma_start3A_26] : memref<16640xf32, #tpu.memory_space<vmem>> -> memref<1664xf32, #tpu.memory_space<vmem>>
      %dma_start3A_28 = arith.constant 3328 : i32
      %dma_start3A_29 = tpu.memref_slice %arg8[%dma_start3A_28] : memref<16640xi32, #tpu.memory_space<vmem>> -> memref<1664xi32, #tpu.memory_space<vmem>>
      %dma_start3A_30 = arith.constant 0 : i32
      %dma_start3A_31 = tpu.memref_slice %arg3[%dma_start3A_30] : memref<13000000xf32, #tpu.memory_space<hbm>> -> memref<13000000xf32, #tpu.memory_space<hbm>>
      tpu.enqueue_indirect_dma source(%dma_start3A_31 : memref<13000000xf32, #tpu.memory_space<hbm>>) target(%dma_start3A_27 : memref<1664xf32, #tpu.memory_space<vmem>>) offsets(%dma_start3A_29 : memref<1664xi32, #tpu.memory_space<vmem>>) semaphore(%arg12 : memref<!tpu.dma_semaphore, #tpu.memory_space<semaphore_mem>>)
      %dma_start3A_32 = arith.constant 4992 : i32
      %dma_start3A_33 = tpu.memref_slice %arg9[%dma_start3A_32] : memref<16640xf32, #tpu.memory_space<vmem>> -> memref<1664xf32, #tpu.memory_space<vmem>>
      %dma_start3A_34 = arith.constant 4992 : i32
      %dma_start3A_35 = tpu.memref_slice %arg8[%dma_start3A_34] : memref<16640xi32, #tpu.memory_space<vmem>> -> memref<1664xi32, #tpu.memory_space<vmem>>
      %dma_start3A_36 = arith.constant 0 : i32
      %dma_start3A_37 = tpu.memref_slice %arg3[%dma_start3A_36] : memref<13000000xf32, #tpu.memory_space<hbm>> -> memref<13000000xf32, #tpu.memory_space<hbm>>
      tpu.enqueue_indirect_dma source(%dma_start3A_37 : memref<13000000xf32, #tpu.memory_space<hbm>>) target(%dma_start3A_33 : memref<1664xf32, #tpu.memory_space<vmem>>) offsets(%dma_start3A_35 : memref<1664xi32, #tpu.memory_space<vmem>>) semaphore(%arg12 : memref<!tpu.dma_semaphore, #tpu.memory_space<semaphore_mem>>)
      %dma_start3A_38 = arith.constant 6656 : i32
      %dma_start3A_39 = tpu.memref_slice %arg9[%dma_start3A_38] : memref<16640xf32, #tpu.memory_space<vmem>> -> memref<1664xf32, #tpu.memory_space<vmem>>
      %dma_start3A_40 = arith.constant 6656 : i32
      %dma_start3A_41 = tpu.memref_slice %arg8[%dma_start3A_40] : memref<16640xi32, #tpu.memory_space<vmem>> -> memref<1664xi32, #tpu.memory_space<vmem>>
      %dma_start3A_42 = arith.constant 0 : i32
      %dma_start3A_43 = tpu.memref_slice %arg3[%dma_start3A_42] : memref<13000000xf32, #tpu.memory_space<hbm>> -> memref<13000000xf32, #tpu.memory_space<hbm>>
      tpu.enqueue_indirect_dma source(%dma_start3A_43 : memref<13000000xf32, #tpu.memory_space<hbm>>) target(%dma_start3A_39 : memref<1664xf32, #tpu.memory_space<vmem>>) offsets(%dma_start3A_41 : memref<1664xi32, #tpu.memory_space<vmem>>) semaphore(%arg12 : memref<!tpu.dma_semaphore, #tpu.memory_space<semaphore_mem>>)
      %dma_start3A_44 = arith.constant 8320 : i32
      %dma_start3A_45 = tpu.memref_slice %arg9[%dma_start3A_44] : memref<16640xf32, #tpu.memory_space<vmem>> -> memref<1664xf32, #tpu.memory_space<vmem>>
      %dma_start3A_46 = arith.constant 8320 : i32
      %dma_start3A_47 = tpu.memref_slice %arg8[%dma_start3A_46] : memref<16640xi32, #tpu.memory_space<vmem>> -> memref<1664xi32, #tpu.memory_space<vmem>>
      %dma_start3A_48 = arith.constant 0 : i32
      %dma_start3A_49 = tpu.memref_slice %arg2[%dma_start3A_48] : memref<13000000xf32, #tpu.memory_space<hbm>> -> memref<13000000xf32, #tpu.memory_space<hbm>>
      tpu.enqueue_indirect_dma source(%dma_start3A_49 : memref<13000000xf32, #tpu.memory_space<hbm>>) target(%dma_start3A_45 : memref<1664xf32, #tpu.memory_space<vmem>>) offsets(%dma_start3A_47 : memref<1664xi32, #tpu.memory_space<vmem>>) semaphore(%arg12 : memref<!tpu.dma_semaphore, #tpu.memory_space<semaphore_mem>>)
      %dma_start3A_50 = arith.constant 9984 : i32
      %dma_start3A_51 = tpu.memref_slice %arg9[%dma_start3A_50] : memref<16640xf32, #tpu.memory_space<vmem>> -> memref<1664xf32, #tpu.memory_space<vmem>>
      %dma_start3A_52 = arith.constant 9984 : i32
      %dma_start3A_53 = tpu.memref_slice %arg8[%dma_start3A_52] : memref<16640xi32, #tpu.memory_space<vmem>> -> memref<1664xi32, #tpu.memory_space<vmem>>
      %dma_start3A_54 = arith.constant 0 : i32
      %dma_start3A_55 = tpu.memref_slice %arg2[%dma_start3A_54] : memref<13000000xf32, #tpu.memory_space<hbm>> -> memref<13000000xf32, #tpu.memory_space<hbm>>
      tpu.enqueue_indirect_dma source(%dma_start3A_55 : memref<13000000xf32, #tpu.memory_space<hbm>>) target(%dma_start3A_51 : memref<1664xf32, #tpu.memory_space<vmem>>) offsets(%dma_start3A_53 : memref<1664xi32, #tpu.memory_space<vmem>>) semaphore(%arg12 : memref<!tpu.dma_semaphore, #tpu.memory_space<semaphore_mem>>)
      %dma_start3A_56 = arith.constant 11648 : i32
      %dma_start3A_57 = tpu.memref_slice %arg9[%dma_start3A_56] : memref<16640xf32, #tpu.memory_space<vmem>> -> memref<1664xf32, #tpu.memory_space<vmem>>
      %dma_start3A_58 = arith.constant 11648 : i32
      %dma_start3A_59 = tpu.memref_slice %arg8[%dma_start3A_58] : memref<16640xi32, #tpu.memory_space<vmem>> -> memref<1664xi32, #tpu.memory_space<vmem>>
      %dma_start3A_60 = arith.constant 0 : i32
      %dma_start3A_61 = tpu.memref_slice %arg2[%dma_start3A_60] : memref<13000000xf32, #tpu.memory_space<hbm>> -> memref<13000000xf32, #tpu.memory_space<hbm>>
      tpu.enqueue_indirect_dma source(%dma_start3A_61 : memref<13000000xf32, #tpu.memory_space<hbm>>) target(%dma_start3A_57 : memref<1664xf32, #tpu.memory_space<vmem>>) offsets(%dma_start3A_59 : memref<1664xi32, #tpu.memory_space<vmem>>) semaphore(%arg12 : memref<!tpu.dma_semaphore, #tpu.memory_space<semaphore_mem>>)
      %dma_start3A_62 = arith.constant 13312 : i32
      %dma_start3A_63 = tpu.memref_slice %arg9[%dma_start3A_62] : memref<16640xf32, #tpu.memory_space<vmem>> -> memref<1664xf32, #tpu.memory_space<vmem>>
      %dma_start3A_64 = arith.constant 13312 : i32
      %dma_start3A_65 = tpu.memref_slice %arg8[%dma_start3A_64] : memref<16640xi32, #tpu.memory_space<vmem>> -> memref<1664xi32, #tpu.memory_space<vmem>>
      %dma_start3A_66 = arith.constant 0 : i32
      %dma_start3A_67 = tpu.memref_slice %arg2[%dma_start3A_66] : memref<13000000xf32, #tpu.memory_space<hbm>> -> memref<13000000xf32, #tpu.memory_space<hbm>>
      tpu.enqueue_indirect_dma source(%dma_start3A_67 : memref<13000000xf32, #tpu.memory_space<hbm>>) target(%dma_start3A_63 : memref<1664xf32, #tpu.memory_space<vmem>>) offsets(%dma_start3A_65 : memref<1664xi32, #tpu.memory_space<vmem>>) semaphore(%arg12 : memref<!tpu.dma_semaphore, #tpu.memory_space<semaphore_mem>>)
      %dma_start3A_68 = arith.constant 14976 : i32
      %dma_start3A_69 = tpu.memref_slice %arg9[%dma_start3A_68] : memref<16640xf32, #tpu.memory_space<vmem>> -> memref<1664xf32, #tpu.memory_space<vmem>>
      %dma_start3A_70 = arith.constant 14976 : i32
      %dma_start3A_71 = tpu.memref_slice %arg8[%dma_start3A_70] : memref<16640xi32, #tpu.memory_space<vmem>> -> memref<1664xi32, #tpu.memory_space<vmem>>
      %dma_start3A_72 = arith.constant 0 : i32
      %dma_start3A_73 = tpu.memref_slice %arg2[%dma_start3A_72] : memref<13000000xf32, #tpu.memory_space<hbm>> -> memref<13000000xf32, #tpu.memory_space<hbm>>
      tpu.enqueue_indirect_dma source(%dma_start3A_73 : memref<13000000xf32, #tpu.memory_space<hbm>>) target(%dma_start3A_69 : memref<1664xf32, #tpu.memory_space<vmem>>) offsets(%dma_start3A_71 : memref<1664xi32, #tpu.memory_space<vmem>>) semaphore(%arg12 : memref<!tpu.dma_semaphore, #tpu.memory_space<semaphore_mem>>)
      %dma_wait3A = arith.constant 0 : i32
      %dma_wait3A_74 = tpu.memref_slice %arg9[%dma_wait3A] : memref<16640xf32, #tpu.memory_space<vmem>> -> memref<1664xf32, #tpu.memory_space<vmem>>
      %dma_wait3A_75 = arith.constant 0 : i32
      %dma_wait3A_76 = tpu.memref_slice %arg8[%dma_wait3A_75] : memref<16640xi32, #tpu.memory_space<vmem>> -> memref<1664xi32, #tpu.memory_space<vmem>>
      %dma_wait3A_77 = arith.constant 0 : i32
      %dma_wait3A_78 = tpu.memref_slice %arg3[%dma_wait3A_77] : memref<13000000xf32, #tpu.memory_space<hbm>> -> memref<13000000xf32, #tpu.memory_space<hbm>>
      tpu.wait_indirect_dma semaphore(%arg12 : memref<!tpu.dma_semaphore, #tpu.memory_space<semaphore_mem>>) src(%dma_wait3A_78 : memref<13000000xf32, #tpu.memory_space<hbm>>) dst(%dma_wait3A_74 : memref<1664xf32, #tpu.memory_space<vmem>>)
      %dma_wait3A_79 = arith.constant 1664 : i32
      %dma_wait3A_80 = tpu.memref_slice %arg9[%dma_wait3A_79] : memref<16640xf32, #tpu.memory_space<vmem>> -> memref<1664xf32, #tpu.memory_space<vmem>>
      %dma_wait3A_81 = arith.constant 1664 : i32
      %dma_wait3A_82 = tpu.memref_slice %arg8[%dma_wait3A_81] : memref<16640xi32, #tpu.memory_space<vmem>> -> memref<1664xi32, #tpu.memory_space<vmem>>
      %dma_wait3A_83 = arith.constant 0 : i32
      %dma_wait3A_84 = tpu.memref_slice %arg3[%dma_wait3A_83] : memref<13000000xf32, #tpu.memory_space<hbm>> -> memref<13000000xf32, #tpu.memory_space<hbm>>
      tpu.wait_indirect_dma semaphore(%arg12 : memref<!tpu.dma_semaphore, #tpu.memory_space<semaphore_mem>>) src(%dma_wait3A_84 : memref<13000000xf32, #tpu.memory_space<hbm>>) dst(%dma_wait3A_80 : memref<1664xf32, #tpu.memory_space<vmem>>)
      %dma_wait3A_85 = arith.constant 3328 : i32
      %dma_wait3A_86 = tpu.memref_slice %arg9[%dma_wait3A_85] : memref<16640xf32, #tpu.memory_space<vmem>> -> memref<1664xf32, #tpu.memory_space<vmem>>
      %dma_wait3A_87 = arith.constant 3328 : i32
      %dma_wait3A_88 = tpu.memref_slice %arg8[%dma_wait3A_87] : memref<16640xi32, #tpu.memory_space<vmem>> -> memref<1664xi32, #tpu.memory_space<vmem>>
      %dma_wait3A_89 = arith.constant 0 : i32
      %dma_wait3A_90 = tpu.memref_slice %arg3[%dma_wait3A_89] : memref<13000000xf32, #tpu.memory_space<hbm>> -> memref<13000000xf32, #tpu.memory_space<hbm>>
      tpu.wait_indirect_dma semaphore(%arg12 : memref<!tpu.dma_semaphore, #tpu.memory_space<semaphore_mem>>) src(%dma_wait3A_90 : memref<13000000xf32, #tpu.memory_space<hbm>>) dst(%dma_wait3A_86 : memref<1664xf32, #tpu.memory_space<vmem>>)
      %dma_wait3A_91 = arith.constant 4992 : i32
      %dma_wait3A_92 = tpu.memref_slice %arg9[%dma_wait3A_91] : memref<16640xf32, #tpu.memory_space<vmem>> -> memref<1664xf32, #tpu.memory_space<vmem>>
      %dma_wait3A_93 = arith.constant 4992 : i32
      %dma_wait3A_94 = tpu.memref_slice %arg8[%dma_wait3A_93] : memref<16640xi32, #tpu.memory_space<vmem>> -> memref<1664xi32, #tpu.memory_space<vmem>>
      %dma_wait3A_95 = arith.constant 0 : i32
      %dma_wait3A_96 = tpu.memref_slice %arg3[%dma_wait3A_95] : memref<13000000xf32, #tpu.memory_space<hbm>> -> memref<13000000xf32, #tpu.memory_space<hbm>>
      tpu.wait_indirect_dma semaphore(%arg12 : memref<!tpu.dma_semaphore, #tpu.memory_space<semaphore_mem>>) src(%dma_wait3A_96 : memref<13000000xf32, #tpu.memory_space<hbm>>) dst(%dma_wait3A_92 : memref<1664xf32, #tpu.memory_space<vmem>>)
      %dma_wait3A_97 = arith.constant 6656 : i32
      %dma_wait3A_98 = tpu.memref_slice %arg9[%dma_wait3A_97] : memref<16640xf32, #tpu.memory_space<vmem>> -> memref<1664xf32, #tpu.memory_space<vmem>>
      %dma_wait3A_99 = arith.constant 6656 : i32
      %dma_wait3A_100 = tpu.memref_slice %arg8[%dma_wait3A_99] : memref<16640xi32, #tpu.memory_space<vmem>> -> memref<1664xi32, #tpu.memory_space<vmem>>
      %dma_wait3A_101 = arith.constant 0 : i32
      %dma_wait3A_102 = tpu.memref_slice %arg3[%dma_wait3A_101] : memref<13000000xf32, #tpu.memory_space<hbm>> -> memref<13000000xf32, #tpu.memory_space<hbm>>
      tpu.wait_indirect_dma semaphore(%arg12 : memref<!tpu.dma_semaphore, #tpu.memory_space<semaphore_mem>>) src(%dma_wait3A_102 : memref<13000000xf32, #tpu.memory_space<hbm>>) dst(%dma_wait3A_98 : memref<1664xf32, #tpu.memory_space<vmem>>)
      %dma_wait3A_103 = arith.constant 8320 : i32
      %dma_wait3A_104 = tpu.memref_slice %arg9[%dma_wait3A_103] : memref<16640xf32, #tpu.memory_space<vmem>> -> memref<1664xf32, #tpu.memory_space<vmem>>
      %dma_wait3A_105 = arith.constant 8320 : i32
      %dma_wait3A_106 = tpu.memref_slice %arg8[%dma_wait3A_105] : memref<16640xi32, #tpu.memory_space<vmem>> -> memref<1664xi32, #tpu.memory_space<vmem>>
      %dma_wait3A_107 = arith.constant 0 : i32
      %dma_wait3A_108 = tpu.memref_slice %arg2[%dma_wait3A_107] : memref<13000000xf32, #tpu.memory_space<hbm>> -> memref<13000000xf32, #tpu.memory_space<hbm>>
      tpu.wait_indirect_dma semaphore(%arg12 : memref<!tpu.dma_semaphore, #tpu.memory_space<semaphore_mem>>) src(%dma_wait3A_108 : memref<13000000xf32, #tpu.memory_space<hbm>>) dst(%dma_wait3A_104 : memref<1664xf32, #tpu.memory_space<vmem>>)
      %dma_wait3A_109 = arith.constant 9984 : i32
      %dma_wait3A_110 = tpu.memref_slice %arg9[%dma_wait3A_109] : memref<16640xf32, #tpu.memory_space<vmem>> -> memref<1664xf32, #tpu.memory_space<vmem>>
      %dma_wait3A_111 = arith.constant 9984 : i32
      %dma_wait3A_112 = tpu.memref_slice %arg8[%dma_wait3A_111] : memref<16640xi32, #tpu.memory_space<vmem>> -> memref<1664xi32, #tpu.memory_space<vmem>>
      %dma_wait3A_113 = arith.constant 0 : i32
      %dma_wait3A_114 = tpu.memref_slice %arg2[%dma_wait3A_113] : memref<13000000xf32, #tpu.memory_space<hbm>> -> memref<13000000xf32, #tpu.memory_space<hbm>>
      tpu.wait_indirect_dma semaphore(%arg12 : memref<!tpu.dma_semaphore, #tpu.memory_space<semaphore_mem>>) src(%dma_wait3A_114 : memref<13000000xf32, #tpu.memory_space<hbm>>) dst(%dma_wait3A_110 : memref<1664xf32, #tpu.memory_space<vmem>>)
      %dma_wait3A_115 = arith.constant 11648 : i32
      %dma_wait3A_116 = tpu.memref_slice %arg9[%dma_wait3A_115] : memref<16640xf32, #tpu.memory_space<vmem>> -> memref<1664xf32, #tpu.memory_space<vmem>>
      %dma_wait3A_117 = arith.constant 11648 : i32
      %dma_wait3A_118 = tpu.memref_slice %arg8[%dma_wait3A_117] : memref<16640xi32, #tpu.memory_space<vmem>> -> memref<1664xi32, #tpu.memory_space<vmem>>
      %dma_wait3A_119 = arith.constant 0 : i32
      %dma_wait3A_120 = tpu.memref_slice %arg2[%dma_wait3A_119] : memref<13000000xf32, #tpu.memory_space<hbm>> -> memref<13000000xf32, #tpu.memory_space<hbm>>
      tpu.wait_indirect_dma semaphore(%arg12 : memref<!tpu.dma_semaphore, #tpu.memory_space<semaphore_mem>>) src(%dma_wait3A_120 : memref<13000000xf32, #tpu.memory_space<hbm>>) dst(%dma_wait3A_116 : memref<1664xf32, #tpu.memory_space<vmem>>)
      %dma_wait3A_121 = arith.constant 13312 : i32
      %dma_wait3A_122 = tpu.memref_slice %arg9[%dma_wait3A_121] : memref<16640xf32, #tpu.memory_space<vmem>> -> memref<1664xf32, #tpu.memory_space<vmem>>
      %dma_wait3A_123 = arith.constant 13312 : i32
      %dma_wait3A_124 = tpu.memref_slice %arg8[%dma_wait3A_123] : memref<16640xi32, #tpu.memory_space<vmem>> -> memref<1664xi32, #tpu.memory_space<vmem>>
      %dma_wait3A_125 = arith.constant 0 : i32
      %dma_wait3A_126 = tpu.memref_slice %arg2[%dma_wait3A_125] : memref<13000000xf32, #tpu.memory_space<hbm>> -> memref<13000000xf32, #tpu.memory_space<hbm>>
      tpu.wait_indirect_dma semaphore(%arg12 : memref<!tpu.dma_semaphore, #tpu.memory_space<semaphore_mem>>) src(%dma_wait3A_126 : memref<13000000xf32, #tpu.memory_space<hbm>>) dst(%dma_wait3A_122 : memref<1664xf32, #tpu.memory_space<vmem>>)
      %dma_wait3A_127 = arith.constant 14976 : i32
      %dma_wait3A_128 = tpu.memref_slice %arg9[%dma_wait3A_127] : memref<16640xf32, #tpu.memory_space<vmem>> -> memref<1664xf32, #tpu.memory_space<vmem>>
      %dma_wait3A_129 = arith.constant 14976 : i32
      %dma_wait3A_130 = tpu.memref_slice %arg8[%dma_wait3A_129] : memref<16640xi32, #tpu.memory_space<vmem>> -> memref<1664xi32, #tpu.memory_space<vmem>>
      %dma_wait3A_131 = arith.constant 0 : i32
      %dma_wait3A_132 = tpu.memref_slice %arg2[%dma_wait3A_131] : memref<13000000xf32, #tpu.memory_space<hbm>> -> memref<13000000xf32, #tpu.memory_space<hbm>>
      tpu.wait_indirect_dma semaphore(%arg12 : memref<!tpu.dma_semaphore, #tpu.memory_space<semaphore_mem>>) src(%dma_wait3A_132 : memref<13000000xf32, #tpu.memory_space<hbm>>) dst(%dma_wait3A_128 : memref<1664xf32, #tpu.memory_space<vmem>>)
      %scan3A_133 = arith.constant 0 : i32
      %scan3A_134 = arith.constant 4 : i32
      %scan3A_135 = arith.addi %scan3A_133, %scan3A_134 : i32
      %scan3A_136 = arith.constant 1 : i32
      scf.for %scan3A_143 = %scan3A_133 to %scan3A_135 step %scan3A_136  : i32 {
        %mul3A_144 = arith.constant 16 : i32
        %mul3A_145 = arith.muli %scan3A_143, %mul3A_144 : i32
        %add3A_146 = vector.broadcast %mul3A_145 : i32 to vector<16xi32>
        %add3A_147 = arith.addi %add3A_146, %iota3A : vector<16xi32>
        %mul3A_148 = arith.constant 26 : i32
        %mul3A_149 = vector.broadcast %mul3A_148 : i32 to vector<16xi32>
        %mul3A_150 = arith.muli %add3A_147, %mul3A_149 : vector<16xi32>
        %add3A_151 = arith.constant 0 : i32
        %add3A_152 = vector.broadcast %add3A_151 : i32 to vector<16xi32>
        %add3A_153 = arith.addi %mul3A_150, %add3A_152 : vector<16xi32>
        %gather3A = tpu.vector_load_idx %arg9[%add3A_153] : memref<16640xf32, #tpu.memory_space<vmem>>[vector<16xi32>], vector<16xf32>,
        %add3A_154 = arith.constant 1 : i32
        %add3A_155 = vector.broadcast %add3A_154 : i32 to vector<16xi32>
        %add3A_156 = arith.addi %mul3A_150, %add3A_155 : vector<16xi32>
        %gather3A_157 = tpu.vector_load_idx %arg9[%add3A_156] : memref<16640xf32, #tpu.memory_space<vmem>>[vector<16xi32>], vector<16xf32>,
        %add3A_158 = arith.addf %gather3A, %gather3A_157 : vector<16xf32>
        %add3A_159 = arith.constant 2 : i32
        %add3A_160 = vector.broadcast %add3A_159 : i32 to vector<16xi32>
        %add3A_161 = arith.addi %mul3A_150, %add3A_160 : vector<16xi32>
        %gather3A_162 = tpu.vector_load_idx %arg9[%add3A_161] : memref<16640xf32, #tpu.memory_space<vmem>>[vector<16xi32>], vector<16xf32>,
        %add3A_163 = arith.addf %add3A_158, %gather3A_162 : vector<16xf32>
        %add3A_164 = arith.constant 3 : i32
        %add3A_165 = vector.broadcast %add3A_164 : i32 to vector<16xi32>
        %add3A_166 = arith.addi %mul3A_150, %add3A_165 : vector<16xi32>
        %gather3A_167 = tpu.vector_load_idx %arg9[%add3A_166] : memref<16640xf32, #tpu.memory_space<vmem>>[vector<16xi32>], vector<16xf32>,
        %add3A_168 = arith.addf %add3A_163, %gather3A_167 : vector<16xf32>
        %add3A_169 = arith.constant 4 : i32
        %add3A_170 = vector.broadcast %add3A_169 : i32 to vector<16xi32>
        %add3A_171 = arith.addi %mul3A_150, %add3A_170 : vector<16xi32>
        %gather3A_172 = tpu.vector_load_idx %arg9[%add3A_171] : memref<16640xf32, #tpu.memory_space<vmem>>[vector<16xi32>], vector<16xf32>,
        %add3A_173 = arith.addf %add3A_168, %gather3A_172 : vector<16xf32>
        %add3A_174 = arith.constant 5 : i32
        %add3A_175 = vector.broadcast %add3A_174 : i32 to vector<16xi32>
        %add3A_176 = arith.addi %mul3A_150, %add3A_175 : vector<16xi32>
        %gather3A_177 = tpu.vector_load_idx %arg9[%add3A_176] : memref<16640xf32, #tpu.memory_space<vmem>>[vector<16xi32>], vector<16xf32>,
        %add3A_178 = arith.addf %add3A_173, %gather3A_177 : vector<16xf32>
        %add3A_179 = arith.constant 6 : i32
        %add3A_180 = vector.broadcast %add3A_179 : i32 to vector<16xi32>
        %add3A_181 = arith.addi %mul3A_150, %add3A_180 : vector<16xi32>
        %gather3A_182 = tpu.vector_load_idx %arg9[%add3A_181] : memref<16640xf32, #tpu.memory_space<vmem>>[vector<16xi32>], vector<16xf32>,
        %add3A_183 = arith.addf %add3A_178, %gather3A_182 : vector<16xf32>
        %add3A_184 = arith.constant 7 : i32
        %add3A_185 = vector.broadcast %add3A_184 : i32 to vector<16xi32>
        %add3A_186 = arith.addi %mul3A_150, %add3A_185 : vector<16xi32>
        %gather3A_187 = tpu.vector_load_idx %arg9[%add3A_186] : memref<16640xf32, #tpu.memory_space<vmem>>[vector<16xi32>], vector<16xf32>,
        %add3A_188 = arith.addf %add3A_183, %gather3A_187 : vector<16xf32>
        %add3A_189 = arith.constant 8 : i32
        %add3A_190 = vector.broadcast %add3A_189 : i32 to vector<16xi32>
        %add3A_191 = arith.addi %mul3A_150, %add3A_190 : vector<16xi32>
        %gather3A_192 = tpu.vector_load_idx %arg9[%add3A_191] : memref<16640xf32, #tpu.memory_space<vmem>>[vector<16xi32>], vector<16xf32>,
        %add3A_193 = arith.addf %add3A_188, %gather3A_192 : vector<16xf32>
        %add3A_194 = arith.constant 9 : i32
        %add3A_195 = vector.broadcast %add3A_194 : i32 to vector<16xi32>
        %add3A_196 = arith.addi %mul3A_150, %add3A_195 : vector<16xi32>
        %gather3A_197 = tpu.vector_load_idx %arg9[%add3A_196] : memref<16640xf32, #tpu.memory_space<vmem>>[vector<16xi32>], vector<16xf32>,
        %add3A_198 = arith.addf %add3A_193, %gather3A_197 : vector<16xf32>
        %add3A_199 = arith.constant 10 : i32
        %add3A_200 = vector.broadcast %add3A_199 : i32 to vector<16xi32>
        %add3A_201 = arith.addi %mul3A_150, %add3A_200 : vector<16xi32>
        %gather3A_202 = tpu.vector_load_idx %arg9[%add3A_201] : memref<16640xf32, #tpu.memory_space<vmem>>[vector<16xi32>], vector<16xf32>,
        %add3A_203 = arith.addf %add3A_198, %gather3A_202 : vector<16xf32>
        %add3A_204 = arith.constant 11 : i32
        %add3A_205 = vector.broadcast %add3A_204 : i32 to vector<16xi32>
        %add3A_206 = arith.addi %mul3A_150, %add3A_205 : vector<16xi32>
        %gather3A_207 = tpu.vector_load_idx %arg9[%add3A_206] : memref<16640xf32, #tpu.memory_space<vmem>>[vector<16xi32>], vector<16xf32>,
        %add3A_208 = arith.addf %add3A_203, %gather3A_207 : vector<16xf32>
        %add3A_209 = arith.constant 12 : i32
        %add3A_210 = vector.broadcast %add3A_209 : i32 to vector<16xi32>
        %add3A_211 = arith.addi %mul3A_150, %add3A_210 : vector<16xi32>
        %gather3A_212 = tpu.vector_load_idx %arg9[%add3A_211] : memref<16640xf32, #tpu.memory_space<vmem>>[vector<16xi32>], vector<16xf32>,
        %add3A_213 = arith.addf %add3A_208, %gather3A_212 : vector<16xf32>
        %add3A_214 = arith.constant 13 : i32
        %add3A_215 = vector.broadcast %add3A_214 : i32 to vector<16xi32>
        %add3A_216 = arith.addi %mul3A_150, %add3A_215 : vector<16xi32>
        %gather3A_217 = tpu.vector_load_idx %arg9[%add3A_216] : memref<16640xf32, #tpu.memory_space<vmem>>[vector<16xi32>], vector<16xf32>,
        %add3A_218 = arith.addf %add3A_213, %gather3A_217 : vector<16xf32>
        %add3A_219 = arith.constant 14 : i32
        %add3A_220 = vector.broadcast %add3A_219 : i32 to vector<16xi32>
        %add3A_221 = arith.addi %mul3A_150, %add3A_220 : vector<16xi32>
        %gather3A_222 = tpu.vector_load_idx %arg9[%add3A_221] : memref<16640xf32, #tpu.memory_space<vmem>>[vector<16xi32>], vector<16xf32>,
        %add3A_223 = arith.addf %add3A_218, %gather3A_222 : vector<16xf32>
        %add3A_224 = arith.constant 15 : i32
        %add3A_225 = vector.broadcast %add3A_224 : i32 to vector<16xi32>
        %add3A_226 = arith.addi %mul3A_150, %add3A_225 : vector<16xi32>
        %gather3A_227 = tpu.vector_load_idx %arg9[%add3A_226] : memref<16640xf32, #tpu.memory_space<vmem>>[vector<16xi32>], vector<16xf32>,
        %add3A_228 = arith.addf %add3A_223, %gather3A_227 : vector<16xf32>
        %add3A_229 = arith.constant 16 : i32
        %add3A_230 = vector.broadcast %add3A_229 : i32 to vector<16xi32>
        %add3A_231 = arith.addi %mul3A_150, %add3A_230 : vector<16xi32>
        %gather3A_232 = tpu.vector_load_idx %arg9[%add3A_231] : memref<16640xf32, #tpu.memory_space<vmem>>[vector<16xi32>], vector<16xf32>,
        %add3A_233 = arith.addf %add3A_228, %gather3A_232 : vector<16xf32>
        %add3A_234 = arith.constant 17 : i32
        %add3A_235 = vector.broadcast %add3A_234 : i32 to vector<16xi32>
        %add3A_236 = arith.addi %mul3A_150, %add3A_235 : vector<16xi32>
        %gather3A_237 = tpu.vector_load_idx %arg9[%add3A_236] : memref<16640xf32, #tpu.memory_space<vmem>>[vector<16xi32>], vector<16xf32>,
        %add3A_238 = arith.addf %add3A_233, %gather3A_237 : vector<16xf32>
        %add3A_239 = arith.constant 18 : i32
        %add3A_240 = vector.broadcast %add3A_239 : i32 to vector<16xi32>
        %add3A_241 = arith.addi %mul3A_150, %add3A_240 : vector<16xi32>
        %gather3A_242 = tpu.vector_load_idx %arg9[%add3A_241] : memref<16640xf32, #tpu.memory_space<vmem>>[vector<16xi32>], vector<16xf32>,
        %add3A_243 = arith.addf %add3A_238, %gather3A_242 : vector<16xf32>
        %add3A_244 = arith.constant 19 : i32
        %add3A_245 = vector.broadcast %add3A_244 : i32 to vector<16xi32>
        %add3A_246 = arith.addi %mul3A_150, %add3A_245 : vector<16xi32>
        %gather3A_247 = tpu.vector_load_idx %arg9[%add3A_246] : memref<16640xf32, #tpu.memory_space<vmem>>[vector<16xi32>], vector<16xf32>,
        %add3A_248 = arith.addf %add3A_243, %gather3A_247 : vector<16xf32>
        %add3A_249 = arith.constant 20 : i32
        %add3A_250 = vector.broadcast %add3A_249 : i32 to vector<16xi32>
        %add3A_251 = arith.addi %mul3A_150, %add3A_250 : vector<16xi32>
        %gather3A_252 = tpu.vector_load_idx %arg9[%add3A_251] : memref<16640xf32, #tpu.memory_space<vmem>>[vector<16xi32>], vector<16xf32>,
        %add3A_253 = arith.addf %add3A_248, %gather3A_252 : vector<16xf32>
        %add3A_254 = arith.constant 21 : i32
        %add3A_255 = vector.broadcast %add3A_254 : i32 to vector<16xi32>
        %add3A_256 = arith.addi %mul3A_150, %add3A_255 : vector<16xi32>
        %gather3A_257 = tpu.vector_load_idx %arg9[%add3A_256] : memref<16640xf32, #tpu.memory_space<vmem>>[vector<16xi32>], vector<16xf32>,
        %add3A_258 = arith.addf %add3A_253, %gather3A_257 : vector<16xf32>
        %add3A_259 = arith.constant 22 : i32
        %add3A_260 = vector.broadcast %add3A_259 : i32 to vector<16xi32>
        %add3A_261 = arith.addi %mul3A_150, %add3A_260 : vector<16xi32>
        %gather3A_262 = tpu.vector_load_idx %arg9[%add3A_261] : memref<16640xf32, #tpu.memory_space<vmem>>[vector<16xi32>], vector<16xf32>,
        %add3A_263 = arith.addf %add3A_258, %gather3A_262 : vector<16xf32>
        %add3A_264 = arith.constant 23 : i32
        %add3A_265 = vector.broadcast %add3A_264 : i32 to vector<16xi32>
        %add3A_266 = arith.addi %mul3A_150, %add3A_265 : vector<16xi32>
        %gather3A_267 = tpu.vector_load_idx %arg9[%add3A_266] : memref<16640xf32, #tpu.memory_space<vmem>>[vector<16xi32>], vector<16xf32>,
        %add3A_268 = arith.addf %add3A_263, %gather3A_267 : vector<16xf32>
        %add3A_269 = arith.constant 24 : i32
        %add3A_270 = vector.broadcast %add3A_269 : i32 to vector<16xi32>
        %add3A_271 = arith.addi %mul3A_150, %add3A_270 : vector<16xi32>
        %gather3A_272 = tpu.vector_load_idx %arg9[%add3A_271] : memref<16640xf32, #tpu.memory_space<vmem>>[vector<16xi32>], vector<16xf32>,
        %add3A_273 = arith.addf %add3A_268, %gather3A_272 : vector<16xf32>
        %add3A_274 = arith.constant 25 : i32
        %add3A_275 = vector.broadcast %add3A_274 : i32 to vector<16xi32>
        %add3A_276 = arith.addi %mul3A_150, %add3A_275 : vector<16xi32>
        %gather3A_277 = tpu.vector_load_idx %arg9[%add3A_276] : memref<16640xf32, #tpu.memory_space<vmem>>[vector<16xi32>], vector<16xf32>,
        %add3A_278 = arith.addf %add3A_273, %gather3A_277 : vector<16xf32>
        %add3A_279 = arith.constant 1664 : i32
        %add3A_280 = vector.broadcast %add3A_279 : i32 to vector<16xi32>
        %add3A_281 = arith.addi %mul3A_150, %add3A_280 : vector<16xi32>
        %gather3A_282 = tpu.vector_load_idx %arg9[%add3A_281] : memref<16640xf32, #tpu.memory_space<vmem>>[vector<16xi32>], vector<16xf32>,
        %add3A_283 = arith.constant 1665 : i32
        %add3A_284 = vector.broadcast %add3A_283 : i32 to vector<16xi32>
        %add3A_285 = arith.addi %mul3A_150, %add3A_284 : vector<16xi32>
        %gather3A_286 = tpu.vector_load_idx %arg9[%add3A_285] : memref<16640xf32, #tpu.memory_space<vmem>>[vector<16xi32>], vector<16xf32>,
        %add3A_287 = arith.addf %gather3A_282, %gather3A_286 : vector<16xf32>
        %add3A_288 = arith.constant 1666 : i32
        %add3A_289 = vector.broadcast %add3A_288 : i32 to vector<16xi32>
        %add3A_290 = arith.addi %mul3A_150, %add3A_289 : vector<16xi32>
        %gather3A_291 = tpu.vector_load_idx %arg9[%add3A_290] : memref<16640xf32, #tpu.memory_space<vmem>>[vector<16xi32>], vector<16xf32>,
        %add3A_292 = arith.addf %add3A_287, %gather3A_291 : vector<16xf32>
        %add3A_293 = arith.constant 1667 : i32
        %add3A_294 = vector.broadcast %add3A_293 : i32 to vector<16xi32>
        %add3A_295 = arith.addi %mul3A_150, %add3A_294 : vector<16xi32>
        %gather3A_296 = tpu.vector_load_idx %arg9[%add3A_295] : memref<16640xf32, #tpu.memory_space<vmem>>[vector<16xi32>], vector<16xf32>,
        %add3A_297 = arith.addf %add3A_292, %gather3A_296 : vector<16xf32>
        %add3A_298 = arith.constant 1668 : i32
        %add3A_299 = vector.broadcast %add3A_298 : i32 to vector<16xi32>
        %add3A_300 = arith.addi %mul3A_150, %add3A_299 : vector<16xi32>
        %gather3A_301 = tpu.vector_load_idx %arg9[%add3A_300] : memref<16640xf32, #tpu.memory_space<vmem>>[vector<16xi32>], vector<16xf32>,
        %add3A_302 = arith.addf %add3A_297, %gather3A_301 : vector<16xf32>
        %add3A_303 = arith.constant 1669 : i32
        %add3A_304 = vector.broadcast %add3A_303 : i32 to vector<16xi32>
        %add3A_305 = arith.addi %mul3A_150, %add3A_304 : vector<16xi32>
        %gather3A_306 = tpu.vector_load_idx %arg9[%add3A_305] : memref<16640xf32, #tpu.memory_space<vmem>>[vector<16xi32>], vector<16xf32>,
        %add3A_307 = arith.addf %add3A_302, %gather3A_306 : vector<16xf32>
        %add3A_308 = arith.constant 1670 : i32
        %add3A_309 = vector.broadcast %add3A_308 : i32 to vector<16xi32>
        %add3A_310 = arith.addi %mul3A_150, %add3A_309 : vector<16xi32>
        %gather3A_311 = tpu.vector_load_idx %arg9[%add3A_310] : memref<16640xf32, #tpu.memory_space<vmem>>[vector<16xi32>], vector<16xf32>,
        %add3A_312 = arith.addf %add3A_307, %gather3A_311 : vector<16xf32>
        %add3A_313 = arith.constant 1671 : i32
        %add3A_314 = vector.broadcast %add3A_313 : i32 to vector<16xi32>
        %add3A_315 = arith.addi %mul3A_150, %add3A_314 : vector<16xi32>
        %gather3A_316 = tpu.vector_load_idx %arg9[%add3A_315] : memref<16640xf32, #tpu.memory_space<vmem>>[vector<16xi32>], vector<16xf32>,
        %add3A_317 = arith.addf %add3A_312, %gather3A_316 : vector<16xf32>
        %add3A_318 = arith.constant 1672 : i32
        %add3A_319 = vector.broadcast %add3A_318 : i32 to vector<16xi32>
        %add3A_320 = arith.addi %mul3A_150, %add3A_319 : vector<16xi32>
        %gather3A_321 = tpu.vector_load_idx %arg9[%add3A_320] : memref<16640xf32, #tpu.memory_space<vmem>>[vector<16xi32>], vector<16xf32>,
        %add3A_322 = arith.addf %add3A_317, %gather3A_321 : vector<16xf32>
        %add3A_323 = arith.constant 1673 : i32
        %add3A_324 = vector.broadcast %add3A_323 : i32 to vector<16xi32>
        %add3A_325 = arith.addi %mul3A_150, %add3A_324 : vector<16xi32>
        %gather3A_326 = tpu.vector_load_idx %arg9[%add3A_325] : memref<16640xf32, #tpu.memory_space<vmem>>[vector<16xi32>], vector<16xf32>,
        %add3A_327 = arith.addf %add3A_322, %gather3A_326 : vector<16xf32>
        %add3A_328 = arith.constant 1674 : i32
        %add3A_329 = vector.broadcast %add3A_328 : i32 to vector<16xi32>
        %add3A_330 = arith.addi %mul3A_150, %add3A_329 : vector<16xi32>
        %gather3A_331 = tpu.vector_load_idx %arg9[%add3A_330] : memref<16640xf32, #tpu.memory_space<vmem>>[vector<16xi32>], vector<16xf32>,
        %add3A_332 = arith.addf %add3A_327, %gather3A_331 : vector<16xf32>
        %add3A_333 = arith.constant 1675 : i32
        %add3A_334 = vector.broadcast %add3A_333 : i32 to vector<16xi32>
        %add3A_335 = arith.addi %mul3A_150, %add3A_334 : vector<16xi32>
        %gather3A_336 = tpu.vector_load_idx %arg9[%add3A_335] : memref<16640xf32, #tpu.memory_space<vmem>>[vector<16xi32>], vector<16xf32>,
        %add3A_337 = arith.addf %add3A_332, %gather3A_336 : vector<16xf32>
        %add3A_338 = arith.constant 1676 : i32
        %add3A_339 = vector.broadcast %add3A_338 : i32 to vector<16xi32>
        %add3A_340 = arith.addi %mul3A_150, %add3A_339 : vector<16xi32>
        %gather3A_341 = tpu.vector_load_idx %arg9[%add3A_340] : memref<16640xf32, #tpu.memory_space<vmem>>[vector<16xi32>], vector<16xf32>,
        %add3A_342 = arith.addf %add3A_337, %gather3A_341 : vector<16xf32>
        %add3A_343 = arith.constant 1677 : i32
        %add3A_344 = vector.broadcast %add3A_343 : i32 to vector<16xi32>
        %add3A_345 = arith.addi %mul3A_150, %add3A_344 : vector<16xi32>
        %gather3A_346 = tpu.vector_load_idx %arg9[%add3A_345] : memref<16640xf32, #tpu.memory_space<vmem>>[vector<16xi32>], vector<16xf32>,
        %add3A_347 = arith.addf %add3A_342, %gather3A_346 : vector<16xf32>
        %add3A_348 = arith.constant 1678 : i32
        %add3A_349 = vector.broadcast %add3A_348 : i32 to vector<16xi32>
        %add3A_350 = arith.addi %mul3A_150, %add3A_349 : vector<16xi32>
        %gather3A_351 = tpu.vector_load_idx %arg9[%add3A_350] : memref<16640xf32, #tpu.memory_space<vmem>>[vector<16xi32>], vector<16xf32>,
        %add3A_352 = arith.addf %add3A_347, %gather3A_351 : vector<16xf32>
        %add3A_353 = arith.constant 1679 : i32
        %add3A_354 = vector.broadcast %add3A_353 : i32 to vector<16xi32>
        %add3A_355 = arith.addi %mul3A_150, %add3A_354 : vector<16xi32>
        %gather3A_356 = tpu.vector_load_idx %arg9[%add3A_355] : memref<16640xf32, #tpu.memory_space<vmem>>[vector<16xi32>], vector<16xf32>,
        %add3A_357 = arith.addf %add3A_352, %gather3A_356 : vector<16xf32>
        %add3A_358 = arith.constant 1680 : i32
        %add3A_359 = vector.broadcast %add3A_358 : i32 to vector<16xi32>
        %add3A_360 = arith.addi %mul3A_150, %add3A_359 : vector<16xi32>
        %gather3A_361 = tpu.vector_load_idx %arg9[%add3A_360] : memref<16640xf32, #tpu.memory_space<vmem>>[vector<16xi32>], vector<16xf32>,
        %add3A_362 = arith.addf %add3A_357, %gather3A_361 : vector<16xf32>
        %add3A_363 = arith.constant 1681 : i32
        %add3A_364 = vector.broadcast %add3A_363 : i32 to vector<16xi32>
        %add3A_365 = arith.addi %mul3A_150, %add3A_364 : vector<16xi32>
        %gather3A_366 = tpu.vector_load_idx %arg9[%add3A_365] : memref<16640xf32, #tpu.memory_space<vmem>>[vector<16xi32>], vector<16xf32>,
        %add3A_367 = arith.addf %add3A_362, %gather3A_366 : vector<16xf32>
        %add3A_368 = arith.constant 1682 : i32
        %add3A_369 = vector.broadcast %add3A_368 : i32 to vector<16xi32>
        %add3A_370 = arith.addi %mul3A_150, %add3A_369 : vector<16xi32>
        %gather3A_371 = tpu.vector_load_idx %arg9[%add3A_370] : memref<16640xf32, #tpu.memory_space<vmem>>[vector<16xi32>], vector<16xf32>,
        %add3A_372 = arith.addf %add3A_367, %gather3A_371 : vector<16xf32>
        %add3A_373 = arith.constant 1683 : i32
        %add3A_374 = vector.broadcast %add3A_373 : i32 to vector<16xi32>
        %add3A_375 = arith.addi %mul3A_150, %add3A_374 : vector<16xi32>
        %gather3A_376 = tpu.vector_load_idx %arg9[%add3A_375] : memref<16640xf32, #tpu.memory_space<vmem>>[vector<16xi32>], vector<16xf32>,
        %add3A_377 = arith.addf %add3A_372, %gather3A_376 : vector<16xf32>
        %add3A_378 = arith.constant 1684 : i32
        %add3A_379 = vector.broadcast %add3A_378 : i32 to vector<16xi32>
        %add3A_380 = arith.addi %mul3A_150, %add3A_379 : vector<16xi32>
        %gather3A_381 = tpu.vector_load_idx %arg9[%add3A_380] : memref<16640xf32, #tpu.memory_space<vmem>>[vector<16xi32>], vector<16xf32>,
        %add3A_382 = arith.addf %add3A_377, %gather3A_381 : vector<16xf32>
        %add3A_383 = arith.constant 1685 : i32
        %add3A_384 = vector.broadcast %add3A_383 : i32 to vector<16xi32>
        %add3A_385 = arith.addi %mul3A_150, %add3A_384 : vector<16xi32>
        %gather3A_386 = tpu.vector_load_idx %arg9[%add3A_385] : memref<16640xf32, #tpu.memory_space<vmem>>[vector<16xi32>], vector<16xf32>,
        %add3A_387 = arith.addf %add3A_382, %gather3A_386 : vector<16xf32>
        %add3A_388 = arith.constant 1686 : i32
        %add3A_389 = vector.broadcast %add3A_388 : i32 to vector<16xi32>
        %add3A_390 = arith.addi %mul3A_150, %add3A_389 : vector<16xi32>
        %gather3A_391 = tpu.vector_load_idx %arg9[%add3A_390] : memref<16640xf32, #tpu.memory_space<vmem>>[vector<16xi32>], vector<16xf32>,
        %add3A_392 = arith.addf %add3A_387, %gather3A_391 : vector<16xf32>
        %add3A_393 = arith.constant 1687 : i32
        %add3A_394 = vector.broadcast %add3A_393 : i32 to vector<16xi32>
        %add3A_395 = arith.addi %mul3A_150, %add3A_394 : vector<16xi32>
        %gather3A_396 = tpu.vector_load_idx %arg9[%add3A_395] : memref<16640xf32, #tpu.memory_space<vmem>>[vector<16xi32>], vector<16xf32>,
        %add3A_397 = arith.addf %add3A_392, %gather3A_396 : vector<16xf32>
        %add3A_398 = arith.constant 1688 : i32
        %add3A_399 = vector.broadcast %add3A_398 : i32 to vector<16xi32>
        %add3A_400 = arith.addi %mul3A_150, %add3A_399 : vector<16xi32>
        %gather3A_401 = tpu.vector_load_idx %arg9[%add3A_400] : memref<16640xf32, #tpu.memory_space<vmem>>[vector<16xi32>], vector<16xf32>,
        %add3A_402 = arith.addf %add3A_397, %gather3A_401 : vector<16xf32>
        %add3A_403 = arith.constant 1689 : i32
        %add3A_404 = vector.broadcast %add3A_403 : i32 to vector<16xi32>
        %add3A_405 = arith.addi %mul3A_150, %add3A_404 : vector<16xi32>
        %gather3A_406 = tpu.vector_load_idx %arg9[%add3A_405] : memref<16640xf32, #tpu.memory_space<vmem>>[vector<16xi32>], vector<16xf32>,
        %add3A_407 = arith.addf %add3A_402, %gather3A_406 : vector<16xf32>
        %add3A_408 = arith.constant 3328 : i32
        %add3A_409 = vector.broadcast %add3A_408 : i32 to vector<16xi32>
        %add3A_410 = arith.addi %mul3A_150, %add3A_409 : vector<16xi32>
        %gather3A_411 = tpu.vector_load_idx %arg9[%add3A_410] : memref<16640xf32, #tpu.memory_space<vmem>>[vector<16xi32>], vector<16xf32>,
        %add3A_412 = arith.constant 3329 : i32
        %add3A_413 = vector.broadcast %add3A_412 : i32 to vector<16xi32>
        %add3A_414 = arith.addi %mul3A_150, %add3A_413 : vector<16xi32>
        %gather3A_415 = tpu.vector_load_idx %arg9[%add3A_414] : memref<16640xf32, #tpu.memory_space<vmem>>[vector<16xi32>], vector<16xf32>,
        %add3A_416 = arith.addf %gather3A_411, %gather3A_415 : vector<16xf32>
        %add3A_417 = arith.constant 3330 : i32
        %add3A_418 = vector.broadcast %add3A_417 : i32 to vector<16xi32>
        %add3A_419 = arith.addi %mul3A_150, %add3A_418 : vector<16xi32>
        %gather3A_420 = tpu.vector_load_idx %arg9[%add3A_419] : memref<16640xf32, #tpu.memory_space<vmem>>[vector<16xi32>], vector<16xf32>,
        %add3A_421 = arith.addf %add3A_416, %gather3A_420 : vector<16xf32>
        %add3A_422 = arith.constant 3331 : i32
        %add3A_423 = vector.broadcast %add3A_422 : i32 to vector<16xi32>
        %add3A_424 = arith.addi %mul3A_150, %add3A_423 : vector<16xi32>
        %gather3A_425 = tpu.vector_load_idx %arg9[%add3A_424] : memref<16640xf32, #tpu.memory_space<vmem>>[vector<16xi32>], vector<16xf32>,
        %add3A_426 = arith.addf %add3A_421, %gather3A_425 : vector<16xf32>
        %add3A_427 = arith.constant 3332 : i32
        %add3A_428 = vector.broadcast %add3A_427 : i32 to vector<16xi32>
        %add3A_429 = arith.addi %mul3A_150, %add3A_428 : vector<16xi32>
        %gather3A_430 = tpu.vector_load_idx %arg9[%add3A_429] : memref<16640xf32, #tpu.memory_space<vmem>>[vector<16xi32>], vector<16xf32>,
        %add3A_431 = arith.addf %add3A_426, %gather3A_430 : vector<16xf32>
        %add3A_432 = arith.constant 3333 : i32
        %add3A_433 = vector.broadcast %add3A_432 : i32 to vector<16xi32>
        %add3A_434 = arith.addi %mul3A_150, %add3A_433 : vector<16xi32>
        %gather3A_435 = tpu.vector_load_idx %arg9[%add3A_434] : memref<16640xf32, #tpu.memory_space<vmem>>[vector<16xi32>], vector<16xf32>,
        %add3A_436 = arith.addf %add3A_431, %gather3A_435 : vector<16xf32>
        %add3A_437 = arith.constant 3334 : i32
        %add3A_438 = vector.broadcast %add3A_437 : i32 to vector<16xi32>
        %add3A_439 = arith.addi %mul3A_150, %add3A_438 : vector<16xi32>
        %gather3A_440 = tpu.vector_load_idx %arg9[%add3A_439] : memref<16640xf32, #tpu.memory_space<vmem>>[vector<16xi32>], vector<16xf32>,
        %add3A_441 = arith.addf %add3A_436, %gather3A_440 : vector<16xf32>
        %add3A_442 = arith.constant 3335 : i32
        %add3A_443 = vector.broadcast %add3A_442 : i32 to vector<16xi32>
        %add3A_444 = arith.addi %mul3A_150, %add3A_443 : vector<16xi32>
        %gather3A_445 = tpu.vector_load_idx %arg9[%add3A_444] : memref<16640xf32, #tpu.memory_space<vmem>>[vector<16xi32>], vector<16xf32>,
        %add3A_446 = arith.addf %add3A_441, %gather3A_445 : vector<16xf32>
        %add3A_447 = arith.constant 3336 : i32
        %add3A_448 = vector.broadcast %add3A_447 : i32 to vector<16xi32>
        %add3A_449 = arith.addi %mul3A_150, %add3A_448 : vector<16xi32>
        %gather3A_450 = tpu.vector_load_idx %arg9[%add3A_449] : memref<16640xf32, #tpu.memory_space<vmem>>[vector<16xi32>], vector<16xf32>,
        %add3A_451 = arith.addf %add3A_446, %gather3A_450 : vector<16xf32>
        %add3A_452 = arith.constant 3337 : i32
        %add3A_453 = vector.broadcast %add3A_452 : i32 to vector<16xi32>
        %add3A_454 = arith.addi %mul3A_150, %add3A_453 : vector<16xi32>
        %gather3A_455 = tpu.vector_load_idx %arg9[%add3A_454] : memref<16640xf32, #tpu.memory_space<vmem>>[vector<16xi32>], vector<16xf32>,
        %add3A_456 = arith.addf %add3A_451, %gather3A_455 : vector<16xf32>
        %add3A_457 = arith.constant 3338 : i32
        %add3A_458 = vector.broadcast %add3A_457 : i32 to vector<16xi32>
        %add3A_459 = arith.addi %mul3A_150, %add3A_458 : vector<16xi32>
        %gather3A_460 = tpu.vector_load_idx %arg9[%add3A_459] : memref<16640xf32, #tpu.memory_space<vmem>>[vector<16xi32>], vector<16xf32>,
        %add3A_461 = arith.addf %add3A_456, %gather3A_460 : vector<16xf32>
        %add3A_462 = arith.constant 3339 : i32
        %add3A_463 = vector.broadcast %add3A_462 : i32 to vector<16xi32>
        %add3A_464 = arith.addi %mul3A_150, %add3A_463 : vector<16xi32>
        %gather3A_465 = tpu.vector_load_idx %arg9[%add3A_464] : memref<16640xf32, #tpu.memory_space<vmem>>[vector<16xi32>], vector<16xf32>,
        %add3A_466 = arith.addf %add3A_461, %gather3A_465 : vector<16xf32>
        %add3A_467 = arith.constant 3340 : i32
        %add3A_468 = vector.broadcast %add3A_467 : i32 to vector<16xi32>
        %add3A_469 = arith.addi %mul3A_150, %add3A_468 : vector<16xi32>
        %gather3A_470 = tpu.vector_load_idx %arg9[%add3A_469] : memref<16640xf32, #tpu.memory_space<vmem>>[vector<16xi32>], vector<16xf32>,
        %add3A_471 = arith.addf %add3A_466, %gather3A_470 : vector<16xf32>
        %add3A_472 = arith.constant 3341 : i32
        %add3A_473 = vector.broadcast %add3A_472 : i32 to vector<16xi32>
        %add3A_474 = arith.addi %mul3A_150, %add3A_473 : vector<16xi32>
        %gather3A_475 = tpu.vector_load_idx %arg9[%add3A_474] : memref<16640xf32, #tpu.memory_space<vmem>>[vector<16xi32>], vector<16xf32>,
        %add3A_476 = arith.addf %add3A_471, %gather3A_475 : vector<16xf32>
        %add3A_477 = arith.constant 3342 : i32
        %add3A_478 = vector.broadcast %add3A_477 : i32 to vector<16xi32>
        %add3A_479 = arith.addi %mul3A_150, %add3A_478 : vector<16xi32>
        %gather3A_480 = tpu.vector_load_idx %arg9[%add3A_479] : memref<16640xf32, #tpu.memory_space<vmem>>[vector<16xi32>], vector<16xf32>,
        %add3A_481 = arith.addf %add3A_476, %gather3A_480 : vector<16xf32>
        %add3A_482 = arith.constant 3343 : i32
        %add3A_483 = vector.broadcast %add3A_482 : i32 to vector<16xi32>
        %add3A_484 = arith.addi %mul3A_150, %add3A_483 : vector<16xi32>
        %gather3A_485 = tpu.vector_load_idx %arg9[%add3A_484] : memref<16640xf32, #tpu.memory_space<vmem>>[vector<16xi32>], vector<16xf32>,
        %add3A_486 = arith.addf %add3A_481, %gather3A_485 : vector<16xf32>
        %add3A_487 = arith.constant 3344 : i32
        %add3A_488 = vector.broadcast %add3A_487 : i32 to vector<16xi32>
        %add3A_489 = arith.addi %mul3A_150, %add3A_488 : vector<16xi32>
        %gather3A_490 = tpu.vector_load_idx %arg9[%add3A_489] : memref<16640xf32, #tpu.memory_space<vmem>>[vector<16xi32>], vector<16xf32>,
        %add3A_491 = arith.addf %add3A_486, %gather3A_490 : vector<16xf32>
        %add3A_492 = arith.constant 3345 : i32
        %add3A_493 = vector.broadcast %add3A_492 : i32 to vector<16xi32>
        %add3A_494 = arith.addi %mul3A_150, %add3A_493 : vector<16xi32>
        %gather3A_495 = tpu.vector_load_idx %arg9[%add3A_494] : memref<16640xf32, #tpu.memory_space<vmem>>[vector<16xi32>], vector<16xf32>,
        %add3A_496 = arith.addf %add3A_491, %gather3A_495 : vector<16xf32>
        %add3A_497 = arith.constant 3346 : i32
        %add3A_498 = vector.broadcast %add3A_497 : i32 to vector<16xi32>
        %add3A_499 = arith.addi %mul3A_150, %add3A_498 : vector<16xi32>
        %gather3A_500 = tpu.vector_load_idx %arg9[%add3A_499] : memref<16640xf32, #tpu.memory_space<vmem>>[vector<16xi32>], vector<16xf32>,
        %add3A_501 = arith.addf %add3A_496, %gather3A_500 : vector<16xf32>
        %add3A_502 = arith.constant 3347 : i32
        %add3A_503 = vector.broadcast %add3A_502 : i32 to vector<16xi32>
        %add3A_504 = arith.addi %mul3A_150, %add3A_503 : vector<16xi32>
        %gather3A_505 = tpu.vector_load_idx %arg9[%add3A_504] : memref<16640xf32, #tpu.memory_space<vmem>>[vector<16xi32>], vector<16xf32>,
        %add3A_506 = arith.addf %add3A_501, %gather3A_505 : vector<16xf32>
        %add3A_507 = arith.constant 3348 : i32
        %add3A_508 = vector.broadcast %add3A_507 : i32 to vector<16xi32>
        %add3A_509 = arith.addi %mul3A_150, %add3A_508 : vector<16xi32>
        %gather3A_510 = tpu.vector_load_idx %arg9[%add3A_509] : memref<16640xf32, #tpu.memory_space<vmem>>[vector<16xi32>], vector<16xf32>,
        %add3A_511 = arith.addf %add3A_506, %gather3A_510 : vector<16xf32>
        %add3A_512 = arith.constant 3349 : i32
        %add3A_513 = vector.broadcast %add3A_512 : i32 to vector<16xi32>
        %add3A_514 = arith.addi %mul3A_150, %add3A_513 : vector<16xi32>
        %gather3A_515 = tpu.vector_load_idx %arg9[%add3A_514] : memref<16640xf32, #tpu.memory_space<vmem>>[vector<16xi32>], vector<16xf32>,
        %add3A_516 = arith.addf %add3A_511, %gather3A_515 : vector<16xf32>
        %add3A_517 = arith.constant 3350 : i32
        %add3A_518 = vector.broadcast %add3A_517 : i32 to vector<16xi32>
        %add3A_519 = arith.addi %mul3A_150, %add3A_518 : vector<16xi32>
        %gather3A_520 = tpu.vector_load_idx %arg9[%add3A_519] : memref<16640xf32, #tpu.memory_space<vmem>>[vector<16xi32>], vector<16xf32>,
        %add3A_521 = arith.addf %add3A_516, %gather3A_520 : vector<16xf32>
        %add3A_522 = arith.constant 3351 : i32
        %add3A_523 = vector.broadcast %add3A_522 : i32 to vector<16xi32>
        %add3A_524 = arith.addi %mul3A_150, %add3A_523 : vector<16xi32>
        %gather3A_525 = tpu.vector_load_idx %arg9[%add3A_524] : memref<16640xf32, #tpu.memory_space<vmem>>[vector<16xi32>], vector<16xf32>,
        %add3A_526 = arith.addf %add3A_521, %gather3A_525 : vector<16xf32>
        %add3A_527 = arith.constant 3352 : i32
        %add3A_528 = vector.broadcast %add3A_527 : i32 to vector<16xi32>
        %add3A_529 = arith.addi %mul3A_150, %add3A_528 : vector<16xi32>
        %gather3A_530 = tpu.vector_load_idx %arg9[%add3A_529] : memref<16640xf32, #tpu.memory_space<vmem>>[vector<16xi32>], vector<16xf32>,
        %add3A_531 = arith.addf %add3A_526, %gather3A_530 : vector<16xf32>
        %add3A_532 = arith.constant 3353 : i32
        %add3A_533 = vector.broadcast %add3A_532 : i32 to vector<16xi32>
        %add3A_534 = arith.addi %mul3A_150, %add3A_533 : vector<16xi32>
        %gather3A_535 = tpu.vector_load_idx %arg9[%add3A_534] : memref<16640xf32, #tpu.memory_space<vmem>>[vector<16xi32>], vector<16xf32>,
        %add3A_536 = arith.addf %add3A_531, %gather3A_535 : vector<16xf32>
        %add3A_537 = arith.constant 4992 : i32
        %add3A_538 = vector.broadcast %add3A_537 : i32 to vector<16xi32>
        %add3A_539 = arith.addi %mul3A_150, %add3A_538 : vector<16xi32>
        %gather3A_540 = tpu.vector_load_idx %arg9[%add3A_539] : memref<16640xf32, #tpu.memory_space<vmem>>[vector<16xi32>], vector<16xf32>,
        %add3A_541 = arith.constant 4993 : i32
        %add3A_542 = vector.broadcast %add3A_541 : i32 to vector<16xi32>
        %add3A_543 = arith.addi %mul3A_150, %add3A_542 : vector<16xi32>
        %gather3A_544 = tpu.vector_load_idx %arg9[%add3A_543] : memref<16640xf32, #tpu.memory_space<vmem>>[vector<16xi32>], vector<16xf32>,
        %add3A_545 = arith.addf %gather3A_540, %gather3A_544 : vector<16xf32>
        %add3A_546 = arith.constant 4994 : i32
        %add3A_547 = vector.broadcast %add3A_546 : i32 to vector<16xi32>
        %add3A_548 = arith.addi %mul3A_150, %add3A_547 : vector<16xi32>
        %gather3A_549 = tpu.vector_load_idx %arg9[%add3A_548] : memref<16640xf32, #tpu.memory_space<vmem>>[vector<16xi32>], vector<16xf32>,
        %add3A_550 = arith.addf %add3A_545, %gather3A_549 : vector<16xf32>
        %add3A_551 = arith.constant 4995 : i32
        %add3A_552 = vector.broadcast %add3A_551 : i32 to vector<16xi32>
        %add3A_553 = arith.addi %mul3A_150, %add3A_552 : vector<16xi32>
        %gather3A_554 = tpu.vector_load_idx %arg9[%add3A_553] : memref<16640xf32, #tpu.memory_space<vmem>>[vector<16xi32>], vector<16xf32>,
        %add3A_555 = arith.addf %add3A_550, %gather3A_554 : vector<16xf32>
        %add3A_556 = arith.constant 4996 : i32
        %add3A_557 = vector.broadcast %add3A_556 : i32 to vector<16xi32>
        %add3A_558 = arith.addi %mul3A_150, %add3A_557 : vector<16xi32>
        %gather3A_559 = tpu.vector_load_idx %arg9[%add3A_558] : memref<16640xf32, #tpu.memory_space<vmem>>[vector<16xi32>], vector<16xf32>,
        %add3A_560 = arith.addf %add3A_555, %gather3A_559 : vector<16xf32>
        %add3A_561 = arith.constant 4997 : i32
        %add3A_562 = vector.broadcast %add3A_561 : i32 to vector<16xi32>
        %add3A_563 = arith.addi %mul3A_150, %add3A_562 : vector<16xi32>
        %gather3A_564 = tpu.vector_load_idx %arg9[%add3A_563] : memref<16640xf32, #tpu.memory_space<vmem>>[vector<16xi32>], vector<16xf32>,
        %add3A_565 = arith.addf %add3A_560, %gather3A_564 : vector<16xf32>
        %add3A_566 = arith.constant 4998 : i32
        %add3A_567 = vector.broadcast %add3A_566 : i32 to vector<16xi32>
        %add3A_568 = arith.addi %mul3A_150, %add3A_567 : vector<16xi32>
        %gather3A_569 = tpu.vector_load_idx %arg9[%add3A_568] : memref<16640xf32, #tpu.memory_space<vmem>>[vector<16xi32>], vector<16xf32>,
        %add3A_570 = arith.addf %add3A_565, %gather3A_569 : vector<16xf32>
        %add3A_571 = arith.constant 4999 : i32
        %add3A_572 = vector.broadcast %add3A_571 : i32 to vector<16xi32>
        %add3A_573 = arith.addi %mul3A_150, %add3A_572 : vector<16xi32>
        %gather3A_574 = tpu.vector_load_idx %arg9[%add3A_573] : memref<16640xf32, #tpu.memory_space<vmem>>[vector<16xi32>], vector<16xf32>,
        %add3A_575 = arith.addf %add3A_570, %gather3A_574 : vector<16xf32>
        %add3A_576 = arith.constant 5000 : i32
        %add3A_577 = vector.broadcast %add3A_576 : i32 to vector<16xi32>
        %add3A_578 = arith.addi %mul3A_150, %add3A_577 : vector<16xi32>
        %gather3A_579 = tpu.vector_load_idx %arg9[%add3A_578] : memref<16640xf32, #tpu.memory_space<vmem>>[vector<16xi32>], vector<16xf32>,
        %add3A_580 = arith.addf %add3A_575, %gather3A_579 : vector<16xf32>
        %add3A_581 = arith.constant 5001 : i32
        %add3A_582 = vector.broadcast %add3A_581 : i32 to vector<16xi32>
        %add3A_583 = arith.addi %mul3A_150, %add3A_582 : vector<16xi32>
        %gather3A_584 = tpu.vector_load_idx %arg9[%add3A_583] : memref<16640xf32, #tpu.memory_space<vmem>>[vector<16xi32>], vector<16xf32>,
        %add3A_585 = arith.addf %add3A_580, %gather3A_584 : vector<16xf32>
        %add3A_586 = arith.constant 5002 : i32
        %add3A_587 = vector.broadcast %add3A_586 : i32 to vector<16xi32>
        %add3A_588 = arith.addi %mul3A_150, %add3A_587 : vector<16xi32>
        %gather3A_589 = tpu.vector_load_idx %arg9[%add3A_588] : memref<16640xf32, #tpu.memory_space<vmem>>[vector<16xi32>], vector<16xf32>,
        %add3A_590 = arith.addf %add3A_585, %gather3A_589 : vector<16xf32>
        %add3A_591 = arith.constant 5003 : i32
        %add3A_592 = vector.broadcast %add3A_591 : i32 to vector<16xi32>
        %add3A_593 = arith.addi %mul3A_150, %add3A_592 : vector<16xi32>
        %gather3A_594 = tpu.vector_load_idx %arg9[%add3A_593] : memref<16640xf32, #tpu.memory_space<vmem>>[vector<16xi32>], vector<16xf32>,
        %add3A_595 = arith.addf %add3A_590, %gather3A_594 : vector<16xf32>
        %add3A_596 = arith.constant 5004 : i32
        %add3A_597 = vector.broadcast %add3A_596 : i32 to vector<16xi32>
        %add3A_598 = arith.addi %mul3A_150, %add3A_597 : vector<16xi32>
        %gather3A_599 = tpu.vector_load_idx %arg9[%add3A_598] : memref<16640xf32, #tpu.memory_space<vmem>>[vector<16xi32>], vector<16xf32>,
        %add3A_600 = arith.addf %add3A_595, %gather3A_599 : vector<16xf32>
        %add3A_601 = arith.constant 5005 : i32
        %add3A_602 = vector.broadcast %add3A_601 : i32 to vector<16xi32>
        %add3A_603 = arith.addi %mul3A_150, %add3A_602 : vector<16xi32>
        %gather3A_604 = tpu.vector_load_idx %arg9[%add3A_603] : memref<16640xf32, #tpu.memory_space<vmem>>[vector<16xi32>], vector<16xf32>,
        %add3A_605 = arith.addf %add3A_600, %gather3A_604 : vector<16xf32>
        %add3A_606 = arith.constant 5006 : i32
        %add3A_607 = vector.broadcast %add3A_606 : i32 to vector<16xi32>
        %add3A_608 = arith.addi %mul3A_150, %add3A_607 : vector<16xi32>
        %gather3A_609 = tpu.vector_load_idx %arg9[%add3A_608] : memref<16640xf32, #tpu.memory_space<vmem>>[vector<16xi32>], vector<16xf32>,
        %add3A_610 = arith.addf %add3A_605, %gather3A_609 : vector<16xf32>
        %add3A_611 = arith.constant 5007 : i32
        %add3A_612 = vector.broadcast %add3A_611 : i32 to vector<16xi32>
        %add3A_613 = arith.addi %mul3A_150, %add3A_612 : vector<16xi32>
        %gather3A_614 = tpu.vector_load_idx %arg9[%add3A_613] : memref<16640xf32, #tpu.memory_space<vmem>>[vector<16xi32>], vector<16xf32>,
        %add3A_615 = arith.addf %add3A_610, %gather3A_614 : vector<16xf32>
        %add3A_616 = arith.constant 5008 : i32
        %add3A_617 = vector.broadcast %add3A_616 : i32 to vector<16xi32>
        %add3A_618 = arith.addi %mul3A_150, %add3A_617 : vector<16xi32>
        %gather3A_619 = tpu.vector_load_idx %arg9[%add3A_618] : memref<16640xf32, #tpu.memory_space<vmem>>[vector<16xi32>], vector<16xf32>,
        %add3A_620 = arith.addf %add3A_615, %gather3A_619 : vector<16xf32>
        %add3A_621 = arith.constant 5009 : i32
        %add3A_622 = vector.broadcast %add3A_621 : i32 to vector<16xi32>
        %add3A_623 = arith.addi %mul3A_150, %add3A_622 : vector<16xi32>
        %gather3A_624 = tpu.vector_load_idx %arg9[%add3A_623] : memref<16640xf32, #tpu.memory_space<vmem>>[vector<16xi32>], vector<16xf32>,
        %add3A_625 = arith.addf %add3A_620, %gather3A_624 : vector<16xf32>
        %add3A_626 = arith.constant 5010 : i32
        %add3A_627 = vector.broadcast %add3A_626 : i32 to vector<16xi32>
        %add3A_628 = arith.addi %mul3A_150, %add3A_627 : vector<16xi32>
        %gather3A_629 = tpu.vector_load_idx %arg9[%add3A_628] : memref<16640xf32, #tpu.memory_space<vmem>>[vector<16xi32>], vector<16xf32>,
        %add3A_630 = arith.addf %add3A_625, %gather3A_629 : vector<16xf32>
        %add3A_631 = arith.constant 5011 : i32
        %add3A_632 = vector.broadcast %add3A_631 : i32 to vector<16xi32>
        %add3A_633 = arith.addi %mul3A_150, %add3A_632 : vector<16xi32>
        %gather3A_634 = tpu.vector_load_idx %arg9[%add3A_633] : memref<16640xf32, #tpu.memory_space<vmem>>[vector<16xi32>], vector<16xf32>,
        %add3A_635 = arith.addf %add3A_630, %gather3A_634 : vector<16xf32>
        %add3A_636 = arith.constant 5012 : i32
        %add3A_637 = vector.broadcast %add3A_636 : i32 to vector<16xi32>
        %add3A_638 = arith.addi %mul3A_150, %add3A_637 : vector<16xi32>
        %gather3A_639 = tpu.vector_load_idx %arg9[%add3A_638] : memref<16640xf32, #tpu.memory_space<vmem>>[vector<16xi32>], vector<16xf32>,
        %add3A_640 = arith.addf %add3A_635, %gather3A_639 : vector<16xf32>
        %add3A_641 = arith.constant 5013 : i32
        %add3A_642 = vector.broadcast %add3A_641 : i32 to vector<16xi32>
        %add3A_643 = arith.addi %mul3A_150, %add3A_642 : vector<16xi32>
        %gather3A_644 = tpu.vector_load_idx %arg9[%add3A_643] : memref<16640xf32, #tpu.memory_space<vmem>>[vector<16xi32>], vector<16xf32>,
        %add3A_645 = arith.addf %add3A_640, %gather3A_644 : vector<16xf32>
        %add3A_646 = arith.constant 5014 : i32
        %add3A_647 = vector.broadcast %add3A_646 : i32 to vector<16xi32>
        %add3A_648 = arith.addi %mul3A_150, %add3A_647 : vector<16xi32>
        %gather3A_649 = tpu.vector_load_idx %arg9[%add3A_648] : memref<16640xf32, #tpu.memory_space<vmem>>[vector<16xi32>], vector<16xf32>,
        %add3A_650 = arith.addf %add3A_645, %gather3A_649 : vector<16xf32>
        %add3A_651 = arith.constant 5015 : i32
        %add3A_652 = vector.broadcast %add3A_651 : i32 to vector<16xi32>
        %add3A_653 = arith.addi %mul3A_150, %add3A_652 : vector<16xi32>
        %gather3A_654 = tpu.vector_load_idx %arg9[%add3A_653] : memref<16640xf32, #tpu.memory_space<vmem>>[vector<16xi32>], vector<16xf32>,
        %add3A_655 = arith.addf %add3A_650, %gather3A_654 : vector<16xf32>
        %add3A_656 = arith.constant 5016 : i32
        %add3A_657 = vector.broadcast %add3A_656 : i32 to vector<16xi32>
        %add3A_658 = arith.addi %mul3A_150, %add3A_657 : vector<16xi32>
        %gather3A_659 = tpu.vector_load_idx %arg9[%add3A_658] : memref<16640xf32, #tpu.memory_space<vmem>>[vector<16xi32>], vector<16xf32>,
        %add3A_660 = arith.addf %add3A_655, %gather3A_659 : vector<16xf32>
        %add3A_661 = arith.constant 5017 : i32
        %add3A_662 = vector.broadcast %add3A_661 : i32 to vector<16xi32>
        %add3A_663 = arith.addi %mul3A_150, %add3A_662 : vector<16xi32>
        %gather3A_664 = tpu.vector_load_idx %arg9[%add3A_663] : memref<16640xf32, #tpu.memory_space<vmem>>[vector<16xi32>], vector<16xf32>,
        %add3A_665 = arith.addf %add3A_660, %gather3A_664 : vector<16xf32>
        %add3A_666 = arith.constant 6656 : i32
        %add3A_667 = vector.broadcast %add3A_666 : i32 to vector<16xi32>
        %add3A_668 = arith.addi %mul3A_150, %add3A_667 : vector<16xi32>
        %gather3A_669 = tpu.vector_load_idx %arg9[%add3A_668] : memref<16640xf32, #tpu.memory_space<vmem>>[vector<16xi32>], vector<16xf32>,
        %add3A_670 = arith.constant 6657 : i32
        %add3A_671 = vector.broadcast %add3A_670 : i32 to vector<16xi32>
        %add3A_672 = arith.addi %mul3A_150, %add3A_671 : vector<16xi32>
        %gather3A_673 = tpu.vector_load_idx %arg9[%add3A_672] : memref<16640xf32, #tpu.memory_space<vmem>>[vector<16xi32>], vector<16xf32>,
        %add3A_674 = arith.addf %gather3A_669, %gather3A_673 : vector<16xf32>
        %add3A_675 = arith.constant 6658 : i32
        %add3A_676 = vector.broadcast %add3A_675 : i32 to vector<16xi32>
        %add3A_677 = arith.addi %mul3A_150, %add3A_676 : vector<16xi32>
        %gather3A_678 = tpu.vector_load_idx %arg9[%add3A_677] : memref<16640xf32, #tpu.memory_space<vmem>>[vector<16xi32>], vector<16xf32>,
        %add3A_679 = arith.addf %add3A_674, %gather3A_678 : vector<16xf32>
        %add3A_680 = arith.constant 6659 : i32
        %add3A_681 = vector.broadcast %add3A_680 : i32 to vector<16xi32>
        %add3A_682 = arith.addi %mul3A_150, %add3A_681 : vector<16xi32>
        %gather3A_683 = tpu.vector_load_idx %arg9[%add3A_682] : memref<16640xf32, #tpu.memory_space<vmem>>[vector<16xi32>], vector<16xf32>,
        %add3A_684 = arith.addf %add3A_679, %gather3A_683 : vector<16xf32>
        %add3A_685 = arith.constant 6660 : i32
        %add3A_686 = vector.broadcast %add3A_685 : i32 to vector<16xi32>
        %add3A_687 = arith.addi %mul3A_150, %add3A_686 : vector<16xi32>
        %gather3A_688 = tpu.vector_load_idx %arg9[%add3A_687] : memref<16640xf32, #tpu.memory_space<vmem>>[vector<16xi32>], vector<16xf32>,
        %add3A_689 = arith.addf %add3A_684, %gather3A_688 : vector<16xf32>
        %add3A_690 = arith.constant 6661 : i32
        %add3A_691 = vector.broadcast %add3A_690 : i32 to vector<16xi32>
        %add3A_692 = arith.addi %mul3A_150, %add3A_691 : vector<16xi32>
        %gather3A_693 = tpu.vector_load_idx %arg9[%add3A_692] : memref<16640xf32, #tpu.memory_space<vmem>>[vector<16xi32>], vector<16xf32>,
        %add3A_694 = arith.addf %add3A_689, %gather3A_693 : vector<16xf32>
        %add3A_695 = arith.constant 6662 : i32
        %add3A_696 = vector.broadcast %add3A_695 : i32 to vector<16xi32>
        %add3A_697 = arith.addi %mul3A_150, %add3A_696 : vector<16xi32>
        %gather3A_698 = tpu.vector_load_idx %arg9[%add3A_697] : memref<16640xf32, #tpu.memory_space<vmem>>[vector<16xi32>], vector<16xf32>,
        %add3A_699 = arith.addf %add3A_694, %gather3A_698 : vector<16xf32>
        %add3A_700 = arith.constant 6663 : i32
        %add3A_701 = vector.broadcast %add3A_700 : i32 to vector<16xi32>
        %add3A_702 = arith.addi %mul3A_150, %add3A_701 : vector<16xi32>
        %gather3A_703 = tpu.vector_load_idx %arg9[%add3A_702] : memref<16640xf32, #tpu.memory_space<vmem>>[vector<16xi32>], vector<16xf32>,
        %add3A_704 = arith.addf %add3A_699, %gather3A_703 : vector<16xf32>
        %add3A_705 = arith.constant 6664 : i32
        %add3A_706 = vector.broadcast %add3A_705 : i32 to vector<16xi32>
        %add3A_707 = arith.addi %mul3A_150, %add3A_706 : vector<16xi32>
        %gather3A_708 = tpu.vector_load_idx %arg9[%add3A_707] : memref<16640xf32, #tpu.memory_space<vmem>>[vector<16xi32>], vector<16xf32>,
        %add3A_709 = arith.addf %add3A_704, %gather3A_708 : vector<16xf32>
        %add3A_710 = arith.constant 6665 : i32
        %add3A_711 = vector.broadcast %add3A_710 : i32 to vector<16xi32>
        %add3A_712 = arith.addi %mul3A_150, %add3A_711 : vector<16xi32>
        %gather3A_713 = tpu.vector_load_idx %arg9[%add3A_712] : memref<16640xf32, #tpu.memory_space<vmem>>[vector<16xi32>], vector<16xf32>,
        %add3A_714 = arith.addf %add3A_709, %gather3A_713 : vector<16xf32>
        %add3A_715 = arith.constant 6666 : i32
        %add3A_716 = vector.broadcast %add3A_715 : i32 to vector<16xi32>
        %add3A_717 = arith.addi %mul3A_150, %add3A_716 : vector<16xi32>
        %gather3A_718 = tpu.vector_load_idx %arg9[%add3A_717] : memref<16640xf32, #tpu.memory_space<vmem>>[vector<16xi32>], vector<16xf32>,
        %add3A_719 = arith.addf %add3A_714, %gather3A_718 : vector<16xf32>
        %add3A_720 = arith.constant 6667 : i32
        %add3A_721 = vector.broadcast %add3A_720 : i32 to vector<16xi32>
        %add3A_722 = arith.addi %mul3A_150, %add3A_721 : vector<16xi32>
        %gather3A_723 = tpu.vector_load_idx %arg9[%add3A_722] : memref<16640xf32, #tpu.memory_space<vmem>>[vector<16xi32>], vector<16xf32>,
        %add3A_724 = arith.addf %add3A_719, %gather3A_723 : vector<16xf32>
        %add3A_725 = arith.constant 6668 : i32
        %add3A_726 = vector.broadcast %add3A_725 : i32 to vector<16xi32>
        %add3A_727 = arith.addi %mul3A_150, %add3A_726 : vector<16xi32>
        %gather3A_728 = tpu.vector_load_idx %arg9[%add3A_727] : memref<16640xf32, #tpu.memory_space<vmem>>[vector<16xi32>], vector<16xf32>,
        %add3A_729 = arith.addf %add3A_724, %gather3A_728 : vector<16xf32>
        %add3A_730 = arith.constant 6669 : i32
        %add3A_731 = vector.broadcast %add3A_730 : i32 to vector<16xi32>
        %add3A_732 = arith.addi %mul3A_150, %add3A_731 : vector<16xi32>
        %gather3A_733 = tpu.vector_load_idx %arg9[%add3A_732] : memref<16640xf32, #tpu.memory_space<vmem>>[vector<16xi32>], vector<16xf32>,
        %add3A_734 = arith.addf %add3A_729, %gather3A_733 : vector<16xf32>
        %add3A_735 = arith.constant 6670 : i32
        %add3A_736 = vector.broadcast %add3A_735 : i32 to vector<16xi32>
        %add3A_737 = arith.addi %mul3A_150, %add3A_736 : vector<16xi32>
        %gather3A_738 = tpu.vector_load_idx %arg9[%add3A_737] : memref<16640xf32, #tpu.memory_space<vmem>>[vector<16xi32>], vector<16xf32>,
        %add3A_739 = arith.addf %add3A_734, %gather3A_738 : vector<16xf32>
        %add3A_740 = arith.constant 6671 : i32
        %add3A_741 = vector.broadcast %add3A_740 : i32 to vector<16xi32>
        %add3A_742 = arith.addi %mul3A_150, %add3A_741 : vector<16xi32>
        %gather3A_743 = tpu.vector_load_idx %arg9[%add3A_742] : memref<16640xf32, #tpu.memory_space<vmem>>[vector<16xi32>], vector<16xf32>,
        %add3A_744 = arith.addf %add3A_739, %gather3A_743 : vector<16xf32>
        %add3A_745 = arith.constant 6672 : i32
        %add3A_746 = vector.broadcast %add3A_745 : i32 to vector<16xi32>
        %add3A_747 = arith.addi %mul3A_150, %add3A_746 : vector<16xi32>
        %gather3A_748 = tpu.vector_load_idx %arg9[%add3A_747] : memref<16640xf32, #tpu.memory_space<vmem>>[vector<16xi32>], vector<16xf32>,
        %add3A_749 = arith.addf %add3A_744, %gather3A_748 : vector<16xf32>
        %add3A_750 = arith.constant 6673 : i32
        %add3A_751 = vector.broadcast %add3A_750 : i32 to vector<16xi32>
        %add3A_752 = arith.addi %mul3A_150, %add3A_751 : vector<16xi32>
        %gather3A_753 = tpu.vector_load_idx %arg9[%add3A_752] : memref<16640xf32, #tpu.memory_space<vmem>>[vector<16xi32>], vector<16xf32>,
        %add3A_754 = arith.addf %add3A_749, %gather3A_753 : vector<16xf32>
        %add3A_755 = arith.constant 6674 : i32
        %add3A_756 = vector.broadcast %add3A_755 : i32 to vector<16xi32>
        %add3A_757 = arith.addi %mul3A_150, %add3A_756 : vector<16xi32>
        %gather3A_758 = tpu.vector_load_idx %arg9[%add3A_757] : memref<16640xf32, #tpu.memory_space<vmem>>[vector<16xi32>], vector<16xf32>,
        %add3A_759 = arith.addf %add3A_754, %gather3A_758 : vector<16xf32>
        %add3A_760 = arith.constant 6675 : i32
        %add3A_761 = vector.broadcast %add3A_760 : i32 to vector<16xi32>
        %add3A_762 = arith.addi %mul3A_150, %add3A_761 : vector<16xi32>
        %gather3A_763 = tpu.vector_load_idx %arg9[%add3A_762] : memref<16640xf32, #tpu.memory_space<vmem>>[vector<16xi32>], vector<16xf32>,
        %add3A_764 = arith.addf %add3A_759, %gather3A_763 : vector<16xf32>
        %add3A_765 = arith.constant 6676 : i32
        %add3A_766 = vector.broadcast %add3A_765 : i32 to vector<16xi32>
        %add3A_767 = arith.addi %mul3A_150, %add3A_766 : vector<16xi32>
        %gather3A_768 = tpu.vector_load_idx %arg9[%add3A_767] : memref<16640xf32, #tpu.memory_space<vmem>>[vector<16xi32>], vector<16xf32>,
        %add3A_769 = arith.addf %add3A_764, %gather3A_768 : vector<16xf32>
        %add3A_770 = arith.constant 6677 : i32
        %add3A_771 = vector.broadcast %add3A_770 : i32 to vector<16xi32>
        %add3A_772 = arith.addi %mul3A_150, %add3A_771 : vector<16xi32>
        %gather3A_773 = tpu.vector_load_idx %arg9[%add3A_772] : memref<16640xf32, #tpu.memory_space<vmem>>[vector<16xi32>], vector<16xf32>,
        %add3A_774 = arith.addf %add3A_769, %gather3A_773 : vector<16xf32>
        %add3A_775 = arith.constant 6678 : i32
        %add3A_776 = vector.broadcast %add3A_775 : i32 to vector<16xi32>
        %add3A_777 = arith.addi %mul3A_150, %add3A_776 : vector<16xi32>
        %gather3A_778 = tpu.vector_load_idx %arg9[%add3A_777] : memref<16640xf32, #tpu.memory_space<vmem>>[vector<16xi32>], vector<16xf32>,
        %add3A_779 = arith.addf %add3A_774, %gather3A_778 : vector<16xf32>
        %add3A_780 = arith.constant 6679 : i32
        %add3A_781 = vector.broadcast %add3A_780 : i32 to vector<16xi32>
        %add3A_782 = arith.addi %mul3A_150, %add3A_781 : vector<16xi32>
        %gather3A_783 = tpu.vector_load_idx %arg9[%add3A_782] : memref<16640xf32, #tpu.memory_space<vmem>>[vector<16xi32>], vector<16xf32>,
        %add3A_784 = arith.addf %add3A_779, %gather3A_783 : vector<16xf32>
        %add3A_785 = arith.constant 6680 : i32
        %add3A_786 = vector.broadcast %add3A_785 : i32 to vector<16xi32>
        %add3A_787 = arith.addi %mul3A_150, %add3A_786 : vector<16xi32>
        %gather3A_788 = tpu.vector_load_idx %arg9[%add3A_787] : memref<16640xf32, #tpu.memory_space<vmem>>[vector<16xi32>], vector<16xf32>,
        %add3A_789 = arith.addf %add3A_784, %gather3A_788 : vector<16xf32>
        %add3A_790 = arith.constant 6681 : i32
        %add3A_791 = vector.broadcast %add3A_790 : i32 to vector<16xi32>
        %add3A_792 = arith.addi %mul3A_150, %add3A_791 : vector<16xi32>
        %gather3A_793 = tpu.vector_load_idx %arg9[%add3A_792] : memref<16640xf32, #tpu.memory_space<vmem>>[vector<16xi32>], vector<16xf32>,
        %add3A_794 = arith.addf %add3A_789, %gather3A_793 : vector<16xf32>
        %add3A_795 = arith.constant 8320 : i32
        %add3A_796 = vector.broadcast %add3A_795 : i32 to vector<16xi32>
        %add3A_797 = arith.addi %mul3A_150, %add3A_796 : vector<16xi32>
        %gather3A_798 = tpu.vector_load_idx %arg9[%add3A_797] : memref<16640xf32, #tpu.memory_space<vmem>>[vector<16xi32>], vector<16xf32>,
        %add3A_799 = arith.constant 8321 : i32
        %add3A_800 = vector.broadcast %add3A_799 : i32 to vector<16xi32>
        %add3A_801 = arith.addi %mul3A_150, %add3A_800 : vector<16xi32>
        %gather3A_802 = tpu.vector_load_idx %arg9[%add3A_801] : memref<16640xf32, #tpu.memory_space<vmem>>[vector<16xi32>], vector<16xf32>,
        %add3A_803 = arith.addf %gather3A_798, %gather3A_802 : vector<16xf32>
        %add3A_804 = arith.constant 8322 : i32
        %add3A_805 = vector.broadcast %add3A_804 : i32 to vector<16xi32>
        %add3A_806 = arith.addi %mul3A_150, %add3A_805 : vector<16xi32>
        %gather3A_807 = tpu.vector_load_idx %arg9[%add3A_806] : memref<16640xf32, #tpu.memory_space<vmem>>[vector<16xi32>], vector<16xf32>,
        %add3A_808 = arith.addf %add3A_803, %gather3A_807 : vector<16xf32>
        %add3A_809 = arith.constant 8323 : i32
        %add3A_810 = vector.broadcast %add3A_809 : i32 to vector<16xi32>
        %add3A_811 = arith.addi %mul3A_150, %add3A_810 : vector<16xi32>
        %gather3A_812 = tpu.vector_load_idx %arg9[%add3A_811] : memref<16640xf32, #tpu.memory_space<vmem>>[vector<16xi32>], vector<16xf32>,
        %add3A_813 = arith.addf %add3A_808, %gather3A_812 : vector<16xf32>
        %add3A_814 = arith.constant 8324 : i32
        %add3A_815 = vector.broadcast %add3A_814 : i32 to vector<16xi32>
        %add3A_816 = arith.addi %mul3A_150, %add3A_815 : vector<16xi32>
        %gather3A_817 = tpu.vector_load_idx %arg9[%add3A_816] : memref<16640xf32, #tpu.memory_space<vmem>>[vector<16xi32>], vector<16xf32>,
        %add3A_818 = arith.addf %add3A_813, %gather3A_817 : vector<16xf32>
        %add3A_819 = arith.constant 8325 : i32
        %add3A_820 = vector.broadcast %add3A_819 : i32 to vector<16xi32>
        %add3A_821 = arith.addi %mul3A_150, %add3A_820 : vector<16xi32>
        %gather3A_822 = tpu.vector_load_idx %arg9[%add3A_821] : memref<16640xf32, #tpu.memory_space<vmem>>[vector<16xi32>], vector<16xf32>,
        %add3A_823 = arith.addf %add3A_818, %gather3A_822 : vector<16xf32>
        %add3A_824 = arith.constant 8326 : i32
        %add3A_825 = vector.broadcast %add3A_824 : i32 to vector<16xi32>
        %add3A_826 = arith.addi %mul3A_150, %add3A_825 : vector<16xi32>
        %gather3A_827 = tpu.vector_load_idx %arg9[%add3A_826] : memref<16640xf32, #tpu.memory_space<vmem>>[vector<16xi32>], vector<16xf32>,
        %add3A_828 = arith.addf %add3A_823, %gather3A_827 : vector<16xf32>
        %add3A_829 = arith.constant 8327 : i32
        %add3A_830 = vector.broadcast %add3A_829 : i32 to vector<16xi32>
        %add3A_831 = arith.addi %mul3A_150, %add3A_830 : vector<16xi32>
        %gather3A_832 = tpu.vector_load_idx %arg9[%add3A_831] : memref<16640xf32, #tpu.memory_space<vmem>>[vector<16xi32>], vector<16xf32>,
        %add3A_833 = arith.addf %add3A_828, %gather3A_832 : vector<16xf32>
        %add3A_834 = arith.constant 8328 : i32
        %add3A_835 = vector.broadcast %add3A_834 : i32 to vector<16xi32>
        %add3A_836 = arith.addi %mul3A_150, %add3A_835 : vector<16xi32>
        %gather3A_837 = tpu.vector_load_idx %arg9[%add3A_836] : memref<16640xf32, #tpu.memory_space<vmem>>[vector<16xi32>], vector<16xf32>,
        %add3A_838 = arith.addf %add3A_833, %gather3A_837 : vector<16xf32>
        %add3A_839 = arith.constant 8329 : i32
        %add3A_840 = vector.broadcast %add3A_839 : i32 to vector<16xi32>
        %add3A_841 = arith.addi %mul3A_150, %add3A_840 : vector<16xi32>
        %gather3A_842 = tpu.vector_load_idx %arg9[%add3A_841] : memref<16640xf32, #tpu.memory_space<vmem>>[vector<16xi32>], vector<16xf32>,
        %add3A_843 = arith.addf %add3A_838, %gather3A_842 : vector<16xf32>
        %add3A_844 = arith.constant 8330 : i32
        %add3A_845 = vector.broadcast %add3A_844 : i32 to vector<16xi32>
        %add3A_846 = arith.addi %mul3A_150, %add3A_845 : vector<16xi32>
        %gather3A_847 = tpu.vector_load_idx %arg9[%add3A_846] : memref<16640xf32, #tpu.memory_space<vmem>>[vector<16xi32>], vector<16xf32>,
        %add3A_848 = arith.addf %add3A_843, %gather3A_847 : vector<16xf32>
        %add3A_849 = arith.constant 8331 : i32
        %add3A_850 = vector.broadcast %add3A_849 : i32 to vector<16xi32>
        %add3A_851 = arith.addi %mul3A_150, %add3A_850 : vector<16xi32>
        %gather3A_852 = tpu.vector_load_idx %arg9[%add3A_851] : memref<16640xf32, #tpu.memory_space<vmem>>[vector<16xi32>], vector<16xf32>,
        %add3A_853 = arith.addf %add3A_848, %gather3A_852 : vector<16xf32>
        %add3A_854 = arith.constant 8332 : i32
        %add3A_855 = vector.broadcast %add3A_854 : i32 to vector<16xi32>
        %add3A_856 = arith.addi %mul3A_150, %add3A_855 : vector<16xi32>
        %gather3A_857 = tpu.vector_load_idx %arg9[%add3A_856] : memref<16640xf32, #tpu.memory_space<vmem>>[vector<16xi32>], vector<16xf32>,
        %add3A_858 = arith.addf %add3A_853, %gather3A_857 : vector<16xf32>
        %add3A_859 = arith.constant 8333 : i32
        %add3A_860 = vector.broadcast %add3A_859 : i32 to vector<16xi32>
        %add3A_861 = arith.addi %mul3A_150, %add3A_860 : vector<16xi32>
        %gather3A_862 = tpu.vector_load_idx %arg9[%add3A_861] : memref<16640xf32, #tpu.memory_space<vmem>>[vector<16xi32>], vector<16xf32>,
        %add3A_863 = arith.addf %add3A_858, %gather3A_862 : vector<16xf32>
        %add3A_864 = arith.constant 8334 : i32
        %add3A_865 = vector.broadcast %add3A_864 : i32 to vector<16xi32>
        %add3A_866 = arith.addi %mul3A_150, %add3A_865 : vector<16xi32>
        %gather3A_867 = tpu.vector_load_idx %arg9[%add3A_866] : memref<16640xf32, #tpu.memory_space<vmem>>[vector<16xi32>], vector<16xf32>,
        %add3A_868 = arith.addf %add3A_863, %gather3A_867 : vector<16xf32>
        %add3A_869 = arith.constant 8335 : i32
        %add3A_870 = vector.broadcast %add3A_869 : i32 to vector<16xi32>
        %add3A_871 = arith.addi %mul3A_150, %add3A_870 : vector<16xi32>
        %gather3A_872 = tpu.vector_load_idx %arg9[%add3A_871] : memref<16640xf32, #tpu.memory_space<vmem>>[vector<16xi32>], vector<16xf32>,
        %add3A_873 = arith.addf %add3A_868, %gather3A_872 : vector<16xf32>
        %add3A_874 = arith.constant 8336 : i32
        %add3A_875 = vector.broadcast %add3A_874 : i32 to vector<16xi32>
        %add3A_876 = arith.addi %mul3A_150, %add3A_875 : vector<16xi32>
        %gather3A_877 = tpu.vector_load_idx %arg9[%add3A_876] : memref<16640xf32, #tpu.memory_space<vmem>>[vector<16xi32>], vector<16xf32>,
        %add3A_878 = arith.addf %add3A_873, %gather3A_877 : vector<16xf32>
        %add3A_879 = arith.constant 8337 : i32
        %add3A_880 = vector.broadcast %add3A_879 : i32 to vector<16xi32>
        %add3A_881 = arith.addi %mul3A_150, %add3A_880 : vector<16xi32>
        %gather3A_882 = tpu.vector_load_idx %arg9[%add3A_881] : memref<16640xf32, #tpu.memory_space<vmem>>[vector<16xi32>], vector<16xf32>,
        %add3A_883 = arith.addf %add3A_878, %gather3A_882 : vector<16xf32>
        %add3A_884 = arith.constant 8338 : i32
        %add3A_885 = vector.broadcast %add3A_884 : i32 to vector<16xi32>
        %add3A_886 = arith.addi %mul3A_150, %add3A_885 : vector<16xi32>
        %gather3A_887 = tpu.vector_load_idx %arg9[%add3A_886] : memref<16640xf32, #tpu.memory_space<vmem>>[vector<16xi32>], vector<16xf32>,
        %add3A_888 = arith.addf %add3A_883, %gather3A_887 : vector<16xf32>
        %add3A_889 = arith.constant 8339 : i32
        %add3A_890 = vector.broadcast %add3A_889 : i32 to vector<16xi32>
        %add3A_891 = arith.addi %mul3A_150, %add3A_890 : vector<16xi32>
        %gather3A_892 = tpu.vector_load_idx %arg9[%add3A_891] : memref<16640xf32, #tpu.memory_space<vmem>>[vector<16xi32>], vector<16xf32>,
        %add3A_893 = arith.addf %add3A_888, %gather3A_892 : vector<16xf32>
        %add3A_894 = arith.constant 8340 : i32
        %add3A_895 = vector.broadcast %add3A_894 : i32 to vector<16xi32>
        %add3A_896 = arith.addi %mul3A_150, %add3A_895 : vector<16xi32>
        %gather3A_897 = tpu.vector_load_idx %arg9[%add3A_896] : memref<16640xf32, #tpu.memory_space<vmem>>[vector<16xi32>], vector<16xf32>,
        %add3A_898 = arith.addf %add3A_893, %gather3A_897 : vector<16xf32>
        %add3A_899 = arith.constant 8341 : i32
        %add3A_900 = vector.broadcast %add3A_899 : i32 to vector<16xi32>
        %add3A_901 = arith.addi %mul3A_150, %add3A_900 : vector<16xi32>
        %gather3A_902 = tpu.vector_load_idx %arg9[%add3A_901] : memref<16640xf32, #tpu.memory_space<vmem>>[vector<16xi32>], vector<16xf32>,
        %add3A_903 = arith.addf %add3A_898, %gather3A_902 : vector<16xf32>
        %add3A_904 = arith.constant 8342 : i32
        %add3A_905 = vector.broadcast %add3A_904 : i32 to vector<16xi32>
        %add3A_906 = arith.addi %mul3A_150, %add3A_905 : vector<16xi32>
        %gather3A_907 = tpu.vector_load_idx %arg9[%add3A_906] : memref<16640xf32, #tpu.memory_space<vmem>>[vector<16xi32>], vector<16xf32>,
        %add3A_908 = arith.addf %add3A_903, %gather3A_907 : vector<16xf32>
        %add3A_909 = arith.constant 8343 : i32
        %add3A_910 = vector.broadcast %add3A_909 : i32 to vector<16xi32>
        %add3A_911 = arith.addi %mul3A_150, %add3A_910 : vector<16xi32>
        %gather3A_912 = tpu.vector_load_idx %arg9[%add3A_911] : memref<16640xf32, #tpu.memory_space<vmem>>[vector<16xi32>], vector<16xf32>,
        %add3A_913 = arith.addf %add3A_908, %gather3A_912 : vector<16xf32>
        %add3A_914 = arith.constant 8344 : i32
        %add3A_915 = vector.broadcast %add3A_914 : i32 to vector<16xi32>
        %add3A_916 = arith.addi %mul3A_150, %add3A_915 : vector<16xi32>
        %gather3A_917 = tpu.vector_load_idx %arg9[%add3A_916] : memref<16640xf32, #tpu.memory_space<vmem>>[vector<16xi32>], vector<16xf32>,
        %add3A_918 = arith.addf %add3A_913, %gather3A_917 : vector<16xf32>
        %add3A_919 = arith.constant 8345 : i32
        %add3A_920 = vector.broadcast %add3A_919 : i32 to vector<16xi32>
        %add3A_921 = arith.addi %mul3A_150, %add3A_920 : vector<16xi32>
        %gather3A_922 = tpu.vector_load_idx %arg9[%add3A_921] : memref<16640xf32, #tpu.memory_space<vmem>>[vector<16xi32>], vector<16xf32>,
        %add3A_923 = arith.addf %add3A_918, %gather3A_922 : vector<16xf32>
        %add3A_924 = arith.constant 9984 : i32
        %add3A_925 = vector.broadcast %add3A_924 : i32 to vector<16xi32>
        %add3A_926 = arith.addi %mul3A_150, %add3A_925 : vector<16xi32>
        %gather3A_927 = tpu.vector_load_idx %arg9[%add3A_926] : memref<16640xf32, #tpu.memory_space<vmem>>[vector<16xi32>], vector<16xf32>,
        %add3A_928 = arith.constant 9985 : i32
        %add3A_929 = vector.broadcast %add3A_928 : i32 to vector<16xi32>
        %add3A_930 = arith.addi %mul3A_150, %add3A_929 : vector<16xi32>
        %gather3A_931 = tpu.vector_load_idx %arg9[%add3A_930] : memref<16640xf32, #tpu.memory_space<vmem>>[vector<16xi32>], vector<16xf32>,
        %add3A_932 = arith.addf %gather3A_927, %gather3A_931 : vector<16xf32>
        %add3A_933 = arith.constant 9986 : i32
        %add3A_934 = vector.broadcast %add3A_933 : i32 to vector<16xi32>
        %add3A_935 = arith.addi %mul3A_150, %add3A_934 : vector<16xi32>
        %gather3A_936 = tpu.vector_load_idx %arg9[%add3A_935] : memref<16640xf32, #tpu.memory_space<vmem>>[vector<16xi32>], vector<16xf32>,
        %add3A_937 = arith.addf %add3A_932, %gather3A_936 : vector<16xf32>
        %add3A_938 = arith.constant 9987 : i32
        %add3A_939 = vector.broadcast %add3A_938 : i32 to vector<16xi32>
        %add3A_940 = arith.addi %mul3A_150, %add3A_939 : vector<16xi32>
        %gather3A_941 = tpu.vector_load_idx %arg9[%add3A_940] : memref<16640xf32, #tpu.memory_space<vmem>>[vector<16xi32>], vector<16xf32>,
        %add3A_942 = arith.addf %add3A_937, %gather3A_941 : vector<16xf32>
        %add3A_943 = arith.constant 9988 : i32
        %add3A_944 = vector.broadcast %add3A_943 : i32 to vector<16xi32>
        %add3A_945 = arith.addi %mul3A_150, %add3A_944 : vector<16xi32>
        %gather3A_946 = tpu.vector_load_idx %arg9[%add3A_945] : memref<16640xf32, #tpu.memory_space<vmem>>[vector<16xi32>], vector<16xf32>,
        %add3A_947 = arith.addf %add3A_942, %gather3A_946 : vector<16xf32>
        %add3A_948 = arith.constant 9989 : i32
        %add3A_949 = vector.broadcast %add3A_948 : i32 to vector<16xi32>
        %add3A_950 = arith.addi %mul3A_150, %add3A_949 : vector<16xi32>
        %gather3A_951 = tpu.vector_load_idx %arg9[%add3A_950] : memref<16640xf32, #tpu.memory_space<vmem>>[vector<16xi32>], vector<16xf32>,
        %add3A_952 = arith.addf %add3A_947, %gather3A_951 : vector<16xf32>
        %add3A_953 = arith.constant 9990 : i32
        %add3A_954 = vector.broadcast %add3A_953 : i32 to vector<16xi32>
        %add3A_955 = arith.addi %mul3A_150, %add3A_954 : vector<16xi32>
        %gather3A_956 = tpu.vector_load_idx %arg9[%add3A_955] : memref<16640xf32, #tpu.memory_space<vmem>>[vector<16xi32>], vector<16xf32>,
        %add3A_957 = arith.addf %add3A_952, %gather3A_956 : vector<16xf32>
        %add3A_958 = arith.constant 9991 : i32
        %add3A_959 = vector.broadcast %add3A_958 : i32 to vector<16xi32>
        %add3A_960 = arith.addi %mul3A_150, %add3A_959 : vector<16xi32>
        %gather3A_961 = tpu.vector_load_idx %arg9[%add3A_960] : memref<16640xf32, #tpu.memory_space<vmem>>[vector<16xi32>], vector<16xf32>,
        %add3A_962 = arith.addf %add3A_957, %gather3A_961 : vector<16xf32>
        %add3A_963 = arith.constant 9992 : i32
        %add3A_964 = vector.broadcast %add3A_963 : i32 to vector<16xi32>
        %add3A_965 = arith.addi %mul3A_150, %add3A_964 : vector<16xi32>
        %gather3A_966 = tpu.vector_load_idx %arg9[%add3A_965] : memref<16640xf32, #tpu.memory_space<vmem>>[vector<16xi32>], vector<16xf32>,
        %add3A_967 = arith.addf %add3A_962, %gather3A_966 : vector<16xf32>
        %add3A_968 = arith.constant 9993 : i32
        %add3A_969 = vector.broadcast %add3A_968 : i32 to vector<16xi32>
        %add3A_970 = arith.addi %mul3A_150, %add3A_969 : vector<16xi32>
        %gather3A_971 = tpu.vector_load_idx %arg9[%add3A_970] : memref<16640xf32, #tpu.memory_space<vmem>>[vector<16xi32>], vector<16xf32>,
        %add3A_972 = arith.addf %add3A_967, %gather3A_971 : vector<16xf32>
        %add3A_973 = arith.constant 9994 : i32
        %add3A_974 = vector.broadcast %add3A_973 : i32 to vector<16xi32>
        %add3A_975 = arith.addi %mul3A_150, %add3A_974 : vector<16xi32>
        %gather3A_976 = tpu.vector_load_idx %arg9[%add3A_975] : memref<16640xf32, #tpu.memory_space<vmem>>[vector<16xi32>], vector<16xf32>,
        %add3A_977 = arith.addf %add3A_972, %gather3A_976 : vector<16xf32>
        %add3A_978 = arith.constant 9995 : i32
        %add3A_979 = vector.broadcast %add3A_978 : i32 to vector<16xi32>
        %add3A_980 = arith.addi %mul3A_150, %add3A_979 : vector<16xi32>
        %gather3A_981 = tpu.vector_load_idx %arg9[%add3A_980] : memref<16640xf32, #tpu.memory_space<vmem>>[vector<16xi32>], vector<16xf32>,
        %add3A_982 = arith.addf %add3A_977, %gather3A_981 : vector<16xf32>
        %add3A_983 = arith.constant 9996 : i32
        %add3A_984 = vector.broadcast %add3A_983 : i32 to vector<16xi32>
        %add3A_985 = arith.addi %mul3A_150, %add3A_984 : vector<16xi32>
        %gather3A_986 = tpu.vector_load_idx %arg9[%add3A_985] : memref<16640xf32, #tpu.memory_space<vmem>>[vector<16xi32>], vector<16xf32>,
        %add3A_987 = arith.addf %add3A_982, %gather3A_986 : vector<16xf32>
        %add3A_988 = arith.constant 9997 : i32
        %add3A_989 = vector.broadcast %add3A_988 : i32 to vector<16xi32>
        %add3A_990 = arith.addi %mul3A_150, %add3A_989 : vector<16xi32>
        %gather3A_991 = tpu.vector_load_idx %arg9[%add3A_990] : memref<16640xf32, #tpu.memory_space<vmem>>[vector<16xi32>], vector<16xf32>,
        %add3A_992 = arith.addf %add3A_987, %gather3A_991 : vector<16xf32>
        %add3A_993 = arith.constant 9998 : i32
        %add3A_994 = vector.broadcast %add3A_993 : i32 to vector<16xi32>
        %add3A_995 = arith.addi %mul3A_150, %add3A_994 : vector<16xi32>
        %gather3A_996 = tpu.vector_load_idx %arg9[%add3A_995] : memref<16640xf32, #tpu.memory_space<vmem>>[vector<16xi32>], vector<16xf32>,
        %add3A_997 = arith.addf %add3A_992, %gather3A_996 : vector<16xf32>
        %add3A_998 = arith.constant 9999 : i32
        %add3A_999 = vector.broadcast %add3A_998 : i32 to vector<16xi32>
        %add3A_1000 = arith.addi %mul3A_150, %add3A_999 : vector<16xi32>
        %gather3A_1001 = tpu.vector_load_idx %arg9[%add3A_1000] : memref<16640xf32, #tpu.memory_space<vmem>>[vector<16xi32>], vector<16xf32>,
        %add3A_1002 = arith.addf %add3A_997, %gather3A_1001 : vector<16xf32>
        %add3A_1003 = arith.constant 10000 : i32
        %add3A_1004 = vector.broadcast %add3A_1003 : i32 to vector<16xi32>
        %add3A_1005 = arith.addi %mul3A_150, %add3A_1004 : vector<16xi32>
        %gather3A_1006 = tpu.vector_load_idx %arg9[%add3A_1005] : memref<16640xf32, #tpu.memory_space<vmem>>[vector<16xi32>], vector<16xf32>,
        %add3A_1007 = arith.addf %add3A_1002, %gather3A_1006 : vector<16xf32>
        %add3A_1008 = arith.constant 10001 : i32
        %add3A_1009 = vector.broadcast %add3A_1008 : i32 to vector<16xi32>
        %add3A_1010 = arith.addi %mul3A_150, %add3A_1009 : vector<16xi32>
        %gather3A_1011 = tpu.vector_load_idx %arg9[%add3A_1010] : memref<16640xf32, #tpu.memory_space<vmem>>[vector<16xi32>], vector<16xf32>,
        %add3A_1012 = arith.addf %add3A_1007, %gather3A_1011 : vector<16xf32>
        %add3A_1013 = arith.constant 10002 : i32
        %add3A_1014 = vector.broadcast %add3A_1013 : i32 to vector<16xi32>
        %add3A_1015 = arith.addi %mul3A_150, %add3A_1014 : vector<16xi32>
        %gather3A_1016 = tpu.vector_load_idx %arg9[%add3A_1015] : memref<16640xf32, #tpu.memory_space<vmem>>[vector<16xi32>], vector<16xf32>,
        %add3A_1017 = arith.addf %add3A_1012, %gather3A_1016 : vector<16xf32>
        %add3A_1018 = arith.constant 10003 : i32
        %add3A_1019 = vector.broadcast %add3A_1018 : i32 to vector<16xi32>
        %add3A_1020 = arith.addi %mul3A_150, %add3A_1019 : vector<16xi32>
        %gather3A_1021 = tpu.vector_load_idx %arg9[%add3A_1020] : memref<16640xf32, #tpu.memory_space<vmem>>[vector<16xi32>], vector<16xf32>,
        %add3A_1022 = arith.addf %add3A_1017, %gather3A_1021 : vector<16xf32>
        %add3A_1023 = arith.constant 10004 : i32
        %add3A_1024 = vector.broadcast %add3A_1023 : i32 to vector<16xi32>
        %add3A_1025 = arith.addi %mul3A_150, %add3A_1024 : vector<16xi32>
        %gather3A_1026 = tpu.vector_load_idx %arg9[%add3A_1025] : memref<16640xf32, #tpu.memory_space<vmem>>[vector<16xi32>], vector<16xf32>,
        %add3A_1027 = arith.addf %add3A_1022, %gather3A_1026 : vector<16xf32>
        %add3A_1028 = arith.constant 10005 : i32
        %add3A_1029 = vector.broadcast %add3A_1028 : i32 to vector<16xi32>
        %add3A_1030 = arith.addi %mul3A_150, %add3A_1029 : vector<16xi32>
        %gather3A_1031 = tpu.vector_load_idx %arg9[%add3A_1030] : memref<16640xf32, #tpu.memory_space<vmem>>[vector<16xi32>], vector<16xf32>,
        %add3A_1032 = arith.addf %add3A_1027, %gather3A_1031 : vector<16xf32>
        %add3A_1033 = arith.constant 10006 : i32
        %add3A_1034 = vector.broadcast %add3A_1033 : i32 to vector<16xi32>
        %add3A_1035 = arith.addi %mul3A_150, %add3A_1034 : vector<16xi32>
        %gather3A_1036 = tpu.vector_load_idx %arg9[%add3A_1035] : memref<16640xf32, #tpu.memory_space<vmem>>[vector<16xi32>], vector<16xf32>,
        %add3A_1037 = arith.addf %add3A_1032, %gather3A_1036 : vector<16xf32>
        %add3A_1038 = arith.constant 10007 : i32
        %add3A_1039 = vector.broadcast %add3A_1038 : i32 to vector<16xi32>
        %add3A_1040 = arith.addi %mul3A_150, %add3A_1039 : vector<16xi32>
        %gather3A_1041 = tpu.vector_load_idx %arg9[%add3A_1040] : memref<16640xf32, #tpu.memory_space<vmem>>[vector<16xi32>], vector<16xf32>,
        %add3A_1042 = arith.addf %add3A_1037, %gather3A_1041 : vector<16xf32>
        %add3A_1043 = arith.constant 10008 : i32
        %add3A_1044 = vector.broadcast %add3A_1043 : i32 to vector<16xi32>
        %add3A_1045 = arith.addi %mul3A_150, %add3A_1044 : vector<16xi32>
        %gather3A_1046 = tpu.vector_load_idx %arg9[%add3A_1045] : memref<16640xf32, #tpu.memory_space<vmem>>[vector<16xi32>], vector<16xf32>,
        %add3A_1047 = arith.addf %add3A_1042, %gather3A_1046 : vector<16xf32>
        %add3A_1048 = arith.constant 10009 : i32
        %add3A_1049 = vector.broadcast %add3A_1048 : i32 to vector<16xi32>
        %add3A_1050 = arith.addi %mul3A_150, %add3A_1049 : vector<16xi32>
        %gather3A_1051 = tpu.vector_load_idx %arg9[%add3A_1050] : memref<16640xf32, #tpu.memory_space<vmem>>[vector<16xi32>], vector<16xf32>,
        %add3A_1052 = arith.addf %add3A_1047, %gather3A_1051 : vector<16xf32>
        %add3A_1053 = arith.constant 11648 : i32
        %add3A_1054 = vector.broadcast %add3A_1053 : i32 to vector<16xi32>
        %add3A_1055 = arith.addi %mul3A_150, %add3A_1054 : vector<16xi32>
        %gather3A_1056 = tpu.vector_load_idx %arg9[%add3A_1055] : memref<16640xf32, #tpu.memory_space<vmem>>[vector<16xi32>], vector<16xf32>,
        %add3A_1057 = arith.constant 11649 : i32
        %add3A_1058 = vector.broadcast %add3A_1057 : i32 to vector<16xi32>
        %add3A_1059 = arith.addi %mul3A_150, %add3A_1058 : vector<16xi32>
        %gather3A_1060 = tpu.vector_load_idx %arg9[%add3A_1059] : memref<16640xf32, #tpu.memory_space<vmem>>[vector<16xi32>], vector<16xf32>,
        %add3A_1061 = arith.addf %gather3A_1056, %gather3A_1060 : vector<16xf32>
        %add3A_1062 = arith.constant 11650 : i32
        %add3A_1063 = vector.broadcast %add3A_1062 : i32 to vector<16xi32>
        %add3A_1064 = arith.addi %mul3A_150, %add3A_1063 : vector<16xi32>
        %gather3A_1065 = tpu.vector_load_idx %arg9[%add3A_1064] : memref<16640xf32, #tpu.memory_space<vmem>>[vector<16xi32>], vector<16xf32>,
        %add3A_1066 = arith.addf %add3A_1061, %gather3A_1065 : vector<16xf32>
        %add3A_1067 = arith.constant 11651 : i32
        %add3A_1068 = vector.broadcast %add3A_1067 : i32 to vector<16xi32>
        %add3A_1069 = arith.addi %mul3A_150, %add3A_1068 : vector<16xi32>
        %gather3A_1070 = tpu.vector_load_idx %arg9[%add3A_1069] : memref<16640xf32, #tpu.memory_space<vmem>>[vector<16xi32>], vector<16xf32>,
        %add3A_1071 = arith.addf %add3A_1066, %gather3A_1070 : vector<16xf32>
        %add3A_1072 = arith.constant 11652 : i32
        %add3A_1073 = vector.broadcast %add3A_1072 : i32 to vector<16xi32>
        %add3A_1074 = arith.addi %mul3A_150, %add3A_1073 : vector<16xi32>
        %gather3A_1075 = tpu.vector_load_idx %arg9[%add3A_1074] : memref<16640xf32, #tpu.memory_space<vmem>>[vector<16xi32>], vector<16xf32>,
        %add3A_1076 = arith.addf %add3A_1071, %gather3A_1075 : vector<16xf32>
        %add3A_1077 = arith.constant 11653 : i32
        %add3A_1078 = vector.broadcast %add3A_1077 : i32 to vector<16xi32>
        %add3A_1079 = arith.addi %mul3A_150, %add3A_1078 : vector<16xi32>
        %gather3A_1080 = tpu.vector_load_idx %arg9[%add3A_1079] : memref<16640xf32, #tpu.memory_space<vmem>>[vector<16xi32>], vector<16xf32>,
        %add3A_1081 = arith.addf %add3A_1076, %gather3A_1080 : vector<16xf32>
        %add3A_1082 = arith.constant 11654 : i32
        %add3A_1083 = vector.broadcast %add3A_1082 : i32 to vector<16xi32>
        %add3A_1084 = arith.addi %mul3A_150, %add3A_1083 : vector<16xi32>
        %gather3A_1085 = tpu.vector_load_idx %arg9[%add3A_1084] : memref<16640xf32, #tpu.memory_space<vmem>>[vector<16xi32>], vector<16xf32>,
        %add3A_1086 = arith.addf %add3A_1081, %gather3A_1085 : vector<16xf32>
        %add3A_1087 = arith.constant 11655 : i32
        %add3A_1088 = vector.broadcast %add3A_1087 : i32 to vector<16xi32>
        %add3A_1089 = arith.addi %mul3A_150, %add3A_1088 : vector<16xi32>
        %gather3A_1090 = tpu.vector_load_idx %arg9[%add3A_1089] : memref<16640xf32, #tpu.memory_space<vmem>>[vector<16xi32>], vector<16xf32>,
        %add3A_1091 = arith.addf %add3A_1086, %gather3A_1090 : vector<16xf32>
        %add3A_1092 = arith.constant 11656 : i32
        %add3A_1093 = vector.broadcast %add3A_1092 : i32 to vector<16xi32>
        %add3A_1094 = arith.addi %mul3A_150, %add3A_1093 : vector<16xi32>
        %gather3A_1095 = tpu.vector_load_idx %arg9[%add3A_1094] : memref<16640xf32, #tpu.memory_space<vmem>>[vector<16xi32>], vector<16xf32>,
        %add3A_1096 = arith.addf %add3A_1091, %gather3A_1095 : vector<16xf32>
        %add3A_1097 = arith.constant 11657 : i32
        %add3A_1098 = vector.broadcast %add3A_1097 : i32 to vector<16xi32>
        %add3A_1099 = arith.addi %mul3A_150, %add3A_1098 : vector<16xi32>
        %gather3A_1100 = tpu.vector_load_idx %arg9[%add3A_1099] : memref<16640xf32, #tpu.memory_space<vmem>>[vector<16xi32>], vector<16xf32>,
        %add3A_1101 = arith.addf %add3A_1096, %gather3A_1100 : vector<16xf32>
        %add3A_1102 = arith.constant 11658 : i32
        %add3A_1103 = vector.broadcast %add3A_1102 : i32 to vector<16xi32>
        %add3A_1104 = arith.addi %mul3A_150, %add3A_1103 : vector<16xi32>
        %gather3A_1105 = tpu.vector_load_idx %arg9[%add3A_1104] : memref<16640xf32, #tpu.memory_space<vmem>>[vector<16xi32>], vector<16xf32>,
        %add3A_1106 = arith.addf %add3A_1101, %gather3A_1105 : vector<16xf32>
        %add3A_1107 = arith.constant 11659 : i32
        %add3A_1108 = vector.broadcast %add3A_1107 : i32 to vector<16xi32>
        %add3A_1109 = arith.addi %mul3A_150, %add3A_1108 : vector<16xi32>
        %gather3A_1110 = tpu.vector_load_idx %arg9[%add3A_1109] : memref<16640xf32, #tpu.memory_space<vmem>>[vector<16xi32>], vector<16xf32>,
        %add3A_1111 = arith.addf %add3A_1106, %gather3A_1110 : vector<16xf32>
        %add3A_1112 = arith.constant 11660 : i32
        %add3A_1113 = vector.broadcast %add3A_1112 : i32 to vector<16xi32>
        %add3A_1114 = arith.addi %mul3A_150, %add3A_1113 : vector<16xi32>
        %gather3A_1115 = tpu.vector_load_idx %arg9[%add3A_1114] : memref<16640xf32, #tpu.memory_space<vmem>>[vector<16xi32>], vector<16xf32>,
        %add3A_1116 = arith.addf %add3A_1111, %gather3A_1115 : vector<16xf32>
        %add3A_1117 = arith.constant 11661 : i32
        %add3A_1118 = vector.broadcast %add3A_1117 : i32 to vector<16xi32>
        %add3A_1119 = arith.addi %mul3A_150, %add3A_1118 : vector<16xi32>
        %gather3A_1120 = tpu.vector_load_idx %arg9[%add3A_1119] : memref<16640xf32, #tpu.memory_space<vmem>>[vector<16xi32>], vector<16xf32>,
        %add3A_1121 = arith.addf %add3A_1116, %gather3A_1120 : vector<16xf32>
        %add3A_1122 = arith.constant 11662 : i32
        %add3A_1123 = vector.broadcast %add3A_1122 : i32 to vector<16xi32>
        %add3A_1124 = arith.addi %mul3A_150, %add3A_1123 : vector<16xi32>
        %gather3A_1125 = tpu.vector_load_idx %arg9[%add3A_1124] : memref<16640xf32, #tpu.memory_space<vmem>>[vector<16xi32>], vector<16xf32>,
        %add3A_1126 = arith.addf %add3A_1121, %gather3A_1125 : vector<16xf32>
        %add3A_1127 = arith.constant 11663 : i32
        %add3A_1128 = vector.broadcast %add3A_1127 : i32 to vector<16xi32>
        %add3A_1129 = arith.addi %mul3A_150, %add3A_1128 : vector<16xi32>
        %gather3A_1130 = tpu.vector_load_idx %arg9[%add3A_1129] : memref<16640xf32, #tpu.memory_space<vmem>>[vector<16xi32>], vector<16xf32>,
        %add3A_1131 = arith.addf %add3A_1126, %gather3A_1130 : vector<16xf32>
        %add3A_1132 = arith.constant 11664 : i32
        %add3A_1133 = vector.broadcast %add3A_1132 : i32 to vector<16xi32>
        %add3A_1134 = arith.addi %mul3A_150, %add3A_1133 : vector<16xi32>
        %gather3A_1135 = tpu.vector_load_idx %arg9[%add3A_1134] : memref<16640xf32, #tpu.memory_space<vmem>>[vector<16xi32>], vector<16xf32>,
        %add3A_1136 = arith.addf %add3A_1131, %gather3A_1135 : vector<16xf32>
        %add3A_1137 = arith.constant 11665 : i32
        %add3A_1138 = vector.broadcast %add3A_1137 : i32 to vector<16xi32>
        %add3A_1139 = arith.addi %mul3A_150, %add3A_1138 : vector<16xi32>
        %gather3A_1140 = tpu.vector_load_idx %arg9[%add3A_1139] : memref<16640xf32, #tpu.memory_space<vmem>>[vector<16xi32>], vector<16xf32>,
        %add3A_1141 = arith.addf %add3A_1136, %gather3A_1140 : vector<16xf32>
        %add3A_1142 = arith.constant 11666 : i32
        %add3A_1143 = vector.broadcast %add3A_1142 : i32 to vector<16xi32>
        %add3A_1144 = arith.addi %mul3A_150, %add3A_1143 : vector<16xi32>
        %gather3A_1145 = tpu.vector_load_idx %arg9[%add3A_1144] : memref<16640xf32, #tpu.memory_space<vmem>>[vector<16xi32>], vector<16xf32>,
        %add3A_1146 = arith.addf %add3A_1141, %gather3A_1145 : vector<16xf32>
        %add3A_1147 = arith.constant 11667 : i32
        %add3A_1148 = vector.broadcast %add3A_1147 : i32 to vector<16xi32>
        %add3A_1149 = arith.addi %mul3A_150, %add3A_1148 : vector<16xi32>
        %gather3A_1150 = tpu.vector_load_idx %arg9[%add3A_1149] : memref<16640xf32, #tpu.memory_space<vmem>>[vector<16xi32>], vector<16xf32>,
        %add3A_1151 = arith.addf %add3A_1146, %gather3A_1150 : vector<16xf32>
        %add3A_1152 = arith.constant 11668 : i32
        %add3A_1153 = vector.broadcast %add3A_1152 : i32 to vector<16xi32>
        %add3A_1154 = arith.addi %mul3A_150, %add3A_1153 : vector<16xi32>
        %gather3A_1155 = tpu.vector_load_idx %arg9[%add3A_1154] : memref<16640xf32, #tpu.memory_space<vmem>>[vector<16xi32>], vector<16xf32>,
        %add3A_1156 = arith.addf %add3A_1151, %gather3A_1155 : vector<16xf32>
        %add3A_1157 = arith.constant 11669 : i32
        %add3A_1158 = vector.broadcast %add3A_1157 : i32 to vector<16xi32>
        %add3A_1159 = arith.addi %mul3A_150, %add3A_1158 : vector<16xi32>
        %gather3A_1160 = tpu.vector_load_idx %arg9[%add3A_1159] : memref<16640xf32, #tpu.memory_space<vmem>>[vector<16xi32>], vector<16xf32>,
        %add3A_1161 = arith.addf %add3A_1156, %gather3A_1160 : vector<16xf32>
        %add3A_1162 = arith.constant 11670 : i32
        %add3A_1163 = vector.broadcast %add3A_1162 : i32 to vector<16xi32>
        %add3A_1164 = arith.addi %mul3A_150, %add3A_1163 : vector<16xi32>
        %gather3A_1165 = tpu.vector_load_idx %arg9[%add3A_1164] : memref<16640xf32, #tpu.memory_space<vmem>>[vector<16xi32>], vector<16xf32>,
        %add3A_1166 = arith.addf %add3A_1161, %gather3A_1165 : vector<16xf32>
        %add3A_1167 = arith.constant 11671 : i32
        %add3A_1168 = vector.broadcast %add3A_1167 : i32 to vector<16xi32>
        %add3A_1169 = arith.addi %mul3A_150, %add3A_1168 : vector<16xi32>
        %gather3A_1170 = tpu.vector_load_idx %arg9[%add3A_1169] : memref<16640xf32, #tpu.memory_space<vmem>>[vector<16xi32>], vector<16xf32>,
        %add3A_1171 = arith.addf %add3A_1166, %gather3A_1170 : vector<16xf32>
        %add3A_1172 = arith.constant 11672 : i32
        %add3A_1173 = vector.broadcast %add3A_1172 : i32 to vector<16xi32>
        %add3A_1174 = arith.addi %mul3A_150, %add3A_1173 : vector<16xi32>
        %gather3A_1175 = tpu.vector_load_idx %arg9[%add3A_1174] : memref<16640xf32, #tpu.memory_space<vmem>>[vector<16xi32>], vector<16xf32>,
        %add3A_1176 = arith.addf %add3A_1171, %gather3A_1175 : vector<16xf32>
        %add3A_1177 = arith.constant 11673 : i32
        %add3A_1178 = vector.broadcast %add3A_1177 : i32 to vector<16xi32>
        %add3A_1179 = arith.addi %mul3A_150, %add3A_1178 : vector<16xi32>
        %gather3A_1180 = tpu.vector_load_idx %arg9[%add3A_1179] : memref<16640xf32, #tpu.memory_space<vmem>>[vector<16xi32>], vector<16xf32>,
        %add3A_1181 = arith.addf %add3A_1176, %gather3A_1180 : vector<16xf32>
        %add3A_1182 = arith.constant 13312 : i32
        %add3A_1183 = vector.broadcast %add3A_1182 : i32 to vector<16xi32>
        %add3A_1184 = arith.addi %mul3A_150, %add3A_1183 : vector<16xi32>
        %gather3A_1185 = tpu.vector_load_idx %arg9[%add3A_1184] : memref<16640xf32, #tpu.memory_space<vmem>>[vector<16xi32>], vector<16xf32>,
        %add3A_1186 = arith.constant 13313 : i32
        %add3A_1187 = vector.broadcast %add3A_1186 : i32 to vector<16xi32>
        %add3A_1188 = arith.addi %mul3A_150, %add3A_1187 : vector<16xi32>
        %gather3A_1189 = tpu.vector_load_idx %arg9[%add3A_1188] : memref<16640xf32, #tpu.memory_space<vmem>>[vector<16xi32>], vector<16xf32>,
        %add3A_1190 = arith.addf %gather3A_1185, %gather3A_1189 : vector<16xf32>
        %add3A_1191 = arith.constant 13314 : i32
        %add3A_1192 = vector.broadcast %add3A_1191 : i32 to vector<16xi32>
        %add3A_1193 = arith.addi %mul3A_150, %add3A_1192 : vector<16xi32>
        %gather3A_1194 = tpu.vector_load_idx %arg9[%add3A_1193] : memref<16640xf32, #tpu.memory_space<vmem>>[vector<16xi32>], vector<16xf32>,
        %add3A_1195 = arith.addf %add3A_1190, %gather3A_1194 : vector<16xf32>
        %add3A_1196 = arith.constant 13315 : i32
        %add3A_1197 = vector.broadcast %add3A_1196 : i32 to vector<16xi32>
        %add3A_1198 = arith.addi %mul3A_150, %add3A_1197 : vector<16xi32>
        %gather3A_1199 = tpu.vector_load_idx %arg9[%add3A_1198] : memref<16640xf32, #tpu.memory_space<vmem>>[vector<16xi32>], vector<16xf32>,
        %add3A_1200 = arith.addf %add3A_1195, %gather3A_1199 : vector<16xf32>
        %add3A_1201 = arith.constant 13316 : i32
        %add3A_1202 = vector.broadcast %add3A_1201 : i32 to vector<16xi32>
        %add3A_1203 = arith.addi %mul3A_150, %add3A_1202 : vector<16xi32>
        %gather3A_1204 = tpu.vector_load_idx %arg9[%add3A_1203] : memref<16640xf32, #tpu.memory_space<vmem>>[vector<16xi32>], vector<16xf32>,
        %add3A_1205 = arith.addf %add3A_1200, %gather3A_1204 : vector<16xf32>
        %add3A_1206 = arith.constant 13317 : i32
        %add3A_1207 = vector.broadcast %add3A_1206 : i32 to vector<16xi32>
        %add3A_1208 = arith.addi %mul3A_150, %add3A_1207 : vector<16xi32>
        %gather3A_1209 = tpu.vector_load_idx %arg9[%add3A_1208] : memref<16640xf32, #tpu.memory_space<vmem>>[vector<16xi32>], vector<16xf32>,
        %add3A_1210 = arith.addf %add3A_1205, %gather3A_1209 : vector<16xf32>
        %add3A_1211 = arith.constant 13318 : i32
        %add3A_1212 = vector.broadcast %add3A_1211 : i32 to vector<16xi32>
        %add3A_1213 = arith.addi %mul3A_150, %add3A_1212 : vector<16xi32>
        %gather3A_1214 = tpu.vector_load_idx %arg9[%add3A_1213] : memref<16640xf32, #tpu.memory_space<vmem>>[vector<16xi32>], vector<16xf32>,
        %add3A_1215 = arith.addf %add3A_1210, %gather3A_1214 : vector<16xf32>
        %add3A_1216 = arith.constant 13319 : i32
        %add3A_1217 = vector.broadcast %add3A_1216 : i32 to vector<16xi32>
        %add3A_1218 = arith.addi %mul3A_150, %add3A_1217 : vector<16xi32>
        %gather3A_1219 = tpu.vector_load_idx %arg9[%add3A_1218] : memref<16640xf32, #tpu.memory_space<vmem>>[vector<16xi32>], vector<16xf32>,
        %add3A_1220 = arith.addf %add3A_1215, %gather3A_1219 : vector<16xf32>
        %add3A_1221 = arith.constant 13320 : i32
        %add3A_1222 = vector.broadcast %add3A_1221 : i32 to vector<16xi32>
        %add3A_1223 = arith.addi %mul3A_150, %add3A_1222 : vector<16xi32>
        %gather3A_1224 = tpu.vector_load_idx %arg9[%add3A_1223] : memref<16640xf32, #tpu.memory_space<vmem>>[vector<16xi32>], vector<16xf32>,
        %add3A_1225 = arith.addf %add3A_1220, %gather3A_1224 : vector<16xf32>
        %add3A_1226 = arith.constant 13321 : i32
        %add3A_1227 = vector.broadcast %add3A_1226 : i32 to vector<16xi32>
        %add3A_1228 = arith.addi %mul3A_150, %add3A_1227 : vector<16xi32>
        %gather3A_1229 = tpu.vector_load_idx %arg9[%add3A_1228] : memref<16640xf32, #tpu.memory_space<vmem>>[vector<16xi32>], vector<16xf32>,
        %add3A_1230 = arith.addf %add3A_1225, %gather3A_1229 : vector<16xf32>
        %add3A_1231 = arith.constant 13322 : i32
        %add3A_1232 = vector.broadcast %add3A_1231 : i32 to vector<16xi32>
        %add3A_1233 = arith.addi %mul3A_150, %add3A_1232 : vector<16xi32>
        %gather3A_1234 = tpu.vector_load_idx %arg9[%add3A_1233] : memref<16640xf32, #tpu.memory_space<vmem>>[vector<16xi32>], vector<16xf32>,
        %add3A_1235 = arith.addf %add3A_1230, %gather3A_1234 : vector<16xf32>
        %add3A_1236 = arith.constant 13323 : i32
        %add3A_1237 = vector.broadcast %add3A_1236 : i32 to vector<16xi32>
        %add3A_1238 = arith.addi %mul3A_150, %add3A_1237 : vector<16xi32>
        %gather3A_1239 = tpu.vector_load_idx %arg9[%add3A_1238] : memref<16640xf32, #tpu.memory_space<vmem>>[vector<16xi32>], vector<16xf32>,
        %add3A_1240 = arith.addf %add3A_1235, %gather3A_1239 : vector<16xf32>
        %add3A_1241 = arith.constant 13324 : i32
        %add3A_1242 = vector.broadcast %add3A_1241 : i32 to vector<16xi32>
        %add3A_1243 = arith.addi %mul3A_150, %add3A_1242 : vector<16xi32>
        %gather3A_1244 = tpu.vector_load_idx %arg9[%add3A_1243] : memref<16640xf32, #tpu.memory_space<vmem>>[vector<16xi32>], vector<16xf32>,
        %add3A_1245 = arith.addf %add3A_1240, %gather3A_1244 : vector<16xf32>
        %add3A_1246 = arith.constant 13325 : i32
        %add3A_1247 = vector.broadcast %add3A_1246 : i32 to vector<16xi32>
        %add3A_1248 = arith.addi %mul3A_150, %add3A_1247 : vector<16xi32>
        %gather3A_1249 = tpu.vector_load_idx %arg9[%add3A_1248] : memref<16640xf32, #tpu.memory_space<vmem>>[vector<16xi32>], vector<16xf32>,
        %add3A_1250 = arith.addf %add3A_1245, %gather3A_1249 : vector<16xf32>
        %add3A_1251 = arith.constant 13326 : i32
        %add3A_1252 = vector.broadcast %add3A_1251 : i32 to vector<16xi32>
        %add3A_1253 = arith.addi %mul3A_150, %add3A_1252 : vector<16xi32>
        %gather3A_1254 = tpu.vector_load_idx %arg9[%add3A_1253] : memref<16640xf32, #tpu.memory_space<vmem>>[vector<16xi32>], vector<16xf32>,
        %add3A_1255 = arith.addf %add3A_1250, %gather3A_1254 : vector<16xf32>
        %add3A_1256 = arith.constant 13327 : i32
        %add3A_1257 = vector.broadcast %add3A_1256 : i32 to vector<16xi32>
        %add3A_1258 = arith.addi %mul3A_150, %add3A_1257 : vector<16xi32>
        %gather3A_1259 = tpu.vector_load_idx %arg9[%add3A_1258] : memref<16640xf32, #tpu.memory_space<vmem>>[vector<16xi32>], vector<16xf32>,
        %add3A_1260 = arith.addf %add3A_1255, %gather3A_1259 : vector<16xf32>
        %add3A_1261 = arith.constant 13328 : i32
        %add3A_1262 = vector.broadcast %add3A_1261 : i32 to vector<16xi32>
        %add3A_1263 = arith.addi %mul3A_150, %add3A_1262 : vector<16xi32>
        %gather3A_1264 = tpu.vector_load_idx %arg9[%add3A_1263] : memref<16640xf32, #tpu.memory_space<vmem>>[vector<16xi32>], vector<16xf32>,
        %add3A_1265 = arith.addf %add3A_1260, %gather3A_1264 : vector<16xf32>
        %add3A_1266 = arith.constant 13329 : i32
        %add3A_1267 = vector.broadcast %add3A_1266 : i32 to vector<16xi32>
        %add3A_1268 = arith.addi %mul3A_150, %add3A_1267 : vector<16xi32>
        %gather3A_1269 = tpu.vector_load_idx %arg9[%add3A_1268] : memref<16640xf32, #tpu.memory_space<vmem>>[vector<16xi32>], vector<16xf32>,
        %add3A_1270 = arith.addf %add3A_1265, %gather3A_1269 : vector<16xf32>
        %add3A_1271 = arith.constant 13330 : i32
        %add3A_1272 = vector.broadcast %add3A_1271 : i32 to vector<16xi32>
        %add3A_1273 = arith.addi %mul3A_150, %add3A_1272 : vector<16xi32>
        %gather3A_1274 = tpu.vector_load_idx %arg9[%add3A_1273] : memref<16640xf32, #tpu.memory_space<vmem>>[vector<16xi32>], vector<16xf32>,
        %add3A_1275 = arith.addf %add3A_1270, %gather3A_1274 : vector<16xf32>
        %add3A_1276 = arith.constant 13331 : i32
        %add3A_1277 = vector.broadcast %add3A_1276 : i32 to vector<16xi32>
        %add3A_1278 = arith.addi %mul3A_150, %add3A_1277 : vector<16xi32>
        %gather3A_1279 = tpu.vector_load_idx %arg9[%add3A_1278] : memref<16640xf32, #tpu.memory_space<vmem>>[vector<16xi32>], vector<16xf32>,
        %add3A_1280 = arith.addf %add3A_1275, %gather3A_1279 : vector<16xf32>
        %add3A_1281 = arith.constant 13332 : i32
        %add3A_1282 = vector.broadcast %add3A_1281 : i32 to vector<16xi32>
        %add3A_1283 = arith.addi %mul3A_150, %add3A_1282 : vector<16xi32>
        %gather3A_1284 = tpu.vector_load_idx %arg9[%add3A_1283] : memref<16640xf32, #tpu.memory_space<vmem>>[vector<16xi32>], vector<16xf32>,
        %add3A_1285 = arith.addf %add3A_1280, %gather3A_1284 : vector<16xf32>
        %add3A_1286 = arith.constant 13333 : i32
        %add3A_1287 = vector.broadcast %add3A_1286 : i32 to vector<16xi32>
        %add3A_1288 = arith.addi %mul3A_150, %add3A_1287 : vector<16xi32>
        %gather3A_1289 = tpu.vector_load_idx %arg9[%add3A_1288] : memref<16640xf32, #tpu.memory_space<vmem>>[vector<16xi32>], vector<16xf32>,
        %add3A_1290 = arith.addf %add3A_1285, %gather3A_1289 : vector<16xf32>
        %add3A_1291 = arith.constant 13334 : i32
        %add3A_1292 = vector.broadcast %add3A_1291 : i32 to vector<16xi32>
        %add3A_1293 = arith.addi %mul3A_150, %add3A_1292 : vector<16xi32>
        %gather3A_1294 = tpu.vector_load_idx %arg9[%add3A_1293] : memref<16640xf32, #tpu.memory_space<vmem>>[vector<16xi32>], vector<16xf32>,
        %add3A_1295 = arith.addf %add3A_1290, %gather3A_1294 : vector<16xf32>
        %add3A_1296 = arith.constant 13335 : i32
        %add3A_1297 = vector.broadcast %add3A_1296 : i32 to vector<16xi32>
        %add3A_1298 = arith.addi %mul3A_150, %add3A_1297 : vector<16xi32>
        %gather3A_1299 = tpu.vector_load_idx %arg9[%add3A_1298] : memref<16640xf32, #tpu.memory_space<vmem>>[vector<16xi32>], vector<16xf32>,
        %add3A_1300 = arith.addf %add3A_1295, %gather3A_1299 : vector<16xf32>
        %add3A_1301 = arith.constant 13336 : i32
        %add3A_1302 = vector.broadcast %add3A_1301 : i32 to vector<16xi32>
        %add3A_1303 = arith.addi %mul3A_150, %add3A_1302 : vector<16xi32>
        %gather3A_1304 = tpu.vector_load_idx %arg9[%add3A_1303] : memref<16640xf32, #tpu.memory_space<vmem>>[vector<16xi32>], vector<16xf32>,
        %add3A_1305 = arith.addf %add3A_1300, %gather3A_1304 : vector<16xf32>
        %add3A_1306 = arith.constant 13337 : i32
        %add3A_1307 = vector.broadcast %add3A_1306 : i32 to vector<16xi32>
        %add3A_1308 = arith.addi %mul3A_150, %add3A_1307 : vector<16xi32>
        %gather3A_1309 = tpu.vector_load_idx %arg9[%add3A_1308] : memref<16640xf32, #tpu.memory_space<vmem>>[vector<16xi32>], vector<16xf32>,
        %add3A_1310 = arith.addf %add3A_1305, %gather3A_1309 : vector<16xf32>
        %add3A_1311 = arith.constant 14976 : i32
        %add3A_1312 = vector.broadcast %add3A_1311 : i32 to vector<16xi32>
        %add3A_1313 = arith.addi %mul3A_150, %add3A_1312 : vector<16xi32>
        %gather3A_1314 = tpu.vector_load_idx %arg9[%add3A_1313] : memref<16640xf32, #tpu.memory_space<vmem>>[vector<16xi32>], vector<16xf32>,
        %add3A_1315 = arith.constant 14977 : i32
        %add3A_1316 = vector.broadcast %add3A_1315 : i32 to vector<16xi32>
        %add3A_1317 = arith.addi %mul3A_150, %add3A_1316 : vector<16xi32>
        %gather3A_1318 = tpu.vector_load_idx %arg9[%add3A_1317] : memref<16640xf32, #tpu.memory_space<vmem>>[vector<16xi32>], vector<16xf32>,
        %add3A_1319 = arith.addf %gather3A_1314, %gather3A_1318 : vector<16xf32>
        %add3A_1320 = arith.constant 14978 : i32
        %add3A_1321 = vector.broadcast %add3A_1320 : i32 to vector<16xi32>
        %add3A_1322 = arith.addi %mul3A_150, %add3A_1321 : vector<16xi32>
        %gather3A_1323 = tpu.vector_load_idx %arg9[%add3A_1322] : memref<16640xf32, #tpu.memory_space<vmem>>[vector<16xi32>], vector<16xf32>,
        %add3A_1324 = arith.addf %add3A_1319, %gather3A_1323 : vector<16xf32>
        %add3A_1325 = arith.constant 14979 : i32
        %add3A_1326 = vector.broadcast %add3A_1325 : i32 to vector<16xi32>
        %add3A_1327 = arith.addi %mul3A_150, %add3A_1326 : vector<16xi32>
        %gather3A_1328 = tpu.vector_load_idx %arg9[%add3A_1327] : memref<16640xf32, #tpu.memory_space<vmem>>[vector<16xi32>], vector<16xf32>,
        %add3A_1329 = arith.addf %add3A_1324, %gather3A_1328 : vector<16xf32>
        %add3A_1330 = arith.constant 14980 : i32
        %add3A_1331 = vector.broadcast %add3A_1330 : i32 to vector<16xi32>
        %add3A_1332 = arith.addi %mul3A_150, %add3A_1331 : vector<16xi32>
        %gather3A_1333 = tpu.vector_load_idx %arg9[%add3A_1332] : memref<16640xf32, #tpu.memory_space<vmem>>[vector<16xi32>], vector<16xf32>,
        %add3A_1334 = arith.addf %add3A_1329, %gather3A_1333 : vector<16xf32>
        %add3A_1335 = arith.constant 14981 : i32
        %add3A_1336 = vector.broadcast %add3A_1335 : i32 to vector<16xi32>
        %add3A_1337 = arith.addi %mul3A_150, %add3A_1336 : vector<16xi32>
        %gather3A_1338 = tpu.vector_load_idx %arg9[%add3A_1337] : memref<16640xf32, #tpu.memory_space<vmem>>[vector<16xi32>], vector<16xf32>,
        %add3A_1339 = arith.addf %add3A_1334, %gather3A_1338 : vector<16xf32>
        %add3A_1340 = arith.constant 14982 : i32
        %add3A_1341 = vector.broadcast %add3A_1340 : i32 to vector<16xi32>
        %add3A_1342 = arith.addi %mul3A_150, %add3A_1341 : vector<16xi32>
        %gather3A_1343 = tpu.vector_load_idx %arg9[%add3A_1342] : memref<16640xf32, #tpu.memory_space<vmem>>[vector<16xi32>], vector<16xf32>,
        %add3A_1344 = arith.addf %add3A_1339, %gather3A_1343 : vector<16xf32>
        %add3A_1345 = arith.constant 14983 : i32
        %add3A_1346 = vector.broadcast %add3A_1345 : i32 to vector<16xi32>
        %add3A_1347 = arith.addi %mul3A_150, %add3A_1346 : vector<16xi32>
        %gather3A_1348 = tpu.vector_load_idx %arg9[%add3A_1347] : memref<16640xf32, #tpu.memory_space<vmem>>[vector<16xi32>], vector<16xf32>,
        %add3A_1349 = arith.addf %add3A_1344, %gather3A_1348 : vector<16xf32>
        %add3A_1350 = arith.constant 14984 : i32
        %add3A_1351 = vector.broadcast %add3A_1350 : i32 to vector<16xi32>
        %add3A_1352 = arith.addi %mul3A_150, %add3A_1351 : vector<16xi32>
        %gather3A_1353 = tpu.vector_load_idx %arg9[%add3A_1352] : memref<16640xf32, #tpu.memory_space<vmem>>[vector<16xi32>], vector<16xf32>,
        %add3A_1354 = arith.addf %add3A_1349, %gather3A_1353 : vector<16xf32>
        %add3A_1355 = arith.constant 14985 : i32
        %add3A_1356 = vector.broadcast %add3A_1355 : i32 to vector<16xi32>
        %add3A_1357 = arith.addi %mul3A_150, %add3A_1356 : vector<16xi32>
        %gather3A_1358 = tpu.vector_load_idx %arg9[%add3A_1357] : memref<16640xf32, #tpu.memory_space<vmem>>[vector<16xi32>], vector<16xf32>,
        %add3A_1359 = arith.addf %add3A_1354, %gather3A_1358 : vector<16xf32>
        %add3A_1360 = arith.constant 14986 : i32
        %add3A_1361 = vector.broadcast %add3A_1360 : i32 to vector<16xi32>
        %add3A_1362 = arith.addi %mul3A_150, %add3A_1361 : vector<16xi32>
        %gather3A_1363 = tpu.vector_load_idx %arg9[%add3A_1362] : memref<16640xf32, #tpu.memory_space<vmem>>[vector<16xi32>], vector<16xf32>,
        %add3A_1364 = arith.addf %add3A_1359, %gather3A_1363 : vector<16xf32>
        %add3A_1365 = arith.constant 14987 : i32
        %add3A_1366 = vector.broadcast %add3A_1365 : i32 to vector<16xi32>
        %add3A_1367 = arith.addi %mul3A_150, %add3A_1366 : vector<16xi32>
        %gather3A_1368 = tpu.vector_load_idx %arg9[%add3A_1367] : memref<16640xf32, #tpu.memory_space<vmem>>[vector<16xi32>], vector<16xf32>,
        %add3A_1369 = arith.addf %add3A_1364, %gather3A_1368 : vector<16xf32>
        %add3A_1370 = arith.constant 14988 : i32
        %add3A_1371 = vector.broadcast %add3A_1370 : i32 to vector<16xi32>
        %add3A_1372 = arith.addi %mul3A_150, %add3A_1371 : vector<16xi32>
        %gather3A_1373 = tpu.vector_load_idx %arg9[%add3A_1372] : memref<16640xf32, #tpu.memory_space<vmem>>[vector<16xi32>], vector<16xf32>,
        %add3A_1374 = arith.addf %add3A_1369, %gather3A_1373 : vector<16xf32>
        %add3A_1375 = arith.constant 14989 : i32
        %add3A_1376 = vector.broadcast %add3A_1375 : i32 to vector<16xi32>
        %add3A_1377 = arith.addi %mul3A_150, %add3A_1376 : vector<16xi32>
        %gather3A_1378 = tpu.vector_load_idx %arg9[%add3A_1377] : memref<16640xf32, #tpu.memory_space<vmem>>[vector<16xi32>], vector<16xf32>,
        %add3A_1379 = arith.addf %add3A_1374, %gather3A_1378 : vector<16xf32>
        %add3A_1380 = arith.constant 14990 : i32
        %add3A_1381 = vector.broadcast %add3A_1380 : i32 to vector<16xi32>
        %add3A_1382 = arith.addi %mul3A_150, %add3A_1381 : vector<16xi32>
        %gather3A_1383 = tpu.vector_load_idx %arg9[%add3A_1382] : memref<16640xf32, #tpu.memory_space<vmem>>[vector<16xi32>], vector<16xf32>,
        %add3A_1384 = arith.addf %add3A_1379, %gather3A_1383 : vector<16xf32>
        %add3A_1385 = arith.constant 14991 : i32
        %add3A_1386 = vector.broadcast %add3A_1385 : i32 to vector<16xi32>
        %add3A_1387 = arith.addi %mul3A_150, %add3A_1386 : vector<16xi32>
        %gather3A_1388 = tpu.vector_load_idx %arg9[%add3A_1387] : memref<16640xf32, #tpu.memory_space<vmem>>[vector<16xi32>], vector<16xf32>,
        %add3A_1389 = arith.addf %add3A_1384, %gather3A_1388 : vector<16xf32>
        %add3A_1390 = arith.constant 14992 : i32
        %add3A_1391 = vector.broadcast %add3A_1390 : i32 to vector<16xi32>
        %add3A_1392 = arith.addi %mul3A_150, %add3A_1391 : vector<16xi32>
        %gather3A_1393 = tpu.vector_load_idx %arg9[%add3A_1392] : memref<16640xf32, #tpu.memory_space<vmem>>[vector<16xi32>], vector<16xf32>,
        %add3A_1394 = arith.addf %add3A_1389, %gather3A_1393 : vector<16xf32>
        %add3A_1395 = arith.constant 14993 : i32
        %add3A_1396 = vector.broadcast %add3A_1395 : i32 to vector<16xi32>
        %add3A_1397 = arith.addi %mul3A_150, %add3A_1396 : vector<16xi32>
        %gather3A_1398 = tpu.vector_load_idx %arg9[%add3A_1397] : memref<16640xf32, #tpu.memory_space<vmem>>[vector<16xi32>], vector<16xf32>,
        %add3A_1399 = arith.addf %add3A_1394, %gather3A_1398 : vector<16xf32>
        %add3A_1400 = arith.constant 14994 : i32
        %add3A_1401 = vector.broadcast %add3A_1400 : i32 to vector<16xi32>
        %add3A_1402 = arith.addi %mul3A_150, %add3A_1401 : vector<16xi32>
        %gather3A_1403 = tpu.vector_load_idx %arg9[%add3A_1402] : memref<16640xf32, #tpu.memory_space<vmem>>[vector<16xi32>], vector<16xf32>,
        %add3A_1404 = arith.addf %add3A_1399, %gather3A_1403 : vector<16xf32>
        %add3A_1405 = arith.constant 14995 : i32
        %add3A_1406 = vector.broadcast %add3A_1405 : i32 to vector<16xi32>
        %add3A_1407 = arith.addi %mul3A_150, %add3A_1406 : vector<16xi32>
        %gather3A_1408 = tpu.vector_load_idx %arg9[%add3A_1407] : memref<16640xf32, #tpu.memory_space<vmem>>[vector<16xi32>], vector<16xf32>,
        %add3A_1409 = arith.addf %add3A_1404, %gather3A_1408 : vector<16xf32>
        %add3A_1410 = arith.constant 14996 : i32
        %add3A_1411 = vector.broadcast %add3A_1410 : i32 to vector<16xi32>
        %add3A_1412 = arith.addi %mul3A_150, %add3A_1411 : vector<16xi32>
        %gather3A_1413 = tpu.vector_load_idx %arg9[%add3A_1412] : memref<16640xf32, #tpu.memory_space<vmem>>[vector<16xi32>], vector<16xf32>,
        %add3A_1414 = arith.addf %add3A_1409, %gather3A_1413 : vector<16xf32>
        %add3A_1415 = arith.constant 14997 : i32
        %add3A_1416 = vector.broadcast %add3A_1415 : i32 to vector<16xi32>
        %add3A_1417 = arith.addi %mul3A_150, %add3A_1416 : vector<16xi32>
        %gather3A_1418 = tpu.vector_load_idx %arg9[%add3A_1417] : memref<16640xf32, #tpu.memory_space<vmem>>[vector<16xi32>], vector<16xf32>,
        %add3A_1419 = arith.addf %add3A_1414, %gather3A_1418 : vector<16xf32>
        %add3A_1420 = arith.constant 14998 : i32
        %add3A_1421 = vector.broadcast %add3A_1420 : i32 to vector<16xi32>
        %add3A_1422 = arith.addi %mul3A_150, %add3A_1421 : vector<16xi32>
        %gather3A_1423 = tpu.vector_load_idx %arg9[%add3A_1422] : memref<16640xf32, #tpu.memory_space<vmem>>[vector<16xi32>], vector<16xf32>,
        %add3A_1424 = arith.addf %add3A_1419, %gather3A_1423 : vector<16xf32>
        %add3A_1425 = arith.constant 14999 : i32
        %add3A_1426 = vector.broadcast %add3A_1425 : i32 to vector<16xi32>
        %add3A_1427 = arith.addi %mul3A_150, %add3A_1426 : vector<16xi32>
        %gather3A_1428 = tpu.vector_load_idx %arg9[%add3A_1427] : memref<16640xf32, #tpu.memory_space<vmem>>[vector<16xi32>], vector<16xf32>,
        %add3A_1429 = arith.addf %add3A_1424, %gather3A_1428 : vector<16xf32>
        %add3A_1430 = arith.constant 15000 : i32
        %add3A_1431 = vector.broadcast %add3A_1430 : i32 to vector<16xi32>
        %add3A_1432 = arith.addi %mul3A_150, %add3A_1431 : vector<16xi32>
        %gather3A_1433 = tpu.vector_load_idx %arg9[%add3A_1432] : memref<16640xf32, #tpu.memory_space<vmem>>[vector<16xi32>], vector<16xf32>,
        %add3A_1434 = arith.addf %add3A_1429, %gather3A_1433 : vector<16xf32>
        %add3A_1435 = arith.constant 15001 : i32
        %add3A_1436 = vector.broadcast %add3A_1435 : i32 to vector<16xi32>
        %add3A_1437 = arith.addi %mul3A_150, %add3A_1436 : vector<16xi32>
        %gather3A_1438 = tpu.vector_load_idx %arg9[%add3A_1437] : memref<16640xf32, #tpu.memory_space<vmem>>[vector<16xi32>], vector<16xf32>,
        %add3A_1439 = arith.addf %add3A_1434, %gather3A_1438 : vector<16xf32>
        %max3A = arith.maximumf %add3A_923, %add3A_1052 : vector<16xf32>
        %max3A_1440 = arith.maximumf %max3A, %add3A_1181 : vector<16xf32>
        %max3A_1441 = arith.maximumf %max3A_1440, %add3A_1310 : vector<16xf32>
        %max3A_1442 = arith.maximumf %max3A_1441, %add3A_1439 : vector<16xf32>
        %sub3A = arith.subf %add3A_923, %max3A_1442 : vector<16xf32>
        %exp3A = math.exp %sub3A : vector<16xf32>
        %sub3A_1443 = arith.subf %add3A_1052, %max3A_1442 : vector<16xf32>
        %exp3A_1444 = math.exp %sub3A_1443 : vector<16xf32>
        %sub3A_1445 = arith.subf %add3A_1181, %max3A_1442 : vector<16xf32>
        %exp3A_1446 = math.exp %sub3A_1445 : vector<16xf32>
        %sub3A_1447 = arith.subf %add3A_1310, %max3A_1442 : vector<16xf32>
        %exp3A_1448 = math.exp %sub3A_1447 : vector<16xf32>
        %sub3A_1449 = arith.subf %add3A_1439, %max3A_1442 : vector<16xf32>
        %exp3A_1450 = math.exp %sub3A_1449 : vector<16xf32>
        %add3A_1451 = arith.addf %exp3A, %exp3A_1444 : vector<16xf32>
        %add3A_1452 = arith.addf %add3A_1451, %exp3A_1446 : vector<16xf32>
        %add3A_1453 = arith.addf %add3A_1452, %exp3A_1448 : vector<16xf32>
        %add3A_1454 = arith.addf %add3A_1453, %exp3A_1450 : vector<16xf32>
        %broadcast_in_dim3A = arith.constant 0 : i32
        %broadcast_in_dim3A_1455 = vector.broadcast %broadcast_in_dim3A : i32 to vector<16xi32>
        %gather3A_1456 = tpu.vector_load_idx %arg11[%broadcast_in_dim3A_1455] : memref<16xf32, #tpu.memory_space<vmem>>[vector<16xi32>], vector<16xf32>,
        %add3A_1457 = arith.addf %add3A_278, %gather3A_1456 : vector<16xf32>
        %neg3A = arith.constant 0.000000e+00 : f32
        %neg3A_1458 = vector.broadcast %neg3A : f32 to vector<16xf32>
        %neg3A_1459 = arith.subf %neg3A_1458, %add3A_1457 : vector<16xf32>
        %exp3A_1460 = math.exp %neg3A_1459 : vector<16xf32>
        %add3A_1461 = arith.constant 1.000000e+00 : f32
        %add3A_1462 = vector.broadcast %add3A_1461 : f32 to vector<16xf32>
        %add3A_1463 = arith.addf %add3A_1462, %exp3A_1460 : vector<16xf32>
        %div3A = arith.constant 1.000000e+00 : f32
        %div3A_1464 = vector.broadcast %div3A : f32 to vector<16xf32>
        %div3A_1465 = arith.divf %div3A_1464, %add3A_1463 : vector<16xf32>
        %mul3A_1466 = arith.mulf %exp3A, %div3A_1465 : vector<16xf32>
        %broadcast_in_dim3A_1467 = arith.constant 1 : i32
        %broadcast_in_dim3A_1468 = vector.broadcast %broadcast_in_dim3A_1467 : i32 to vector<16xi32>
        %gather3A_1469 = tpu.vector_load_idx %arg11[%broadcast_in_dim3A_1468] : memref<16xf32, #tpu.memory_space<vmem>>[vector<16xi32>], vector<16xf32>,
        %add3A_1470 = arith.addf %add3A_407, %gather3A_1469 : vector<16xf32>
        %neg3A_1471 = arith.constant 0.000000e+00 : f32
        %neg3A_1472 = vector.broadcast %neg3A_1471 : f32 to vector<16xf32>
        %neg3A_1473 = arith.subf %neg3A_1472, %add3A_1470 : vector<16xf32>
        %exp3A_1474 = math.exp %neg3A_1473 : vector<16xf32>
        %add3A_1475 = arith.constant 1.000000e+00 : f32
        %add3A_1476 = vector.broadcast %add3A_1475 : f32 to vector<16xf32>
        %add3A_1477 = arith.addf %add3A_1476, %exp3A_1474 : vector<16xf32>
        %div3A_1478 = arith.constant 1.000000e+00 : f32
        %div3A_1479 = vector.broadcast %div3A_1478 : f32 to vector<16xf32>
        %div3A_1480 = arith.divf %div3A_1479, %add3A_1477 : vector<16xf32>
        %mul3A_1481 = arith.mulf %exp3A_1444, %div3A_1480 : vector<16xf32>
        %add3A_1482 = arith.addf %mul3A_1466, %mul3A_1481 : vector<16xf32>
        %broadcast_in_dim3A_1483 = arith.constant 2 : i32
        %broadcast_in_dim3A_1484 = vector.broadcast %broadcast_in_dim3A_1483 : i32 to vector<16xi32>
        %gather3A_1485 = tpu.vector_load_idx %arg11[%broadcast_in_dim3A_1484] : memref<16xf32, #tpu.memory_space<vmem>>[vector<16xi32>], vector<16xf32>,
        %add3A_1486 = arith.addf %add3A_536, %gather3A_1485 : vector<16xf32>
        %neg3A_1487 = arith.constant 0.000000e+00 : f32
        %neg3A_1488 = vector.broadcast %neg3A_1487 : f32 to vector<16xf32>
        %neg3A_1489 = arith.subf %neg3A_1488, %add3A_1486 : vector<16xf32>
        %exp3A_1490 = math.exp %neg3A_1489 : vector<16xf32>
        %add3A_1491 = arith.constant 1.000000e+00 : f32
        %add3A_1492 = vector.broadcast %add3A_1491 : f32 to vector<16xf32>
        %add3A_1493 = arith.addf %add3A_1492, %exp3A_1490 : vector<16xf32>
        %div3A_1494 = arith.constant 1.000000e+00 : f32
        %div3A_1495 = vector.broadcast %div3A_1494 : f32 to vector<16xf32>
        %div3A_1496 = arith.divf %div3A_1495, %add3A_1493 : vector<16xf32>
        %mul3A_1497 = arith.mulf %exp3A_1446, %div3A_1496 : vector<16xf32>
        %add3A_1498 = arith.addf %add3A_1482, %mul3A_1497 : vector<16xf32>
        %broadcast_in_dim3A_1499 = arith.constant 3 : i32
        %broadcast_in_dim3A_1500 = vector.broadcast %broadcast_in_dim3A_1499 : i32 to vector<16xi32>
        %gather3A_1501 = tpu.vector_load_idx %arg11[%broadcast_in_dim3A_1500] : memref<16xf32, #tpu.memory_space<vmem>>[vector<16xi32>], vector<16xf32>,
        %add3A_1502 = arith.addf %add3A_665, %gather3A_1501 : vector<16xf32>
        %neg3A_1503 = arith.constant 0.000000e+00 : f32
        %neg3A_1504 = vector.broadcast %neg3A_1503 : f32 to vector<16xf32>
        %neg3A_1505 = arith.subf %neg3A_1504, %add3A_1502 : vector<16xf32>
        %exp3A_1506 = math.exp %neg3A_1505 : vector<16xf32>
        %add3A_1507 = arith.constant 1.000000e+00 : f32
        %add3A_1508 = vector.broadcast %add3A_1507 : f32 to vector<16xf32>
        %add3A_1509 = arith.addf %add3A_1508, %exp3A_1506 : vector<16xf32>
        %div3A_1510 = arith.constant 1.000000e+00 : f32
        %div3A_1511 = vector.broadcast %div3A_1510 : f32 to vector<16xf32>
        %div3A_1512 = arith.divf %div3A_1511, %add3A_1509 : vector<16xf32>
        %mul3A_1513 = arith.mulf %exp3A_1448, %div3A_1512 : vector<16xf32>
        %add3A_1514 = arith.addf %add3A_1498, %mul3A_1513 : vector<16xf32>
        %broadcast_in_dim3A_1515 = arith.constant 4 : i32
        %broadcast_in_dim3A_1516 = vector.broadcast %broadcast_in_dim3A_1515 : i32 to vector<16xi32>
        %gather3A_1517 = tpu.vector_load_idx %arg11[%broadcast_in_dim3A_1516] : memref<16xf32, #tpu.memory_space<vmem>>[vector<16xi32>], vector<16xf32>,
        %add3A_1518 = arith.addf %add3A_794, %gather3A_1517 : vector<16xf32>
        %neg3A_1519 = arith.constant 0.000000e+00 : f32
        %neg3A_1520 = vector.broadcast %neg3A_1519 : f32 to vector<16xf32>
        %neg3A_1521 = arith.subf %neg3A_1520, %add3A_1518 : vector<16xf32>
        %exp3A_1522 = math.exp %neg3A_1521 : vector<16xf32>
        %add3A_1523 = arith.constant 1.000000e+00 : f32
        %add3A_1524 = vector.broadcast %add3A_1523 : f32 to vector<16xf32>
        %add3A_1525 = arith.addf %add3A_1524, %exp3A_1522 : vector<16xf32>
        %div3A_1526 = arith.constant 1.000000e+00 : f32
        %div3A_1527 = vector.broadcast %div3A_1526 : f32 to vector<16xf32>
        %div3A_1528 = arith.divf %div3A_1527, %add3A_1525 : vector<16xf32>
        %mul3A_1529 = arith.mulf %exp3A_1450, %div3A_1528 : vector<16xf32>
        %add3A_1530 = arith.addf %add3A_1514, %mul3A_1529 : vector<16xf32>
        %div3A_1531 = arith.divf %add3A_1530, %add3A_1454 : vector<16xf32>
        %mul3A_1532 = arith.constant 16 : i32
        %mul3A_1533 = arith.muli %scan3A_143, %mul3A_1532 : i32
        %swap3A = arith.index_cast %mul3A_1533 : i32 to index
        %swap3A_1534 = tpu.vector_load %arg10[%swap3A] {strides = array<i32>} : memref<64xf32, #tpu.memory_space<vmem>>, vector<16xf32>,
        tpu.vector_store %arg10[%swap3A], %div3A_1531 {strides = array<i32>} : memref<64xf32, #tpu.memory_space<vmem>>, vector<16xf32>,
      }
      %scan3A_137 = arith.constant 4 : i32
      %mul3A_138 = arith.constant 512 : i32
      %mul3A_139 = arith.muli %add3A, %mul3A_138 : i32
      %mul3A_140 = arith.constant 64 : i32
      %mul3A_141 = arith.muli %scan3A_9, %mul3A_140 : i32
      %add3A_142 = arith.addi %mul3A_139, %mul3A_141 : i32
      "tpu.region"() ({
        %run_scoped3A = tpu.sem_alloc : memref<!tpu.dma_semaphore, #tpu.memory_space<semaphore_mem>>
        %dma_start3A_143 = tpu.memref_slice %arg6[%add3A_142] : memref<16384xf32, #tpu.memory_space<hbm>> -> memref<64xf32, #tpu.memory_space<hbm>>
        %dma_start3A_144 = tpu.memref_slice %arg6[%add3A_142] : memref<16384xf32, #tpu.memory_space<hbm>> -> memref<64xf32, #tpu.memory_space<hbm>>
        tpu.enqueue_dma source(%arg10 : memref<64xf32, #tpu.memory_space<vmem>>) target(%dma_start3A_144 : memref<64xf32, #tpu.memory_space<hbm>>) target_semaphore(%run_scoped3A : memref<!tpu.dma_semaphore, #tpu.memory_space<semaphore_mem>>)
        %dma_wait3A_145 = tpu.memref_slice %arg6[%add3A_142] : memref<16384xf32, #tpu.memory_space<hbm>> -> memref<64xf32, #tpu.memory_space<hbm>>
        %dma_wait3A_146 = tpu.memref_slice %arg6[%add3A_142] : memref<16384xf32, #tpu.memory_space<hbm>> -> memref<64xf32, #tpu.memory_space<hbm>>
        tpu.wait_dma2 semaphore(%run_scoped3A : memref<!tpu.dma_semaphore, #tpu.memory_space<semaphore_mem>>) src(%arg10 : memref<64xf32, #tpu.memory_space<vmem>>) dst(%dma_wait3A_146 : memref<64xf32, #tpu.memory_space<hbm>>)
        tpu.yield
      }) : () -> ()
    }
    %scan3A_8 = arith.constant 8 : i32
    return
  }
}

</mosaic_0001>

<sc_bundles>
// kernel: kernel.3.cloned.1.call-start
scs
__scs_entry_jumppad:
0x0: {  	(pc) =	sbr.rel $0x88, $3  }
0x1: {  	(tag) =	ssettag $0x0;
	lr =	simm.s32 $0x1  }
0x2: {  	[smem:$0x3F9D] =	sst lr;
	_ =	strace $0xD0000000  }
0x3: {  	_ = 	snop  }
0x4: {  	_ = 	snop  }
0x5: {  	_ = 	snop  }
0x6: {  	_ = 	snop  }
0x7: {  	_ = 	snop  }
__scs_overlays_trampoline_lowered:
0x8: {  	[smem:$0x3FAC] =	sst s0  }
0x9: {  	[smem:$0x3FAD] =	sst s1  }
0xa: {  	[smem:$0x3FAE] =	sst s2  }
0xb: {  	[smem:$0x3FAF] =	sst s3  }
0xc: {  	[smem:$0x3FB0] =	sst s4  }
0xd: {  	[smem:$0x3FB1] =	sst s5  }
0xe: {  	[smem:$0x3FB2] =	sst s6  }
0xf: {  	[smem:$0x3FB3] =	sst s7  }
0x10: {  	[smem:$0x3FB4] =	sst s8  }
0x11: {  	[smem:$0x3FB5] =	sst s9;
	s0 =	simm.s32 @!p0 $0x0  }
0x12: {  	s1 =	sld [smem:$0x3F9B];
	s0 =	simm.s32 @p0 $0x1  }
0x13: {  	[smem:$0x3FB6] =	sst s0;
	s0 =	simm.s32 @!p1 $0x0  }
0x14: {  	s2 =	sld [smem:$0x3F9A];
	s0 =	simm.s32 @p1 $0x1  }
0x15: {  	[smem:$0x3FB7] =	sst s0;
	s0 =	simm.s32 @!p2 $0x0  }
0x16: {  	s3 =	sld [smem:$0x3FDB];
	s0 =	simm.s32 @p2 $0x1  }
0x17: {  	s4 =	simm.s32 $0x1BF5;
	[smem:$0x3FB9] =	sst s0  }
0x18: {  	s0 =	sld [smem:$0x3F9C];
	_ =	swait.ge [sflag:s4], $0x0  }
0x19: {  	s7 =	sld [smem:$0x3F9D]  }
0x1a: {  	s8 =	sadd.s32 $0xFFFFE003, lr  }
0x1b: {  	s9 =	sadd.s32 $0xFFFFFEF7, lr;
	s5 =	simm.s32 $0xFFFFFFFF;
	p2 =	slt.u32 s8, $0xFFFFF086  }
0x1c: {  	p1 =	slt.u32 s9, $0xF7A;
	s5 =	simm.s32 @!p2 $0x0  }
0x1d: {  	s5 =	simm.s32 @p1 $0x1;
	p0 =	seq.s32 s7, s2  }
0x1e: {  	s7 =	smul.u32 @!p0 $0xF7A, s2;
	p2 =	seq.s32 @!p0 s5, $0x0  }
0x1f: {  	s9 =	smul.u32 $0xF7A, s1;
	s8 =	simm.s32 @!p0 $0x1BF5;
	p2 =	por !p2, p0  }
0x20: {  	[sflag:s8] =	ssyncset.s32 @!p0 $0xFFFFF086;
	s6 =	sadd.s32 @!p0 s3, s7;
	s7 =	simm.s32 @!p0 $0x108  }
0x21: {  	s3 =	sadd.s32 s3, s9;
	s6 =	sadd.s32 @!p0 $0x88, s6;
	s7 =	simm.s32 @p2 $0x1082  }
0x22: {  	[simem:s7], [sflag:s8] =	dma.local @!p0 [hbm:s6], $0xF7A  }
0x23: {  	s9 =	sor.u32 $0xD0000000, s2;
	s6 =	simm.s32 $0x108;
	_ =	swait.ge @!p0 [sflag:s8], $0x0  }
0x24: {  	s3 =	sadd.s32 $0x88, s3;
	s6 =	simm.s32 @!p1 $0x1082;
	[sflag:s4] =	ssyncset.s32 $0xFFFFF086  }
0x25: {  	[simem:s6], [sflag:s4] =	dma.local [hbm:s3], $0xF7A  }
0x26: {  	[smem:$0x3F9D] =	sst s1;
	(tag) =	ssettag s2;
	_ =	strace s9  }
0x27: {  	s1 =	sld [smem:$0x3FAD]  }
0x28: {  	s2 =	sld [smem:$0x3FAE]  }
0x29: {  	s4 =	sld [smem:$0x3FB0]  }
0x2a: {  	p0 =	seq.s32 s5, $0x0;
	s5 =	sld [smem:$0x3FB1]  }
0x2b: {  	s6 =	sld [smem:$0x3FB2]  }
0x2c: {  	s7 =	sld [smem:$0x3FB3]  }
0x2d: {  	s3 =	simm.s32 $0x108;
	s8 =	sld [smem:$0x3FB4]  }
0x2e: {  	s3 =	simm.s32 @!p0 $0x1082;
	s9 =	sld [smem:$0x3FB5]  }
0x2f: {  	lr =	sadd.s32 s0, s3;
	s0 =	sld [smem:$0x3FAC]  }
0x30: {  	s3 =	sld [smem:$0x3FAF]  }
0x31: {  	[smem:$0x3FB8] =	sst s10  }
0x32: {  	s10 =	sld [smem:$0x3FB6];
	_ =	sdelay $0x3  }
0x33: {  	p0 =	seq.s32 s10, $0x1;
	s10 =	sld [smem:$0x3FB8];
	_ =	sdelay $0x3  }
0x34: {  	[smem:$0x3FB8] =	sst s10  }
0x35: {  	s10 =	sld [smem:$0x3FB7];
	_ =	sdelay $0x3  }
0x36: {  	p1 =	seq.s32 s10, $0x1;
	s10 =	sld [smem:$0x3FB8];
	_ =	sdelay $0x3  }
0x37: {  	[smem:$0x3FB8] =	sst s10  }
0x38: {  	s10 =	sld [smem:$0x3FB9]  }
0x39: {  	_ = 	snop;
	(pc) =	sbr.ind lr, $3  }
0x3a: {  	_ = 	snop  }
0x3b: {  	_ = 	snop  }
0x3c: {  	p2 =	seq.s32 s10, $0x1;
	s10 =	sld [smem:$0x3FB8]  }
0x3d: {  	_ =	shalt  }
0x3e: {  	_ =	shalt  }
0x3f: {  	_ =	shalt  }
0x40: {  	_ =	shalt  }
0x41: {  	_ =	shalt  }
0x42: {  	_ =	shalt  }
0x43: {  	_ =	shalt  }
0x44: {  	_ =	shalt  }
0x45: {  	_ =	shalt  }
0x46: {  	_ =	shalt  }
0x47: {  	_ =	shalt  }
0x48: {  	_ =	shalt  }
0x49: {  	_ =	shalt  }
0x4a: {  	_ =	shalt  }
0x4b: {  	_ =	shalt  }
0x4c: {  	_ =	shalt  }
0x4d: {  	_ =	shalt  }
0x4e: {  	_ =	shalt  }
0x4f: {  	_ =	shalt  }
0x50: {  	_ =	shalt  }
0x51: {  	_ =	shalt  }
0x52: {  	_ =	shalt  }
0x53: {  	_ =	shalt  }
0x54: {  	_ =	shalt  }
0x55: {  	_ =	shalt  }
0x56: {  	_ =	shalt  }
0x57: {  	_ =	shalt  }
0x58: {  	_ =	shalt  }
0x59: {  	_ =	shalt  }
0x5a: {  	_ =	shalt  }
0x5b: {  	_ =	shalt  }
0x5c: {  	_ =	shalt  }
0x5d: {  	_ =	shalt  }
0x5e: {  	_ =	shalt  }
0x5f: {  	_ =	shalt  }
0x60: {  	_ =	shalt  }
0x61: {  	_ =	shalt  }
0x62: {  	_ =	shalt  }
0x63: {  	_ =	shalt  }
0x64: {  	_ =	shalt  }
0x65: {  	_ =	shalt  }
0x66: {  	_ =	shalt  }
0x67: {  	_ =	shalt  }
0x68: {  	_ =	shalt  }
0x69: {  	_ =	shalt  }
0x6a: {  	_ =	shalt  }
0x6b: {  	_ =	shalt  }
0x6c: {  	_ =	shalt  }
0x6d: {  	_ =	shalt  }
0x6e: {  	_ =	shalt  }
0x6f: {  	_ =	shalt  }
0x70: {  	_ =	shalt  }
0x71: {  	_ =	shalt  }
0x72: {  	_ =	shalt  }
0x73: {  	_ =	shalt  }
0x74: {  	_ =	shalt  }
0x75: {  	_ =	shalt  }
0x76: {  	_ =	shalt  }
0x77: {  	_ =	shalt  }
0x78: {  	_ =	shalt  }
0x79: {  	_ =	shalt  }
0x7a: {  	_ =	shalt  }
0x7b: {  	_ =	shalt  }
0x7c: {  	_ =	shalt  }
0x7d: {  	_ =	shalt  }
0x7e: {  	_ =	shalt  }
0x7f: {  	_ =	shalt  }
0x80: {  	_ =	shalt  }
0x81: {  	_ =	shalt  }
0x82: {  	_ =	shalt  }
0x83: {  	_ =	shalt  }
0x84: {  	_ =	shalt  }
0x85: {  	_ =	shalt  }
0x86: {  	_ =	shalt  }
0x87: {  	_ =	shalt  }
.Lfunc_end0:
.L_simem_size_0:
called_computation_lowered:
.L_overlay_start_0:
0x88: {  	s2 =	sld [smem:$0x3FD9]  }
0x89: {  	s3 =	sld [smem:$0x3FFE];
	_ =	sdelay $0x1  }
0x8a: {  	s1 =	srdreg.scid  }
0x8b: {  	s0 =	sand.u32 $0x1, s1  }
0x8c: {  	s17 =	sshll.u32 s0, $0xA;
	s2 =	sadd.s32 s3, s2  }
0x8d: {  	s2 =	sadd.s32 s2, s17  }
0x8e: {  	[smem:$0x3FC4] =	sst s2  }
0x8f: {  	_ = 	snop  }
0x90: {  	s2 =	sld [smem:$0x3FD0];
	(tm) =	ssettm $0x1  }
0x91: {  	s18 =	sld [smem:$0x3FFB];
	_ =	sdelay $0x3  }
0x92: {  	_ =	strace s18  }
0x93: {  	s3 =	sld [smem:$0x3FFC];
	_ =	sdelay $0x3  }
0x94: {  	_ =	strace s3  }
0x95: {  	s3 =	sld [smem:$0x3FFD];
	_ =	sdelay $0x3  }
0x96: {  	_ =	strace s3  }
0x97: {  	_ =	strace $0x8FFFFFFF  }
0x98: {  	s19 =	sld [smem:$0x3FDB];
	_ =	sdelay $0x1  }
0x99: {  	s4 =	simm.s32 $_scs_section_size  }
0x9a: {  	s5 =	simm.s32 $_size__tile_overlayer_lowered;
	s6 =	simm.s32 $_tile_overlayer_lowered  }
0x9b: {  	s22 =	simm.s32 $0x1BFF;
	s21 =	sshll.u32 s6, $0x1;
	s3 =	sadd.s32 s4, s19  }
0x9c: {  	s7 =	simm.s32 $0x0;
	s20 =	sshll.u32 s5, $0x1;
	s5 =	sadd.s32 s21, s3  }
0x9d: {  	[timem:s7], [sflag:s22] =	dma.local [hbm:s5], s20  }
0x9e: {  	_ =	swait.ge [sflag:s22], s20  }
0x9f: {  	s4 =	ssub.s32 $0x0, s20;
	[sflag:s22] =	ssyncset.done $0x0  }
0xa0: {  	[sflag:s22] =	ssyncadd.s32 s4;
	_ =	sdelay $0x1  }
0xa1: {  	s23 =	simm.s32 $0x1B8B  }
0xa2: {  	_ =	swait.ge [sflag:s23], $0x1  }
0xa3: {  	[sflag:s23] =	ssyncset.done $0x0  }
0xa4: {  	s25 =	simm.s32 $0x1B8E;
	s24 =	sld [smem:$0x3FFE];
	[sflag:s23] =	ssyncadd.s32 $0xFFFFFFFF  }
0xa5: {  	s26 =	simm.s32 $execute0_lowered;
	[smem:$0x3FD2] =	sst s25  }
0xa6: {  	s5 =	sshll.u32 s26, $0x1;
	_ =	strace $0x80000046;
	[dreg:$0x1] =	wrdreg $0xFFFFFFFF  }
0xa7: {  	s28 =	simm.s32 $_size_execute0_lowered;
	s3 =	sadd.s32 s3, s5;
	[dreg:$0x0] =	wrdreg $0x0  }
0xa8: {  	s5 =	sshll.u32 s28, $0x1;
	[dreg:$0x2] =	wrdreg s3  }
0xa9: {  	[dreg:$0x3] =	wrdreg s5  }
0xaa: {  	[dreg:$0x4] =	wrdreg $0xC0  }
0xab: {  	_ =	task [dreg:s7], $0x5FFFF  }
0xac: {  	[dreg:$0x1] =	wrdreg $0xFFFFFFFF  }
0xad: {  	[dreg:$0x0] =	wrdreg $0x60  }
0xae: {  	[dreg:$0x2] =	wrdreg s24  }
0xaf: {  	[dreg:$0x3] =	wrdreg s2  }
0xb0: {  	[dreg:$0x4] =	wrdreg $0x9  }
0xb1: {  	_ =	task.clear_ibuf [dreg:s7], $0x5FFFF;
	_ =	strace $0x90000046  }
0xb2: {  	s29 =	simm.s32 $0x9;
	_ =	strace $0x80000048  }
0xb3: {  	_ =	swait.ge [sflag:s29], $0x1  }
0xb4: {  	[sflag:s29] =	ssyncadd.s32 $0xFFFFFFFF  }
0xb5: {  	_ =	strace $0x90000048  }
0xb6: {  	_ =	sfence  }
0xb7: {  	s30 =	sld [smem:$0x0];
	_ =	sdelay $0x2  }
0xb8: {  	s31 =	sshll.u32 s1, $0xD;
	s1 =	sshrl.u32 s1, $0x2  }
0xb9: {  	s3 =	sand.u32 $0x4000, s31;
	s1 =	sadd.s32 s1, s30  }
0xba: {  	s0 =	sor.u32 s3, s0;
	s1 =	sshll.u32 s1, $0x11  }
0xbb: {  	s0 =	sor.u32 s1, s0  }
0xbc: {  	s0 =	sadd.s32 $0x8F2B, s0  }
0xbd: {  	[sflag:s0] =	ssyncadd.remote.s32 $0x1  }
0xbe: {  	_ =	sfence.sel $0xFFFF  }
0xbf: {  	[dreg:$0x0] =	wrdreg $0xFFFFFFFF;
	(pc) =	sbr.abs _section_cstart, $3  }
0xc0: {  	[dreg:$0x1] =	wrdreg $0xFFFFFFFF  }
0xc1: {  	_ =	task.clear_ibuf [dreg:s7], $0x2FFFF;
	_ =	strace $0x9FFFFFFF  }
0xc2: {  	(tm) =	ssettm $0x7FFFFFFF  }
0xc3: {  	_ =	shalt  }
tec
execute0_lowered:
.L_overlay_start_1:
0x0: {  	(tag) =	ssettag $0x1  }
0x1: {  	v0 =	vlaneseq.u32  }
0x2: {  	v1 =	vand.u32 $0x3, v0;
	v0 =	vmul.u32 $0x1A, v0  }
0x3: {  	s0 =	rddreg [dreg:$0x0];
	s2 =	simm.s32 $0x0  }
0x4: {  	[smem:$0x7FF] =	sst s2;
	v16 =	vor.u32 $0x1, v0  }
0x5: {  	s1 =	rddreg [dreg:$0x1];
	_ =	strace $0x80000047;
	v17 =	vadd.s32 $0x2, v0;
	[tilespmem:$0x1FEB0] =	vst v16  }
0x6: {  	v18 =	vadd.s32 $0x3, v0;
	[tilespmem:$0x1FEC0] =	vst v17  }
0x7: {  	v19 =	vadd.s32 $0x4, v0;
	[tilespmem:$0x1FED0] =	vst v18  }
0x8: {  	v22 =	vadd.s32 $0x5, v0;
	[tilespmem:$0x1FEE0] =	vst v19  }
0x9: {  	v24 =	vadd.s32 $0x6, v0;
	[tilespmem:$0x1FEF0] =	vst v22  }
0xa: {  	v26 =	vadd.s32 $0x7, v0;
	[tilespmem:$0x1FF00] =	vst v24  }
0xb: {  	v28 =	vadd.s32 $0x8, v0;
	[tilespmem:$0x1FF10] =	vst v26  }
0xc: {  	v30 =	vadd.s32 $0x9, v0;
	[tilespmem:$0x1FF20] =	vst v28  }
0xd: {  	v32 =	vadd.s32 $0xA, v0;
	[tilespmem:$0x1FF30] =	vst v30  }
0xe: {  	v2 =	vimm.s32 $0x60402;
	v34 =	vadd.s32 $0xB, v0;
	[tilespmem:$0x1FF40] =	vst v32  }
0xf: {  	v51 =	vunpack.c.0.s8.s32 v2;
	v2 =	vimm.s32 $0x1070503;
	v5 =	vadd.s32 $0xC, v0;
	[tilespmem:$0x1FF50] =	vst v34  }
0x10: {  	v7 =	vunpack.c.0.s8.s32 v2;
	v2 =	vimm.s32 $0x2000604;
	v40 =	vadd.s32 $0xD, v0;
	[tilespmem:$0x1FF60] =	vst v5  }
0x11: {  	s9 =	simm.s32 $0xB640;
	s11 =	simm.s32 $0x680;
	s13 =	simm.s32 $0x7500;
	v1 =	vmul.u32 $0x2, v1;
	v9 =	vunpack.c.0.s8.s32 v2;
	v41 =	vadd.s32 $0xE, v0;
	[tilespmem:$0x1FF70] =	vst v40  }
0x12: {  	s15 =	simm.s32 $0x7B80;
	v2 =	vimm.s32 $0x3010705;
	v43 =	vadd.s32 $0xF, v0;
	v45 =	vadd.s32 $0x10, v0;
	[tilespmem:$0x1FF80] =	vst v41  }
0x13: {  	s16 =	simm.s32 $0x4100;
	s17 =	simm.s32 $0x8200;
	v53 =	vadd.s32 $0x11, v0;
	v52 =	vadd.s32 $0x12, v0;
	v55 =	vadd.s32 $0x13, v0;
	[tilespmem:$0x1FF90] =	vst v43  }
0x14: {  	s18 =	simm.s32 $0x4780;
	s19 =	simm.s32 $0x8880;
	v56 =	vadd.s32 $0x14, v0;
	v57 =	vadd.s32 $0x15, v0;
	v38 =	vadd.s32 $0x680, v0;
	[tilespmem:$0x1FFA0] =	vst v45  }
0x15: {  	s3 =	srdreg.scid;
	s20 =	simm.s32 $0x4E00;
	s21 =	simm.s32 $0x8F00;
	v58 =	vadd.s32 $0x16, v0;
	v59 =	vadd.s32 $0x17, v0;
	v39 =	vadd.s32 $0x682, v0;
	[tilespmem:$0x1FFB0] =	vst v38  }
0x16: {  	s4 =	stileid.u32;
	s22 =	simm.s32 $0x5480;
	s23 =	simm.s32 $0x9580;
	v60 =	vadd.s32 $0x18, v0;
	v37 =	vadd.s32 $0x19, v0;
	v20 =	vadd.s32 $0x681, v0;
	[tilespmem:$0x1FFC0] =	vst v39  }
0x17: {  	s10 =	simm.s32 $0x2;
	s28 =	simm.s32 $0xA280;
	s29 =	simm.s32 $0x6800;
	v21 =	vadd.s32 $0x683, v0;
	v11 =	vunpack.c.0.s8.s32 v2;
	v2 =	vimm.s32 $0x4020006;
	[tilespmem:$0x1FFD0] =	vst v52  }
0x18: {  	s30 =	simm.s32 $0xA900;
	s5 =	sand.u32 $0x1, s3;
	s24 =	sshll.u32 s4, $0x1;
	v54 =	vadd.s32 $0x693, v0;
	[tilespmem:$0x1FFE0] =	vst v20;
	v13 =	vunpack.c.0.s8.s32 v2;
	v2 =	vimm.s32 $0x5030107  }
0x19: {  	s31 =	simm.s32 $0x6E80;
	s3 =	sadd.s32 $0x2939400, s0;
	s6 =	sor.u32 s5, s24;
	v23 =	vadd.s32 $0x684, v0;
	[tilespmem:$0x1FFF0] =	vst v54;
	v15 =	vunpack.c.0.s8.s32 v2;
	v2 =	vadd.s32 $0x694, v0  }
0x1a: {  	s8 =	simm.s32 $0x0;
	s5 =	ssub.s32 $0x2, s5;
	s7 =	smul.u32 $0x680, s6;
	v25 =	vadd.s32 $0x685, v0;
	v27 =	vadd.s32 $0x686, v0;
	[tilespmem:$0x1FE40] =	vst v2;
	v2 =	vadd.s32 $0x695, v0  }
0x1b: {  	s4 =	sadd.s32 $0x200, s0;
	s24 =	simm.s32 $0x5B00;
	s25 =	sshrl.u32 s5, $0x1;
	v29 =	vadd.s32 $0x687, v0;
	v31 =	vadd.s32 $0x688, v0;
	[tilespmem:$0x1FE50] =	vst v2;
	v2 =	vadd.s32 $0x696, v0  }
0x1c: {  	s6 =	sshll.u32 s6, $0x6;
	v33 =	vadd.s32 $0x689, v0;
	v35 =	vadd.s32 $0x68A, v0;
	s7 =	sadd.s32 s7, s0;
	s0 =	sadd.s32 $0x199E00, s0;
	[tilespmem:$0x1FE60] =	vst v2;
	v2 =	vadd.s32 $0x697, v0  }
0x1d: {  	v36 =	vadd.s32 $0x68B, v0;
	v42 =	vadd.s32 $0x68C, v0;
	[dreg:$0x3] =	wrdreg s0;
	s0 =	ssub.s32 s5, s25;
	s26 =	sadd.s32 $0x18CE00, s7;
	[tilespmem:$0x1FE70] =	vst v2;
	v2 =	vadd.s32 $0x698, v0  }
0x1e: {  	v44 =	vadd.s32 $0x68D, v0;
	v46 =	vadd.s32 $0x68E, v0;
	s7 =	sadd.s32 s1, s6;
	s25 =	simm.s32 $0x9C00;
	s1 =	simm.s32 $0x1;
	[tilespmem:$0x1FE80] =	vst v2;
	v2 =	vadd.s32 $0x699, v0  }
0x1f: {  	v47 =	vadd.s32 $0x68F, v0;
	v48 =	vadd.s32 $0x690, v0;
	s5 =	simm.s32 $0xB600;
	[dreg:$0x4] =	wrdreg s26;
	s0 =	smax.u32 s0, $0x1;
	[tilespmem:$0x1FE90] =	vst v2;
	v2 =	vadd.s32 $0xD00, v0  }
0x20: {  	v50 =	vadd.s32 $0x691, v0;
	v49 =	vadd.s32 $0x692, v0;
	v3 =	vor.u32 $0x1, v1;
	s26 =	simm.s32 $0x6180;
	[dreg:$0x5] =	wrdreg s0;
	s0 =	simm.s32 $0xAF80;
	[tilespmem:$0x1FEA0] =	vst v2  }
.LBB2_1:
0x21: {  	[dreg:$0x6] =	wrdreg s8  }
0x22: {  	s6 =	rddreg [dreg:$0x3]  }
0x23: {  	[tilespmem:s9], [sflag:$0x2] =	stream.linear.gather [hbm4b:s6+s2], $0x10, $0x38;
	[tilespmem:$0xB650] =	vst v63  }
0x24: {  	_ =	swait.ge [sflag:s10], $0x10  }
0x25: {  	[sflag:s10] =	ssyncset.done $0x0  }
0x26: {  	s14 =	rddreg [dreg:$0x4];
	[sflag:s10] =	ssyncadd.s32 $0xFFFFFFF0  }
0x27: {  	[tilespmem:s2], [sflag:$0x2] =	stream.linear.gather [hbm4b:s14+s2], $0x3400, $0x38;
	[tilespmem:$0xB650] =	vst v63  }
0x28: {  	_ =	swait.ge [sflag:s10], $0x3400  }
0x29: {  	[sflag:s10] =	ssyncset.done $0x0  }
0x2a: {  	s8 =	simm.s32 $0x0;
	s6 =	simm.s32 $0x0;
	[sflag:s10] =	ssyncadd.s32 $0xFFFFCC00  }
.LBB2_2:
0x2b: {  	v2 =	vmov s8;
	_ =	sdelay $0x3  }
0x2c: {  	s12 =	simm.s32 $0x0;
	s14 =	simm.s32 $0x40  }
.LBB2_3:
0x2d: {  	p0 =	sne.s32 s14, $0x19C0;
	v4 =	vld.idx.msk [tilespmem:v2+s12+$0x0 ss:$0x1], $0xffff;
	_ =	sdelay $0x5  }
0x2e: {  	v6 =	vadd.s32 $0x27AC40, v4;
	v8 =	vadd.s32 $0x4F5880, v4;
	v10 =	vmul.u32 $0x5, v4;
	[tilespmem:s12+$0x3400] =	vst v4  }
0x2f: {  	[tilespmem:s12+$0x3A80] =	vst v6;
	v6 =	vadd.s32 $0x7704C0, v4;
	v4 =	vadd.s32 $0x9EB100, v4  }
0x30: {  	v12 =	vadd.s32 $0x2, v10;
	v14 =	vadd.s32 $0x3, v10;
	[tilespmem:s12+$0x4100] =	vst v8;
	v8 =	vadd.s32 $0x1, v10  }
0x31: {  	[tilespmem:s12+$0x5B00] =	vst v8;
	v8 =	vadd.s32 $0x4, v10  }
0x32: {  	[tilespmem:s12+$0x6180] =	vst v12  }
.Ltmp0:
0x33: {  	[tilespmem:s12+$0x6800] =	vst v14;
	(pc) =	sbr.rel @p0 .LBB2_3-.Ltmp0, $4  }
0x34: {  	[tilespmem:s12+$0x6E80] =	vst v8  }
0x35: {  	[tilespmem:s12+$0x4780] =	vst v6  }
0x36: {  	[tilespmem:s12+$0x4E00] =	vst v4  }
0x37: {  	[tilespmem:s12+$0x5480] =	vst v10;
	s12 =	sshra.s32 s14, $0x2;
	s14 =	sadd.s32 $0x40, s14  }
0x38: {  	_ =	sdelay $0x3  }
0x39: {  	v2 =	vld.idx.msk [tilespmem:v2+s12+$0x0 ss:$0x1], $0xffff;
	_ =	sdelay $0x4  }
0x3a: {  	[tilespmem:s12+$0x3400] =	vst v2;
	v4 =	vadd.s32 $0x27AC40, v2  }
0x3b: {  	v6 =	vmul.u32 $0x5, v2;
	v8 =	vadd.s32 $0x4F5880, v2;
	[tilespmem:s12+$0x3A80] =	vst v4  }
0x3c: {  	[tilespmem:s12+$0x4100] =	vst v8  }
0x3d: {  	v4 =	vadd.s32 $0x1, v6;
	[tilespmem:s12+$0x5480] =	vst v6  }
0x3e: {  	v8 =	vadd.s32 $0x2, v6;
	[tilespmem:s12+$0x5B00] =	vst v4  }
0x3f: {  	v4 =	vadd.s32 $0x3, v6;
	[tilespmem:s12+$0x6180] =	vst v8  }
0x40: {  	v8 =	vadd.s32 $0x4, v6;
	[tilespmem:s12+$0x6800] =	vst v4  }
0x41: {  	v4 =	vadd.s32 $0x7704C0, v2;
	[tilespmem:s12+$0x6E80] =	vst v8  }
0x42: {  	v2 =	vadd.s32 $0x9EB100, v2;
	[tilespmem:s12+$0x4780] =	vst v4  }
0x43: {  	s14 =	simm.s32 $0x3400;
	[tilespmem:s12+$0x4E00] =	vst v2  }
0x44: {  	[tilespmem:s13], [sflag:$0x1] =	stream.indirect.gather [hbm4b:s4+s11], $0x1, s14, s11, $0xb8;
	[tilespmem:$0xB650] =	vst v63  }
0x45: {  	s14 =	simm.s32 $0x3A80  }
0x46: {  	[tilespmem:s15], [sflag:$0x1] =	stream.indirect.gather [hbm4b:s4+s11], $0x1, s14, s11, $0xb8;
	[tilespmem:$0xB650] =	vst v63  }
0x47: {  	_ = 	snop  }
0x48: {  	[tilespmem:s17], [sflag:$0x1] =	stream.indirect.gather [hbm4b:s4+s11], $0x1, s16, s11, $0xb8;
	[tilespmem:$0xB650] =	vst v63  }
0x49: {  	_ = 	snop  }
0x4a: {  	[tilespmem:s19], [sflag:$0x1] =	stream.indirect.gather [hbm4b:s4+s11], $0x1, s18, s11, $0xb8;
	[tilespmem:$0xB650] =	vst v63  }
0x4b: {  	_ = 	snop  }
0x4c: {  	[tilespmem:s21], [sflag:$0x1] =	stream.indirect.gather [hbm4b:s4+s11], $0x1, s20, s11, $0xb8;
	[tilespmem:$0xB650] =	vst v63  }
0x4d: {  	_ = 	snop  }
0x4e: {  	[tilespmem:s23], [sflag:$0x1] =	stream.indirect.gather [hbm4b:s3+s11], $0x1, s22, s11, $0xb8;
	[tilespmem:$0xB650] =	vst v63  }
0x4f: {  	_ = 	snop  }
0x50: {  	[tilespmem:s25], [sflag:$0x1] =	stream.indirect.gather [hbm4b:s3+s11], $0x1, s24, s11, $0xb8;
	[tilespmem:$0xB650] =	vst v63  }
0x51: {  	_ = 	snop  }
0x52: {  	[tilespmem:s28], [sflag:$0x1] =	stream.indirect.gather [hbm4b:s3+s11], $0x1, s26, s11, $0xb8;
	[tilespmem:$0xB650] =	vst v63  }
0x53: {  	_ = 	snop  }
0x54: {  	[tilespmem:s30], [sflag:$0x1] =	stream.indirect.gather [hbm4b:s3+s11], $0x1, s29, s11, $0xb8;
	[tilespmem:$0xB650] =	vst v63  }
0x55: {  	_ = 	snop  }
0x56: {  	[tilespmem:s0], [sflag:$0x1] =	stream.indirect.gather [hbm4b:s3+s11], $0x1, s31, s11, $0xb8;
	[tilespmem:$0xB650] =	vst v63  }
0x57: {  	_ =	swait.ge [sflag:s1], $0x680  }
0x58: {  	[sflag:s1] =	ssyncset.done $0x0  }
0x59: {  	[sflag:s1] =	ssyncadd.s32 $0xFFFFF980  }
0x5a: {  	_ =	swait.ge [sflag:s1], $0x680  }
0x5b: {  	[sflag:s1] =	ssyncset.done $0x0  }
0x5c: {  	[sflag:s1] =	ssyncadd.s32 $0xFFFFF980  }
0x5d: {  	_ =	swait.ge [sflag:s1], $0x680  }
0x5e: {  	[sflag:s1] =	ssyncset.done $0x0  }
0x5f: {  	[sflag:s1] =	ssyncadd.s32 $0xFFFFF980  }
0x60: {  	_ =	swait.ge [sflag:s1], $0x680  }
0x61: {  	[sflag:s1] =	ssyncset.done $0x0  }
0x62: {  	[sflag:s1] =	ssyncadd.s32 $0xFFFFF980  }
0x63: {  	_ =	swait.ge [sflag:s1], $0x680  }
0x64: {  	[sflag:s1] =	ssyncset.done $0x0  }
0x65: {  	[sflag:s1] =	ssyncadd.s32 $0xFFFFF980  }
0x66: {  	_ =	swait.ge [sflag:s1], $0x680  }
0x67: {  	[sflag:s1] =	ssyncset.done $0x0  }
0x68: {  	[sflag:s1] =	ssyncadd.s32 $0xFFFFF980  }
0x69: {  	_ =	swait.ge [sflag:s1], $0x680  }
0x6a: {  	[sflag:s1] =	ssyncset.done $0x0  }
0x6b: {  	[sflag:s1] =	ssyncadd.s32 $0xFFFFF980  }
0x6c: {  	_ =	swait.ge [sflag:s1], $0x680  }
0x6d: {  	[sflag:s1] =	ssyncset.done $0x0  }
0x6e: {  	[sflag:s1] =	ssyncadd.s32 $0xFFFFF980  }
0x6f: {  	_ =	swait.ge [sflag:s1], $0x680  }
0x70: {  	[sflag:s1] =	ssyncset.done $0x0  }
0x71: {  	[sflag:s1] =	ssyncadd.s32 $0xFFFFF980  }
0x72: {  	_ =	swait.ge [sflag:s1], $0x680  }
0x73: {  	[sflag:s1] =	ssyncset.done $0x0  }
0x74: {  	s12 =	simm.s32 $0x0;
	s14 =	simm.s32 $0xB600;
	[sflag:s1] =	ssyncadd.s32 $0xFFFFF980  }
.LBB2_5:
0x75: {  	v2 =	vmov s12  }
0x76: {  	v2 =	vmul.u32 $0x1A, v2;
	_ =	sdelay $0x1  }
0x77: {  	v62 =	vbroadcast v2, $0x0;
	_ =	sdelay $0x1  }
0x78: {  	v2 =	vadd.s32 v0, v62  }
0x79: {  	v4 =	vadd.s32 v16, v62;
	v2 =	vand.u32 $0xFFFFFFF8, v2  }
0x7a: {  	v4 =	vand.u32 $0xFFFFFFF8, v4;
	v2 =	vor.u32 v1, v2  }
0x7b: {  	v6 =	vadd.s32 v17, v62;
	v4 =	vor.u32 v3, v4  }
0x7c: {  	v6 =	vand.u32 $0xFFFFFFF8, v6  }
0x7d: {  	v8 =	vadd.s32 v18, v62;
	v6 =	vor.u32 v51, v6  }
0x7e: {  	v8 =	vand.u32 $0xFFFFFFF8, v8  }
0x7f: {  	v10 =	vadd.s32 v19, v62;
	v8 =	vor.u32 v7, v8;
	v2 =	vld.idx.msk [tilespmem:v2+s13+$0x0], $0xffff  }
0x80: {  	v10 =	vand.u32 $0xFFFFFFF8, v10;
	v4 =	vld.idx.msk [tilespmem:v4+s13+$0x0], $0xffff  }
0x81: {  	v12 =	vadd.s32 v22, v62;
	v10 =	vor.u32 v9, v10  }
0x82: {  	v12 =	vand.u32 $0xFFFFFFF8, v12;
	v6 =	vld.idx.msk [tilespmem:v6+s13+$0x0], $0xffff  }
0x83: {  	v14 =	vadd.s32 v24, v62;
	v12 =	vor.u32 v11, v12  }
0x84: {  	v14 =	vand.u32 $0xFFFFFFF8, v14;
	v8 =	vld.idx.msk [tilespmem:v8+s13+$0x0], $0xffff  }
0x85: {  	v2 =	vadd.f32 v4, v2;
	v4 =	vor.u32 v13, v14;
	v14 =	vadd.s32 v26, v62  }
0x86: {  	v10 =	vld.idx.msk [tilespmem:v10+s13+$0x0], $0xffff;
	v14 =	vand.u32 $0xFFFFFFF8, v14  }
0x87: {  	v2 =	vadd.f32 v6, v2;
	v6 =	vor.u32 v15, v14;
	v14 =	vadd.s32 v28, v62  }
0x88: {  	v12 =	vld.idx.msk [tilespmem:v12+s13+$0x0], $0xffff;
	v14 =	vand.u32 $0xFFFFFFF8, v14  }
0x89: {  	v2 =	vadd.f32 v8, v2;
	v8 =	vor.u32 v1, v14;
	v14 =	vadd.s32 v30, v62  }
0x8a: {  	v4 =	vld.idx.msk [tilespmem:v4+s13+$0x0], $0xffff;
	v14 =	vand.u32 $0xFFFFFFF8, v14  }
0x8b: {  	v2 =	vadd.f32 v10, v2;
	v10 =	vor.u32 v3, v14;
	v14 =	vadd.s32 v32, v62  }
0x8c: {  	v6 =	vld.idx.msk [tilespmem:v6+s13+$0x0], $0xffff;
	v14 =	vand.u32 $0xFFFFFFF8, v14  }
0x8d: {  	v2 =	vadd.f32 v12, v2;
	v12 =	vor.u32 v51, v14;
	v14 =	vadd.s32 v34, v62  }
0x8e: {  	v8 =	vld.idx.msk [tilespmem:v8+s13+$0x0], $0xffff;
	v14 =	vand.u32 $0xFFFFFFF8, v14  }
0x8f: {  	v2 =	vadd.f32 v4, v2;
	v4 =	vor.u32 v7, v14;
	v14 =	vadd.s32 v5, v62  }
0x90: {  	v10 =	vld.idx.msk [tilespmem:v10+s13+$0x0], $0xffff;
	v14 =	vand.u32 $0xFFFFFFF8, v14  }
0x91: {  	v2 =	vadd.f32 v6, v2;
	v6 =	vor.u32 v9, v14;
	v14 =	vadd.s32 v40, v62  }
0x92: {  	v12 =	vld.idx.msk [tilespmem:v12+s13+$0x0], $0xffff;
	v14 =	vand.u32 $0xFFFFFFF8, v14  }
0x93: {  	v2 =	vadd.f32 v8, v2;
	v8 =	vor.u32 v11, v14;
	v14 =	vadd.s32 v41, v62  }
0x94: {  	v4 =	vld.idx.msk [tilespmem:v4+s13+$0x0], $0xffff;
	v14 =	vand.u32 $0xFFFFFFF8, v14  }
0x95: {  	v2 =	vadd.f32 v10, v2;
	v10 =	vor.u32 v13, v14  }
0x96: {  	v6 =	vld.idx.msk [tilespmem:v6+s13+$0x0], $0xffff  }
0x97: {  	v2 =	vadd.f32 v12, v2  }
0x98: {  	v14 =	vadd.s32 v43, v62;
	v8 =	vld.idx.msk [tilespmem:v8+s13+$0x0], $0xffff  }
0x99: {  	v14 =	vand.u32 $0xFFFFFFF8, v14;
	v2 =	vadd.f32 v4, v2;
	v4 =	vadd.s32 v38, v62  }
0x9a: {  	v12 =	vor.u32 v15, v14;
	v14 =	vadd.s32 v20, v62;
	v10 =	vld.idx.msk [tilespmem:v10+s13+$0x0], $0xffff;
	v4 =	vand.u32 $0xFFFFFFF8, v4  }
0x9b: {  	v2 =	vadd.f32 v6, v2;
	v4 =	vor.u32 v1, v4;
	v6 =	vand.u32 $0xFFFFFFF8, v14  }
0x9c: {  	v14 =	vadd.s32 v39, v62;
	v6 =	vor.u32 v3, v6  }
0x9d: {  	v2 =	vadd.f32 v8, v2;
	v8 =	vand.u32 $0xFFFFFFF8, v14  }
0x9e: {  	v14 =	vadd.s32 v21, v62;
	v8 =	vor.u32 v51, v8  }
0x9f: {  	v12 =	vld.idx.msk [tilespmem:v12+s13+$0x0], $0xffff;
	v2 =	vadd.f32 v10, v2;
	v10 =	vand.u32 $0xFFFFFFF8, v14  }
0xa0: {  	v16 =	vadd.s32 v25, v62;
	v14 =	vadd.s32 v23, v62;
	v4 =	vld.idx.msk [tilespmem:v4+s13+$0x0], $0xffff;
	v10 =	vor.u32 v7, v10  }
0xa1: {  	v17 =	vadd.s32 v53, v62;
	v61 =	vadd.s32 v27, v62;
	v14 =	vand.u32 $0xFFFFFFF8, v14;
	v6 =	vld.idx.msk [tilespmem:v6+s13+$0x0], $0xffff  }
0xa2: {  	v63 =	vadd.s32 v52, v62;
	v18 =	vadd.s32 v55, v62;
	v14 =	vor.u32 v9, v14  }
0xa3: {  	v52 =	vadd.s32 v31, v62;
	v16 =	vand.u32 $0xFFFFFFF8, v16;
	v17 =	vand.u32 $0xFFFFFFF8, v17;
	v8 =	vld.idx.msk [tilespmem:v8+s13+$0x0], $0xffff  }
0xa4: {  	v61 =	vand.u32 $0xFFFFFFF8, v61;
	v16 =	vor.u32 v11, v16;
	v17 =	vor.u32 v3, v17  }
0xa5: {  	v2 =	vadd.f32 v12, v2;
	v12 =	vadd.s32 v45, v62;
	v45 =	vadd.s32 v29, v62;
	v10 =	vld.idx.msk [tilespmem:v10+s13+$0x0], $0xffff  }
0xa6: {  	v12 =	vand.u32 $0xFFFFFFF8, v12;
	v4 =	vadd.f32 v6, v4;
	v6 =	vor.u32 v13, v61  }
0xa7: {  	v19 =	vadd.s32 v56, v62;
	v12 =	vor.u32 v1, v12;
	v14 =	vld.idx.msk [tilespmem:v14+s13+$0x0], $0xffff;
	v61 =	vand.u32 $0xFFFFFFF8, v45  }
0xa8: {  	v63 =	vand.u32 $0xFFFFFFF8, v63;
	v4 =	vadd.f32 v8, v4;
	v8 =	vor.u32 v15, v61  }
0xa9: {  	v18 =	vand.u32 $0xFFFFFFF8, v18;
	v63 =	vor.u32 v51, v63;
	v16 =	vld.idx.msk [tilespmem:v16+s13+$0x0], $0xffff;
	v61 =	vand.u32 $0xFFFFFFF8, v52  }
0xaa: {  	v17 =	vld.idx.msk [tilespmem:v17+s13+$0x0], $0xffff;
	v32 =	vadd.s32 v33, v62;
	v4 =	vadd.f32 v10, v4;
	v10 =	vor.u32 v1, v61  }
0xab: {  	v19 =	vand.u32 $0xFFFFFFF8, v19;
	v18 =	vor.u32 v7, v18;
	v61 =	vand.u32 $0xFFFFFFF8, v32;
	v6 =	vld.idx.msk [tilespmem:v6+s13+$0x0], $0xffff  }
0xac: {  	v34 =	vadd.s32 v35, v62;
	v12 =	vld.idx.msk [tilespmem:v12+s13+$0x0], $0xffff;
	v4 =	vadd.f32 v14, v4;
	v14 =	vor.u32 v3, v61  }
0xad: {  	v19 =	vor.u32 v9, v19;
	v20 =	vadd.s32 v57, v62;
	v61 =	vand.u32 $0xFFFFFFF8, v34;
	v8 =	vld.idx.msk [tilespmem:v8+s13+$0x0], $0xffff  }
0xae: {  	v63 =	vld.idx.msk [tilespmem:v63+s13+$0x0], $0xffff;
	v38 =	vadd.s32 v36, v62;
	v4 =	vadd.f32 v16, v4;
	v16 =	vor.u32 v51, v61  }
0xaf: {  	v20 =	vand.u32 $0xFFFFFFF8, v20;
	v61 =	vand.u32 $0xFFFFFFF8, v38;
	v10 =	vld.idx.msk [tilespmem:v10+s13+$0x0], $0xffff  }
0xb0: {  	v18 =	vld.idx.msk [tilespmem:v18+s13+$0x0], $0xffff;
	v39 =	vadd.s32 v42, v62;
	v4 =	vadd.f32 v6, v4;
	v6 =	vor.u32 v7, v61  }
0xb1: {  	v2 =	vadd.f32 v12, v2;
	v12 =	vor.u32 v11, v20;
	v20 =	vand.u32 $0xFFFFFFF8, v39;
	v14 =	vld.idx.msk [tilespmem:v14+s13+$0x0], $0xffff  }
0xb2: {  	v19 =	vld.idx.msk [tilespmem:v19+s13+$0x0], $0xffff;
	v4 =	vadd.f32 v8, v4;
	v8 =	vor.u32 v9, v20;
	v20 =	vadd.s32 v44, v62  }
0xb3: {  	v2 =	vadd.f32 v17, v2;
	v16 =	vld.idx.msk [tilespmem:v16+s13+$0x0], $0xffff;
	v17 =	vand.u32 $0xFFFFFFF8, v20  }
0xb4: {  	v5 =	vld [tilespmem:$0x1FEA0];
	v4 =	vadd.f32 v10, v4;
	v10 =	vor.u32 v11, v17;
	v17 =	vadd.s32 v46, v62  }
0xb5: {  	v2 =	vadd.f32 v63, v2;
	v6 =	vld.idx.msk [tilespmem:v6+s13+$0x0], $0xffff;
	v17 =	vand.u32 $0xFFFFFFF8, v17  }
0xb6: {  	v12 =	vld.idx.msk [tilespmem:v12+s13+$0x0], $0xffff;
	v4 =	vadd.f32 v14, v4;
	v14 =	vor.u32 v13, v17;
	v17 =	vadd.s32 v47, v62  }
0xb7: {  	v2 =	vadd.f32 v18, v2;
	v8 =	vld.idx.msk [tilespmem:v8+s13+$0x0], $0xffff;
	v17 =	vand.u32 $0xFFFFFFF8, v17  }
0xb8: {  	v4 =	vadd.f32 v16, v4;
	v16 =	vor.u32 v15, v17;
	v17 =	vadd.s32 v48, v62  }
0xb9: {  	v2 =	vadd.f32 v19, v2;
	v10 =	vld.idx.msk [tilespmem:v10+s13+$0x0], $0xffff;
	v17 =	vand.u32 $0xFFFFFFF8, v17  }
0xba: {  	v4 =	vadd.f32 v6, v4;
	v6 =	vor.u32 v1, v17  }
0xbb: {  	v2 =	vadd.f32 v12, v2;
	v17 =	vadd.s32 $0xD01, v0;
	v12 =	vld.idx.msk [tilespmem:v14+s13+$0x0], $0xffff;
	v14 =	vadd.s32 v5, v62  }
0xbc: {  	v4 =	vadd.f32 v8, v4;
	v8 =	vand.u32 $0xFFFFFFF8, v14;
	v14 =	vadd.s32 v17, v62  }
0xbd: {  	v17 =	vadd.s32 $0xD02, v0;
	v16 =	vld.idx.msk [tilespmem:v16+s13+$0x0], $0xffff;
	v8 =	vor.u32 v1, v8;
	v14 =	vand.u32 $0xFFFFFFF8, v14  }
0xbe: {  	v4 =	vadd.f32 v10, v4;
	v10 =	vor.u32 v3, v14;
	v14 =	vadd.s32 v17, v62  }
0xbf: {  	v18 =	vadd.s32 $0xD03, v0;
	v17 =	vadd.s32 v58, v62;
	v6 =	vld.idx.msk [tilespmem:v6+s13+$0x0], $0xffff;
	v14 =	vand.u32 $0xFFFFFFF8, v14  }
0xc0: {  	v4 =	vadd.f32 v12, v4;
	v12 =	vor.u32 v51, v14;
	v14 =	vadd.s32 v18, v62  }
0xc1: {  	v17 =	vand.u32 $0xFFFFFFF8, v17;
	v18 =	vadd.s32 $0xD04, v0;
	v14 =	vand.u32 $0xFFFFFFF8, v14  }
0xc2: {  	v18 =	vadd.s32 v18, v62;
	v16 =	vadd.f32 v16, v4;
	v8 =	vld.idx.msk [tilespmem:v8+s13+$0x0], $0xffff;
	v14 =	vor.u32 v7, v14  }
0xc3: {  	v4 =	vor.u32 v13, v17;
	v17 =	vand.u32 $0xFFFFFFF8, v18;
	v18 =	vadd.s32 $0xD05, v0;
	v10 =	vld.idx.msk [tilespmem:v10+s13+$0x0], $0xffff  }
0xc4: {  	v6 =	vadd.f32 v6, v16;
	v16 =	vor.u32 v9, v17;
	v17 =	vadd.s32 v18, v62  }
0xc5: {  	v19 =	vadd.s32 $0xD06, v0;
	v12 =	vld.idx.msk [tilespmem:v12+s13+$0x0], $0xffff;
	v17 =	vand.u32 $0xFFFFFFF8, v17  }
0xc6: {  	v40 =	vadd.s32 $0xD08, v0;
	v19 =	vadd.s32 v19, v62;
	v17 =	vor.u32 v11, v17  }
0xc7: {  	v41 =	vadd.s32 $0xD09, v0;
	v20 =	vadd.s32 $0xD07, v0;
	v19 =	vand.u32 $0xFFFFFFF8, v19;
	v14 =	vld.idx.msk [tilespmem:v14+s13+$0x0], $0xffff  }
0xc8: {  	v8 =	vadd.f32 v10, v8;
	v10 =	vor.u32 v13, v19;
	v19 =	vadd.s32 v20, v62  }
0xc9: {  	v43 =	vadd.s32 $0xD0A, v0;
	v45 =	vadd.s32 v54, v62;
	v16 =	vld.idx.msk [tilespmem:v16+s13+$0x0], $0xffff;
	v19 =	vand.u32 $0xFFFFFFF8, v19  }
0xca: {  	v8 =	vadd.f32 v12, v8;
	v12 =	vor.u32 v15, v19;
	v19 =	vadd.s32 v40, v62  }
0xcb: {  	v54 =	vadd.s32 $0xD0C, v0;
	v52 =	vadd.s32 $0xD0B, v0;
	v17 =	vld.idx.msk [tilespmem:v17+s13+$0x0], $0xffff;
	v19 =	vand.u32 $0xFFFFFFF8, v19  }
0xcc: {  	v8 =	vadd.f32 v14, v8;
	v14 =	vor.u32 v1, v19;
	v19 =	vadd.s32 v41, v62  }
0xcd: {  	v32 =	vadd.s32 $0xD0D, v0;
	v18 =	vadd.s32 v50, v62;
	v10 =	vld.idx.msk [tilespmem:v10+s13+$0x0], $0xffff;
	v19 =	vand.u32 $0xFFFFFFF8, v19  }
0xce: {  	v5 =	vld [tilespmem:$0x1FE40];
	v8 =	vadd.f32 v16, v8;
	v16 =	vor.u32 v3, v19;
	v19 =	vadd.s32 v43, v62  }
0xcf: {  	v61 =	vand.u32 $0xFFFFFFF8, v45;
	v18 =	vand.u32 $0xFFFFFFF8, v18;
	v12 =	vld.idx.msk [tilespmem:v12+s13+$0x0], $0xffff;
	v19 =	vand.u32 $0xFFFFFFF8, v19  }
0xd0: {  	v8 =	vadd.f32 v17, v8;
	v17 =	vor.u32 v51, v19;
	v19 =	vadd.s32 v52, v62  }
0xd1: {  	v61 =	vor.u32 v7, v61;
	v18 =	vor.u32 v3, v18;
	v14 =	vld.idx.msk [tilespmem:v14+s13+$0x0], $0xffff;
	v19 =	vand.u32 $0xFFFFFFF8, v19  }
0xd2: {  	v20 =	vadd.s32 v49, v62;
	v8 =	vadd.f32 v10, v8;
	v10 =	vor.u32 v7, v19  }
0xd3: {  	v34 =	vadd.s32 v5, v62;
	v20 =	vand.u32 $0xFFFFFFF8, v20;
	v19 =	vadd.s32 v54, v62;
	v16 =	vld.idx.msk [tilespmem:v16+s13+$0x0], $0xffff  }
0xd4: {  	v5 =	vld [tilespmem:$0x1FE50];
	v20 =	vor.u32 v51, v20;
	v19 =	vand.u32 $0xFFFFFFF8, v19;
	v8 =	vadd.f32 v12, v8  }
0xd5: {  	v38 =	vadd.s32 $0xD0F, v0;
	v12 =	vor.u32 v9, v19;
	v19 =	vadd.s32 v32, v62;
	v17 =	vld.idx.msk [tilespmem:v17+s13+$0x0], $0xffff  }
0xd6: {  	v18 =	vld.idx.msk [tilespmem:v18+s13+$0x0], $0xffff;
	v54 =	vmovc v50;
	v50 =	vmovc v21;
	v21 =	vadd.s32 $0xD0E, v0;
	v19 =	vand.u32 $0xFFFFFFF8, v19;
	v8 =	vadd.f32 v14, v8  }
0xd7: {  	v14 =	vor.u32 v11, v19;
	v19 =	vadd.s32 v21, v62;
	v21 =	vand.u32 $0xFFFFFFF8, v34;
	v10 =	vld.idx.msk [tilespmem:v10+s13+$0x0], $0xffff  }
0xd8: {  	v61 =	vld.idx.msk [tilespmem:v61+s13+$0x0], $0xffff;
	v19 =	vand.u32 $0xFFFFFFF8, v19;
	v21 =	vor.u32 v9, v21;
	v8 =	vadd.f32 v16, v8  }
0xd9: {  	v22 =	vadd.s32 $0xD11, v0;
	v20 =	vld.idx.msk [tilespmem:v20+s13+$0x0], $0xffff;
	v16 =	vor.u32 v13, v19;
	v19 =	vadd.s32 v38, v62  }
0xda: {  	v39 =	vadd.s32 $0xD10, v0;
	v12 =	vld.idx.msk [tilespmem:v12+s13+$0x0], $0xffff;
	v19 =	vand.u32 $0xFFFFFFF8, v19;
	v8 =	vadd.f32 v17, v8  }
0xdb: {  	v40 =	vadd.s32 v5, v62;
	v5 =	vld [tilespmem:$0x1FE60];
	v17 =	vor.u32 v15, v19;
	v19 =	vadd.s32 v39, v62  }
0xdc: {  	v6 =	vadd.f32 v18, v6;
	v14 =	vld.idx.msk [tilespmem:v14+s13+$0x0], $0xffff;
	v19 =	vand.u32 $0xFFFFFFF8, v19;
	v8 =	vadd.f32 v10, v8  }
0xdd: {  	v10 =	vor.u32 v1, v19;
	v19 =	vadd.s32 v22, v62;
	v22 =	vand.u32 $0xFFFFFFF8, v40;
	v21 =	vld.idx.msk [tilespmem:v21+s13+$0x0], $0xffff  }
0xde: {  	v6 =	vadd.f32 v20, v6;
	v22 =	vor.u32 v11, v22  }
0xdf: {  	v41 =	vadd.s32 $0xD12, v0;
	v19 =	vand.u32 $0xFFFFFFF8, v19;
	v8 =	vadd.f32 v12, v8  }
0xe0: {  	v6 =	vadd.f32 v61, v6;
	v16 =	vld.idx.msk [tilespmem:v16+s13+$0x0], $0xffff;
	v12 =	vor.u32 v3, v19;
	v19 =	vadd.s32 v41, v62  }
0xe1: {  	v17 =	vld.idx.msk [tilespmem:v17+s13+$0x0], $0xffff;
	v19 =	vand.u32 $0xFFFFFFF8, v19;
	v8 =	vadd.f32 v14, v8  }
0xe2: {  	v14 =	vor.u32 v51, v19;
	v6 =	vadd.f32 v21, v6;
	v21 =	vadd.s32 v5, v62;
	v5 =	vld [tilespmem:$0x1FE70]  }
0xe3: {  	v20 =	vld.idx.msk [tilespmem:v22+s13+$0x0], $0xffff  }
0xe4: {  	v10 =	vld.idx.msk [tilespmem:v10+s13+$0x0], $0xffff  }
0xe5: {  	v43 =	vadd.s32 $0xD13, v0;
	v8 =	vadd.f32 v16, v8  }
0xe6: {  	v19 =	vadd.s32 v43, v62;
	v12 =	vld.idx.msk [tilespmem:v12+s13+$0x0], $0xffff  }
0xe7: {  	v18 =	vand.u32 $0xFFFFFFF8, v19;
	v8 =	vadd.f32 v17, v8;
	v14 =	vld.idx.msk [tilespmem:v14+s13+$0x0], $0xffff  }
0xe8: {  	v19 =	vadd.s32 $0xD14, v0;
	v6 =	vadd.f32 v20, v6;
	v20 =	vadd.s32 v5, v62;
	v5 =	vld [tilespmem:$0x1FE80]  }
0xe9: {  	v16 =	vor.u32 v7, v18;
	v18 =	vadd.s32 v19, v62;
	v8 =	vadd.f32 v10, v8  }
0xea: {  	v18 =	vand.u32 $0xFFFFFFF8, v18  }
0xeb: {  	v17 =	vor.u32 v9, v18;
	v8 =	vadd.f32 v12, v8  }
0xec: {  	v20 =	vand.u32 $0xFFFFFFF8, v20  }
0xed: {  	v8 =	vadd.f32 v14, v8;
	v14 =	vor.u32 v15, v20;
	v20 =	vadd.s32 v5, v62;
	v5 =	vld [tilespmem:$0x1FE90]  }
0xee: {  	v24 =	vadd.s32 $0x1384, v0;
	v26 =	vadd.s32 $0xD17, v0;
	v16 =	vld.idx.msk [tilespmem:v16+s13+$0x0], $0xffff  }
0xef: {  	v24 =	vadd.s32 v24, v62;
	v26 =	vadd.s32 v26, v62  }
0xf0: {  	v24 =	vand.u32 $0xFFFFFFF8, v24;
	v26 =	vand.u32 $0xFFFFFFF8, v26;
	v17 =	vld.idx.msk [tilespmem:v17+s13+$0x0], $0xffff  }
0xf1: {  	v24 =	vor.u32 v9, v24;
	v28 =	vadd.s32 $0x1387, v0;
	v26 =	vor.u32 v15, v26  }
0xf2: {  	v30 =	vadd.s32 $0x138D, v0;
	v12 =	vand.u32 $0xFFFFFFF8, v21;
	v21 =	vadd.s32 v5, v62  }
0xf3: {  	v8 =	vadd.f32 v16, v8;
	v20 =	vand.u32 $0xFFFFFFF8, v20;
	v21 =	vand.u32 $0xFFFFFFF8, v21  }
0xf4: {  	v4 =	vld.idx.msk [tilespmem:v4+s13+$0x0], $0xffff;
	v16 =	vor.u32 v1, v20;
	v20 =	vor.u32 v3, v21;
	v21 =	vadd.s32 $0x1380, v0  }
0xf5: {  	v8 =	vadd.f32 v17, v8;
	v17 =	vadd.s32 v21, v62;
	v21 =	vadd.s32 $0x1381, v0  }
0xf6: {  	v45 =	vadd.s32 $0x1382, v0;
	v17 =	vand.u32 $0xFFFFFFF8, v17;
	v21 =	vadd.s32 v21, v62  }
0xf7: {  	v52 =	vadd.s32 $0x1383, v0;
	v17 =	vor.u32 v1, v17;
	v21 =	vand.u32 $0xFFFFFFF8, v21  }
0xf8: {  	v63 =	vadd.s32 v52, v62;
	v61 =	vadd.s32 v45, v62;
	v21 =	vor.u32 v3, v21  }
0xf9: {  	v2 =	vadd.f32 v4, v2;
	v63 =	vand.u32 $0xFFFFFFF8, v63;
	v61 =	vand.u32 $0xFFFFFFF8, v61  }
0xfa: {  	v63 =	vor.u32 v7, v63;
	v32 =	vadd.s32 $0xD18, v0;
	v61 =	vor.u32 v51, v61  }
0xfb: {  	v34 =	vadd.s32 $0x138A, v0;
	v39 =	vmovc v29;
	v29 =	vadd.s32 $0x1389, v0;
	v40 =	vmovc v27;
	v27 =	vadd.s32 $0x1386, v0  }
0xfc: {  	v29 =	vadd.s32 v29, v62;
	v27 =	vadd.s32 v27, v62;
	v41 =	vmovc v25;
	v25 =	vadd.s32 $0x1385, v0;
	v17 =	vld.idx.msk [tilespmem:v17+s13+$0x0], $0xffff  }
0xfd: {  	v29 =	vand.u32 $0xFFFFFFF8, v29;
	v27 =	vand.u32 $0xFFFFFFF8, v27;
	v25 =	vadd.s32 v25, v62;
	v21 =	vld.idx.msk [tilespmem:v21+s13+$0x0], $0xffff  }
0xfe: {  	v43 =	vmovc v23;
	v23 =	vadd.s32 $0xD16, v0;
	v25 =	vand.u32 $0xFFFFFFF8, v25;
	v19 =	vadd.s32 v59, v62  }
0xff: {  	v61 =	vld.idx.msk [tilespmem:v61+s13+$0x0], $0xffff;
	v23 =	vadd.s32 v23, v62;
	v25 =	vor.u32 v11, v25;
	v19 =	vand.u32 $0xFFFFFFF8, v19  }
0x100: {  	v23 =	vand.u32 $0xFFFFFFF8, v23;
	v18 =	vor.u32 v15, v19;
	v19 =	vadd.s32 v60, v62  }
0x101: {  	v63 =	vld.idx.msk [tilespmem:v63+s13+$0x0], $0xffff;
	v22 =	vadd.s32 v37, v62;
	v23 =	vor.u32 v13, v23;
	v19 =	vand.u32 $0xFFFFFFF8, v19  }
0x102: {  	v17 =	vadd.f32 v21, v17;
	v21 =	vor.u32 v13, v27;
	v27 =	vadd.s32 v28, v62  }
0x103: {  	v24 =	vld.idx.msk [tilespmem:v24+s13+$0x0], $0xffff;
	v10 =	vor.u32 v1, v19;
	v28 =	vadd.s32 $0x1388, v0;
	v27 =	vand.u32 $0xFFFFFFF8, v27  }
0x104: {  	v26 =	vld.idx.msk [tilespmem:v26+s13+$0x0], $0xffff;
	v28 =	vadd.s32 v28, v62;
	v17 =	vadd.f32 v61, v17;
	v27 =	vor.u32 v15, v27  }
0x105: {  	v19 =	vand.u32 $0xFFFFFFF8, v22;
	v22 =	vadd.s32 $0xD15, v0;
	v25 =	vld.idx.msk [tilespmem:v25+s13+$0x0], $0xffff;
	v28 =	vand.u32 $0xFFFFFFF8, v28  }
0x106: {  	v22 =	vadd.s32 v22, v62;
	v23 =	vld.idx.msk [tilespmem:v23+s13+$0x0], $0xffff;
	v28 =	vor.u32 v1, v28;
	v17 =	vadd.f32 v63, v17  }
0x107: {  	v45 =	vmovc v37;
	v37 =	vadd.s32 $0x138B, v0;
	v22 =	vand.u32 $0xFFFFFFF8, v22;
	v12 =	vor.u32 v13, v12;
	v21 =	vld.idx.msk [tilespmem:v21+s13+$0x0], $0xffff  }
0x108: {  	v18 =	vld.idx.msk [tilespmem:v18+s13+$0x0], $0xffff;
	v17 =	vadd.f32 v24, v17;
	v24 =	vor.u32 v3, v29;
	v29 =	vadd.s32 v34, v62  }
0x109: {  	v22 =	vor.u32 v11, v22;
	v61 =	vadd.s32 v32, v62;
	v27 =	vld.idx.msk [tilespmem:v27+s13+$0x0], $0xffff;
	v29 =	vand.u32 $0xFFFFFFF8, v29  }
0x10a: {  	v10 =	vld.idx.msk [tilespmem:v10+s13+$0x0], $0xffff;
	v17 =	vadd.f32 v25, v17;
	v25 =	vor.u32 v51, v29;
	v29 =	vadd.s32 v37, v62  }
0x10b: {  	v38 =	vadd.s32 $0x138C, v0;
	v61 =	vand.u32 $0xFFFFFFF8, v61;
	v28 =	vld.idx.msk [tilespmem:v28+s13+$0x0], $0xffff;
	v29 =	vand.u32 $0xFFFFFFF8, v29  }
0x10c: {  	v12 =	vld.idx.msk [tilespmem:v12+s13+$0x0], $0xffff;
	v17 =	vadd.f32 v21, v17;
	v21 =	vor.u32 v7, v29;
	v29 =	vadd.s32 v38, v62  }
0x10d: {  	v52 =	vadd.s32 $0xD19, v0;
	v61 =	vor.u32 v1, v61;
	v24 =	vld.idx.msk [tilespmem:v24+s13+$0x0], $0xffff;
	v29 =	vand.u32 $0xFFFFFFF8, v29  }
0x10e: {  	v22 =	vld.idx.msk [tilespmem:v22+s13+$0x0], $0xffff;
	v17 =	vadd.f32 v27, v17;
	v27 =	vor.u32 v9, v29;
	v29 =	vadd.s32 v30, v62  }
0x10f: {  	v34 =	vadd.s32 $0x138E, v0;
	v30 =	vadd.s32 v52, v62;
	v25 =	vld.idx.msk [tilespmem:v25+s13+$0x0], $0xffff;
	v29 =	vand.u32 $0xFFFFFFF8, v29  }
0x110: {  	v14 =	vld.idx.msk [tilespmem:v14+s13+$0x0], $0xffff;
	v17 =	vadd.f32 v28, v17;
	v28 =	vor.u32 v11, v29;
	v29 =	vadd.s32 v34, v62  }
0x111: {  	v37 =	vadd.s32 $0x138F, v0;
	v30 =	vand.u32 $0xFFFFFFF8, v30;
	v21 =	vld.idx.msk [tilespmem:v21+s13+$0x0], $0xffff;
	v29 =	vand.u32 $0xFFFFFFF8, v29  }
0x112: {  	v16 =	vld.idx.msk [tilespmem:v16+s13+$0x0], $0xffff;
	v17 =	vadd.f32 v24, v17;
	v24 =	vor.u32 v13, v29;
	v29 =	vadd.s32 v37, v62  }
0x113: {  	v4 =	vadd.f32 v22, v8;
	v30 =	vor.u32 v3, v30;
	v27 =	vld.idx.msk [tilespmem:v27+s13+$0x0], $0xffff;
	v29 =	vand.u32 $0xFFFFFFF8, v29  }
0x114: {  	v6 =	vadd.f32 v12, v6;
	v20 =	vld.idx.msk [tilespmem:v20+s13+$0x0], $0xffff;
	v17 =	vadd.f32 v25, v17;
	v25 =	vor.u32 v15, v29  }
0x115: {  	v2 =	vadd.f32 v18, v2;
	v4 =	vadd.f32 v23, v4;
	v8 =	vld.idx.msk [tilespmem:v28+s13+$0x0], $0xffff  }
0x116: {  	v19 =	vor.u32 v3, v19;
	v6 =	vadd.f32 v14, v6;
	v12 =	vld.idx.msk [tilespmem:v61+s13+$0x0], $0xffff;
	v17 =	vadd.f32 v21, v17  }
0x117: {  	v2 =	vadd.f32 v10, v2;
	v23 =	vadd.s32 $0x208C, v0;
	v4 =	vadd.f32 v26, v4;
	v18 =	vld.idx.msk [tilespmem:v24+s13+$0x0], $0xffff  }
0x118: {  	v26 =	vadd.s32 $0x2093, v0;
	v6 =	vadd.f32 v16, v6;
	v14 =	vld.idx.msk [tilespmem:v30+s13+$0x0], $0xffff;
	v17 =	vadd.f32 v27, v17  }
0x119: {  	v16 =	vadd.s32 $0x2084, v0;
	v26 =	vadd.s32 v26, v62;
	v38 =	vadd.s32 $0x1390, v0;
	v10 =	vld.idx.msk [tilespmem:v25+s13+$0x0], $0xffff  }
0x11a: {  	v16 =	vadd.s32 v16, v62;
	v29 =	vadd.s32 v38, v62;
	v8 =	vadd.f32 v8, v17  }
0x11b: {  	v61 =	vadd.f32 v20, v6;
	v4 =	vadd.f32 v12, v4;
	v22 =	vand.u32 $0xFFFFFFF8, v29  }
0x11c: {  	v21 =	vor.u32 v1, v22;
	v6 =	vadd.f32 v18, v8;
	v8 =	vadd.s32 $0x2080, v0  }
0x11d: {  	v63 =	vadd.f32 v14, v4;
	v4 =	vadd.s32 v8, v62;
	v8 =	vadd.s32 $0x2081, v0  }
0x11e: {  	v6 =	vadd.f32 v10, v6;
	v4 =	vand.u32 $0xFFFFFFF8, v4;
	v8 =	vadd.s32 v8, v62  }
0x11f: {  	v10 =	vadd.s32 $0x2082, v0;
	v4 =	vor.u32 v1, v4;
	v8 =	vand.u32 $0xFFFFFFF8, v8  }
0x120: {  	v19 =	vld.idx.msk [tilespmem:v19+s13+$0x0], $0xffff;
	v26 =	vand.u32 $0xFFFFFFF8, v26;
	v10 =	vadd.s32 v10, v62;
	v8 =	vor.u32 v3, v8  }
0x121: {  	v16 =	vand.u32 $0xFFFFFFF8, v16;
	v14 =	vadd.s32 $0x2083, v0;
	v10 =	vand.u32 $0xFFFFFFF8, v10  }
0x122: {  	v20 =	vadd.s32 $0x2086, v0;
	v12 =	vld.idx.msk [tilespmem:v21+s13+$0x0], $0xffff;
	v14 =	vadd.s32 v14, v62;
	v10 =	vor.u32 v51, v10  }
0x123: {  	v26 =	vor.u32 v7, v26;
	v20 =	vadd.s32 v20, v62;
	v14 =	vand.u32 $0xFFFFFFF8, v14  }
0x124: {  	v16 =	vor.u32 v9, v16;
	v20 =	vand.u32 $0xFFFFFFF8, v20;
	v14 =	vor.u32 v7, v14;
	v4 =	vld.idx.msk [tilespmem:v4+s13+$0x0], $0xffff  }
0x125: {  	v38 =	vadd.f32 v19, v2;
	v19 =	vor.u32 $0x1A00, v0;
	v18 =	vadd.s32 $0x2085, v0;
	v8 =	vld.idx.msk [tilespmem:v8+s13+$0x0], $0xffff  }
0x126: {  	v37 =	vmovc v31;
	v31 =	vadd.s32 $0x270A, v0;
	v19 =	vadd.s32 v19, v62;
	v18 =	vadd.s32 v18, v62  }
0x127: {  	v18 =	vand.u32 $0xFFFFFFF8, v18;
	v6 =	vadd.f32 v12, v6;
	v12 =	vadd.s32 $0x1391, v0;
	v10 =	vld.idx.msk [tilespmem:v10+s13+$0x0], $0xffff  }
0x128: {  	v19 =	vand.u32 $0xFFFFFFF8, v19;
	v18 =	vor.u32 v11, v18;
	v12 =	vadd.s32 v12, v62  }
0x129: {  	v22 =	vadd.s32 $0x2088, v0;
	v21 =	vadd.s32 $0x2087, v0;
	v12 =	vand.u32 $0xFFFFFFF8, v12;
	v14 =	vld.idx.msk [tilespmem:v14+s13+$0x0], $0xffff  }
0x12a: {  	v4 =	vadd.f32 v8, v4;
	v8 =	vor.u32 v13, v20;
	v20 =	vadd.s32 v21, v62  }
0x12b: {  	v16 =	vld.idx.msk [tilespmem:v16+s13+$0x0], $0xffff;
	v19 =	vor.u32 v1, v19;
	v12 =	vor.u32 v3, v12;
	v20 =	vand.u32 $0xFFFFFFF8, v20  }
0x12c: {  	v4 =	vadd.f32 v10, v4;
	v10 =	vor.u32 v15, v20;
	v20 =	vadd.s32 v22, v62  }
0x12d: {  	v18 =	vld.idx.msk [tilespmem:v18+s13+$0x0], $0xffff;
	v21 =	vor.u32 $0x1A01, v0;
	v22 =	vadd.s32 $0x2089, v0;
	v20 =	vand.u32 $0xFFFFFFF8, v20  }
0x12e: {  	v4 =	vadd.f32 v14, v4;
	v14 =	vor.u32 v1, v20;
	v20 =	vadd.s32 v22, v62  }
0x12f: {  	v21 =	vadd.s32 v21, v62;
	v22 =	vadd.s32 $0x208A, v0;
	v8 =	vld.idx.msk [tilespmem:v8+s13+$0x0], $0xffff;
	v20 =	vand.u32 $0xFFFFFFF8, v20  }
0x130: {  	v4 =	vadd.f32 v16, v4;
	v16 =	vor.u32 v3, v20;
	v20 =	vadd.s32 v22, v62  }
0x131: {  	v21 =	vand.u32 $0xFFFFFFF8, v21;
	v22 =	vadd.s32 $0x208B, v0;
	v10 =	vld.idx.msk [tilespmem:v10+s13+$0x0], $0xffff;
	v20 =	vand.u32 $0xFFFFFFF8, v20  }
0x132: {  	v4 =	vadd.f32 v18, v4;
	v18 =	vor.u32 v51, v20;
	v20 =	vadd.s32 v22, v62  }
0x133: {  	v21 =	vor.u32 v3, v21;
	v22 =	vadd.s32 $0x1A02, v0;
	v14 =	vld.idx.msk [tilespmem:v14+s13+$0x0], $0xffff;
	v20 =	vand.u32 $0xFFFFFFF8, v20  }
0x134: {  	v4 =	vadd.f32 v8, v4;
	v8 =	vor.u32 v7, v20;
	v20 =	vadd.s32 v23, v62  }
0x135: {  	v22 =	vadd.s32 v22, v62;
	v23 =	vadd.s32 $0x208D, v0;
	v16 =	vld.idx.msk [tilespmem:v16+s13+$0x0], $0xffff;
	v20 =	vand.u32 $0xFFFFFFF8, v20  }
0x136: {  	v4 =	vadd.f32 v10, v4;
	v10 =	vor.u32 v9, v20;
	v20 =	vadd.s32 v23, v62  }
0x137: {  	v22 =	vand.u32 $0xFFFFFFF8, v22;
	v23 =	vadd.s32 $0x208E, v0;
	v18 =	vld.idx.msk [tilespmem:v18+s13+$0x0], $0xffff;
	v20 =	vand.u32 $0xFFFFFFF8, v20  }
0x138: {  	v19 =	vld.idx.msk [tilespmem:v19+s13+$0x0], $0xffff;
	v4 =	vadd.f32 v14, v4;
	v14 =	vor.u32 v11, v20;
	v20 =	vadd.s32 v23, v62  }
0x139: {  	v22 =	vor.u32 v51, v22;
	v23 =	vadd.s32 $0x208F, v0;
	v8 =	vld.idx.msk [tilespmem:v8+s13+$0x0], $0xffff;
	v20 =	vand.u32 $0xFFFFFFF8, v20  }
0x13a: {  	v12 =	vld.idx.msk [tilespmem:v12+s13+$0x0], $0xffff;
	v4 =	vadd.f32 v16, v4;
	v16 =	vor.u32 v13, v20;
	v20 =	vadd.s32 v23, v62  }
0x13b: {  	v28 =	vadd.s32 $0x2706, v0;
	v23 =	vadd.s32 $0x2090, v0;
	v10 =	vld.idx.msk [tilespmem:v10+s13+$0x0], $0xffff;
	v20 =	vand.u32 $0xFFFFFFF8, v20  }
0x13c: {  	v21 =	vld.idx.msk [tilespmem:v21+s13+$0x0], $0xffff;
	v4 =	vadd.f32 v18, v4;
	v18 =	vor.u32 v15, v20;
	v20 =	vadd.s32 v23, v62  }
0x13d: {  	v29 =	vadd.s32 $0x2094, v0;
	v17 =	vadd.s32 $0x1392, v0;
	v14 =	vld.idx.msk [tilespmem:v14+s13+$0x0], $0xffff;
	v20 =	vand.u32 $0xFFFFFFF8, v20  }
0x13e: {  	v17 =	vadd.s32 v17, v62;
	v22 =	vld.idx.msk [tilespmem:v22+s13+$0x0], $0xffff;
	v8 =	vadd.f32 v8, v4;
	v20 =	vor.u32 v1, v20  }
0x13f: {  	v30 =	vadd.s32 $0x2707, v0;
	v17 =	vand.u32 $0xFFFFFFF8, v17;
	v4 =	vadd.f32 v12, v6;
	v16 =	vld.idx.msk [tilespmem:v16+s13+$0x0], $0xffff  }
0x140: {  	v6 =	vor.u32 v51, v17;
	v17 =	vadd.s32 $0x1394, v0;
	v8 =	vadd.f32 v10, v8  }
0x141: {  	v10 =	vadd.s32 v17, v62;
	v17 =	vadd.f32 v21, v19;
	v19 =	vadd.s32 $0x1A03, v0;
	v18 =	vld.idx.msk [tilespmem:v18+s13+$0x0], $0xffff  }
0x142: {  	v28 =	vadd.s32 v28, v62;
	v19 =	vadd.s32 v19, v62;
	v8 =	vadd.f32 v14, v8  }
0x143: {  	v29 =	vadd.s32 v29, v62;
	v14 =	vadd.f32 v22, v17;
	v17 =	vand.u32 $0xFFFFFFF8, v19;
	v19 =	vld.idx.msk [tilespmem:v20+s13+$0x0], $0xffff  }
0x144: {  	v21 =	vadd.s32 $0x1A05, v0;
	v20 =	vadd.s32 $0x1A04, v0;
	v8 =	vadd.f32 v16, v8  }
0x145: {  	v16 =	vor.u32 v7, v17;
	v17 =	vadd.s32 v20, v62;
	v20 =	vadd.s32 v21, v62  }
0x146: {  	v21 =	vadd.s32 $0x2701, v0;
	v20 =	vand.u32 $0xFFFFFFF8, v20;
	v8 =	vadd.f32 v18, v8  }
0x147: {  	v21 =	vadd.s32 v21, v62;
	v18 =	vor.u32 v11, v20;
	v20 =	vadd.s32 $0x2091, v0  }
0x148: {  	v8 =	vadd.f32 v19, v8;
	v19 =	vadd.s32 v20, v62;
	v20 =	vadd.s32 $0x2700, v0  }
0x149: {  	v24 =	vadd.s32 $0x2703, v0;
	v21 =	vand.u32 $0xFFFFFFF8, v21;
	v20 =	vadd.s32 v20, v62  }
0x14a: {  	v22 =	vadd.s32 $0x2702, v0;
	v21 =	vor.u32 v3, v21;
	v20 =	vand.u32 $0xFFFFFFF8, v20  }
0x14b: {  	v28 =	vand.u32 $0xFFFFFFF8, v28;
	v22 =	vadd.s32 v22, v62;
	v20 =	vor.u32 v1, v20  }
0x14c: {  	v29 =	vand.u32 $0xFFFFFFF8, v29;
	v24 =	vadd.s32 v24, v62;
	v22 =	vand.u32 $0xFFFFFFF8, v22  }
0x14d: {  	v27 =	vadd.s32 $0x2705, v0;
	v29 =	vor.u32 v9, v29;
	v22 =	vor.u32 v51, v22  }
0x14e: {  	v24 =	vand.u32 $0xFFFFFFF8, v24;
	v25 =	vadd.s32 $0x2704, v0;
	v27 =	vadd.s32 v27, v62  }
0x14f: {  	v24 =	vor.u32 v7, v24;
	v25 =	vadd.s32 v25, v62;
	v23 =	vadd.s32 $0x1393, v0;
	v21 =	vld.idx.msk [tilespmem:v21+s13+$0x0], $0xffff  }
0x150: {  	v27 =	vand.u32 $0xFFFFFFF8, v27;
	v25 =	vand.u32 $0xFFFFFFF8, v25;
	v23 =	vadd.s32 v23, v62;
	v20 =	vld.idx.msk [tilespmem:v20+s13+$0x0], $0xffff  }
0x151: {  	v26 =	vld.idx.msk [tilespmem:v26+s13+$0x0], $0xffff;
	v25 =	vor.u32 v9, v25;
	v12 =	vand.u32 $0xFFFFFFF8, v23;
	v23 =	vadd.s32 $0x2092, v0  }
0x152: {  	v27 =	vor.u32 v11, v27;
	v12 =	vor.u32 v7, v12;
	v23 =	vadd.s32 v23, v62;
	v22 =	vld.idx.msk [tilespmem:v22+s13+$0x0], $0xffff  }
0x153: {  	v29 =	vld.idx.msk [tilespmem:v29+s13+$0x0], $0xffff;
	v23 =	vand.u32 $0xFFFFFFF8, v23;
	v10 =	vand.u32 $0xFFFFFFF8, v10;
	v17 =	vand.u32 $0xFFFFFFF8, v17  }
0x154: {  	v24 =	vld.idx.msk [tilespmem:v24+s13+$0x0], $0xffff;
	v23 =	vor.u32 v51, v23;
	v10 =	vor.u32 v9, v10;
	v17 =	vor.u32 v9, v17  }
0x155: {  	v6 =	vld.idx.msk [tilespmem:v6+s13+$0x0], $0xffff;
	v20 =	vadd.f32 v21, v20;
	v21 =	vor.u32 v13, v28;
	v28 =	vadd.s32 v30, v62  }
0x156: {  	v25 =	vld.idx.msk [tilespmem:v25+s13+$0x0], $0xffff;
	v19 =	vand.u32 $0xFFFFFFF8, v19;
	v30 =	vadd.s32 $0x2708, v0;
	v28 =	vand.u32 $0xFFFFFFF8, v28  }
0x157: {  	v27 =	vld.idx.msk [tilespmem:v27+s13+$0x0], $0xffff;
	v20 =	vadd.f32 v22, v20;
	v22 =	vor.u32 v15, v28;
	v28 =	vadd.s32 v30, v62  }
0x158: {  	v12 =	vld.idx.msk [tilespmem:v12+s13+$0x0], $0xffff;
	v19 =	vor.u32 v3, v19;
	v30 =	vadd.s32 $0x2709, v0;
	v28 =	vand.u32 $0xFFFFFFF8, v28  }
0x159: {  	v23 =	vld.idx.msk [tilespmem:v23+s13+$0x0], $0xffff;
	v20 =	vadd.f32 v24, v20;
	v24 =	vor.u32 v1, v28;
	v28 =	vadd.s32 v30, v62  }
0x15a: {  	v4 =	vadd.f32 v6, v4;
	v30 =	vadd.s32 $0x2095, v0;
	v21 =	vld.idx.msk [tilespmem:v21+s13+$0x0], $0xffff;
	v28 =	vand.u32 $0xFFFFFFF8, v28  }
0x15b: {  	v10 =	vld.idx.msk [tilespmem:v10+s13+$0x0], $0xffff;
	v20 =	vadd.f32 v25, v20;
	v25 =	vor.u32 v3, v28;
	v28 =	vadd.s32 v31, v62  }
0x15c: {  	v30 =	vadd.s32 v30, v62;
	v31 =	vadd.s32 $0x270B, v0;
	v22 =	vld.idx.msk [tilespmem:v22+s13+$0x0], $0xffff;
	v28 =	vand.u32 $0xFFFFFFF8, v28  }
0x15d: {  	v19 =	vld.idx.msk [tilespmem:v19+s13+$0x0], $0xffff;
	v20 =	vadd.f32 v27, v20;
	v27 =	vor.u32 v51, v28;
	v28 =	vadd.s32 v31, v62  }
0x15e: {  	v30 =	vand.u32 $0xFFFFFFF8, v30;
	v31 =	vadd.s32 $0x270C, v0;
	v24 =	vld.idx.msk [tilespmem:v24+s13+$0x0], $0xffff;
	v28 =	vand.u32 $0xFFFFFFF8, v28  }
0x15f: {  	v16 =	vld.idx.msk [tilespmem:v16+s13+$0x0], $0xffff;
	v20 =	vadd.f32 v21, v20;
	v21 =	vor.u32 v7, v28;
	v28 =	vadd.s32 v31, v62  }
0x160: {  	v30 =	vor.u32 v11, v30;
	v31 =	vadd.s32 $0x270D, v0;
	v25 =	vld.idx.msk [tilespmem:v25+s13+$0x0], $0xffff;
	v28 =	vand.u32 $0xFFFFFFF8, v28  }
0x161: {  	v17 =	vld.idx.msk [tilespmem:v17+s13+$0x0], $0xffff;
	v20 =	vadd.f32 v22, v20;
	v22 =	vor.u32 v9, v28;
	v28 =	vadd.s32 v31, v62  }
0x162: {  	v8 =	vadd.f32 v19, v8;
	v19 =	vld.idx.msk [tilespmem:v27+s13+$0x0], $0xffff;
	v27 =	vand.u32 $0xFFFFFFF8, v28;
	v28 =	vadd.s32 $0x270E, v0  }
0x163: {  	v18 =	vld.idx.msk [tilespmem:v18+s13+$0x0], $0xffff;
	v20 =	vadd.f32 v24, v20;
	v24 =	vor.u32 v11, v27;
	v27 =	vadd.s32 v28, v62  }
0x164: {  	v14 =	vadd.f32 v16, v14;
	v6 =	vadd.f32 v23, v8;
	v8 =	vld.idx.msk [tilespmem:v21+s13+$0x0], $0xffff;
	v21 =	vand.u32 $0xFFFFFFF8, v27  }
0x165: {  	v4 =	vadd.f32 v12, v4;
	v16 =	vld.idx.msk [tilespmem:v30+s13+$0x0], $0xffff;
	v20 =	vadd.f32 v25, v20;
	v21 =	vor.u32 v13, v21  }
0x166: {  	v14 =	vadd.f32 v17, v14;
	v6 =	vadd.f32 v26, v6;
	v12 =	vld.idx.msk [tilespmem:v22+s13+$0x0], $0xffff  }
0x167: {  	v4 =	vadd.f32 v10, v4;
	v17 =	vadd.f32 v19, v20  }
0x168: {  	v10 =	vadd.f32 v29, v6;
	v6 =	vadd.f32 v18, v14;
	v19 =	vadd.s32 $0x2096, v0;
	v20 =	vld.idx.msk [tilespmem:v24+s13+$0x0], $0xffff  }
0x169: {  	v14 =	vadd.s32 v19, v62;
	v19 =	vadd.s32 $0x2098, v0;
	v17 =	vadd.f32 v8, v17  }
0x16a: {  	v8 =	vadd.f32 v16, v10;
	v10 =	vand.u32 $0xFFFFFFF8, v14;
	v14 =	vadd.s32 $0x2097, v0;
	v18 =	vld.idx.msk [tilespmem:v21+s13+$0x0], $0xffff  }
0x16b: {  	v16 =	vadd.s32 v14, v62;
	v14 =	vor.u32 v13, v10;
	v12 =	vadd.f32 v12, v17  }
0x16c: {  	v10 =	vand.u32 $0xFFFFFFF8, v16;
	v16 =	vadd.s32 v19, v62;
	v17 =	vadd.s32 $0x2099, v0  }
0x16d: {  	v16 =	vand.u32 $0xFFFFFFF8, v16;
	v19 =	vadd.f32 v20, v12;
	v12 =	vor.u32 v15, v10  }
0x16e: {  	v10 =	vor.u32 v1, v16;
	v16 =	vadd.s32 v17, v62;
	v20 =	vadd.s32 $0x2D81, v0  }
0x16f: {  	v20 =	vadd.s32 v20, v62;
	v17 =	vadd.f32 v18, v19;
	v18 =	vadd.s32 $0x2D80, v0  }
0x170: {  	v5 =	vmovc v35;
	v35 =	vadd.s32 $0x2D97, v0;
	v20 =	vand.u32 $0xFFFFFFF8, v20;
	v18 =	vadd.s32 v18, v62  }
0x171: {  	v21 =	vadd.s32 $0x2D82, v0;
	v20 =	vor.u32 v3, v20;
	v18 =	vand.u32 $0xFFFFFFF8, v18  }
0x172: {  	v35 =	vadd.s32 v35, v62;
	v21 =	vadd.s32 v21, v62;
	v18 =	vor.u32 v1, v18  }
0x173: {  	v23 =	vadd.s32 $0x2710, v0;
	v22 =	vadd.s32 $0x2D83, v0;
	v21 =	vand.u32 $0xFFFFFFF8, v21  }
0x174: {  	v23 =	vadd.s32 v23, v62;
	v22 =	vadd.s32 v22, v62;
	v21 =	vor.u32 v51, v21  }
0x175: {  	v23 =	vand.u32 $0xFFFFFFF8, v23;
	v22 =	vand.u32 $0xFFFFFFF8, v22;
	v24 =	vadd.s32 $0x2D84, v0  }
0x176: {  	v26 =	vadd.s32 $0x2711, v0;
	v22 =	vor.u32 v7, v22;
	v24 =	vadd.s32 v24, v62;
	v20 =	vld.idx.msk [tilespmem:v20+s13+$0x0], $0xffff  }
0x177: {  	v23 =	vor.u32 v1, v23;
	v25 =	vadd.s32 $0x2D85, v0;
	v24 =	vand.u32 $0xFFFFFFF8, v24;
	v18 =	vld.idx.msk [tilespmem:v18+s13+$0x0], $0xffff  }
0x178: {  	v26 =	vadd.s32 v26, v62;
	v25 =	vadd.s32 v25, v62;
	v24 =	vor.u32 v9, v24  }
0x179: {  	v26 =	vand.u32 $0xFFFFFFF8, v26;
	v27 =	vadd.s32 $0x2D86, v0;
	v25 =	vand.u32 $0xFFFFFFF8, v25;
	v21 =	vld.idx.msk [tilespmem:v21+s13+$0x0], $0xffff  }
0x17a: {  	v29 =	vadd.s32 $0x2D88, v0;
	v27 =	vadd.s32 v27, v62;
	v25 =	vor.u32 v11, v25  }
0x17b: {  	v28 =	vadd.s32 $0x2D87, v0;
	v27 =	vand.u32 $0xFFFFFFF8, v27;
	v22 =	vld.idx.msk [tilespmem:v22+s13+$0x0], $0xffff;
	v19 =	vadd.s32 $0x270F, v0  }
0x17c: {  	v18 =	vadd.f32 v20, v18;
	v20 =	vor.u32 v13, v27;
	v27 =	vadd.s32 v28, v62  }
0x17d: {  	v26 =	vor.u32 v3, v26;
	v19 =	vadd.s32 v19, v62;
	v24 =	vld.idx.msk [tilespmem:v24+s13+$0x0], $0xffff;
	v27 =	vand.u32 $0xFFFFFFF8, v27  }
0x17e: {  	v18 =	vadd.f32 v21, v18;
	v21 =	vor.u32 v15, v27;
	v27 =	vadd.s32 v29, v62  }
0x17f: {  	v25 =	vld.idx.msk [tilespmem:v25+s13+$0x0], $0xffff;
	v19 =	vand.u32 $0xFFFFFFF8, v19;
	v29 =	vadd.s32 $0x2D89, v0;
	v27 =	vand.u32 $0xFFFFFFF8, v27  }
0x180: {  	v18 =	vadd.f32 v22, v18;
	v22 =	vor.u32 v1, v27;
	v27 =	vadd.s32 v29, v62  }
0x181: {  	v19 =	vor.u32 v15, v19;
	v29 =	vadd.s32 $0x2D8A, v0;
	v20 =	vld.idx.msk [tilespmem:v20+s13+$0x0], $0xffff;
	v27 =	vand.u32 $0xFFFFFFF8, v27  }
0x182: {  	v18 =	vadd.f32 v24, v18;
	v24 =	vor.u32 v3, v27;
	v27 =	vadd.s32 v29, v62  }
0x183: {  	v28 =	vadd.s32 $0x2712, v0;
	v29 =	vadd.s32 $0x2D8B, v0;
	v21 =	vld.idx.msk [tilespmem:v21+s13+$0x0], $0xffff;
	v27 =	vand.u32 $0xFFFFFFF8, v27  }
0x184: {  	v18 =	vadd.f32 v25, v18;
	v25 =	vor.u32 v51, v27;
	v27 =	vadd.s32 v29, v62  }
0x185: {  	v30 =	vadd.s32 $0x2D8C, v0;
	v28 =	vadd.s32 v28, v62;
	v22 =	vld.idx.msk [tilespmem:v22+s13+$0x0], $0xffff;
	v27 =	vand.u32 $0xFFFFFFF8, v27  }
0x186: {  	v18 =	vadd.f32 v20, v18;
	v20 =	vor.u32 v7, v27;
	v27 =	vadd.s32 v30, v62  }
0x187: {  	v28 =	vand.u32 $0xFFFFFFF8, v28;
	v30 =	vadd.s32 $0x2D8D, v0;
	v24 =	vld.idx.msk [tilespmem:v24+s13+$0x0], $0xffff;
	v27 =	vand.u32 $0xFFFFFFF8, v27  }
0x188: {  	v19 =	vld.idx.msk [tilespmem:v19+s13+$0x0], $0xffff;
	v18 =	vadd.f32 v21, v18;
	v21 =	vor.u32 v9, v27;
	v27 =	vadd.s32 v30, v62  }
0x189: {  	v28 =	vor.u32 v51, v28;
	v30 =	vadd.s32 $0x2D8E, v0;
	v25 =	vld.idx.msk [tilespmem:v25+s13+$0x0], $0xffff;
	v27 =	vand.u32 $0xFFFFFFF8, v27  }
0x18a: {  	v23 =	vld.idx.msk [tilespmem:v23+s13+$0x0], $0xffff;
	v18 =	vadd.f32 v22, v18;
	v22 =	vor.u32 v11, v27;
	v27 =	vadd.s32 v30, v62  }
0x18b: {  	v16 =	vand.u32 $0xFFFFFFF8, v16;
	v30 =	vadd.s32 $0x2D8F, v0;
	v20 =	vld.idx.msk [tilespmem:v20+s13+$0x0], $0xffff;
	v27 =	vand.u32 $0xFFFFFFF8, v27  }
0x18c: {  	v26 =	vld.idx.msk [tilespmem:v26+s13+$0x0], $0xffff;
	v18 =	vadd.f32 v24, v18;
	v24 =	vor.u32 v13, v27;
	v27 =	vadd.s32 v30, v62  }
0x18d: {  	v17 =	vadd.f32 v19, v17;
	v19 =	vld.idx.msk [tilespmem:v21+s13+$0x0], $0xffff;
	v21 =	vand.u32 $0xFFFFFFF8, v27;
	v27 =	vadd.s32 $0x2D90, v0  }
0x18e: {  	v28 =	vld.idx.msk [tilespmem:v28+s13+$0x0], $0xffff;
	v18 =	vadd.f32 v25, v18;
	v21 =	vor.u32 v15, v21;
	v25 =	vadd.s32 v27, v62  }
0x18f: {  	v17 =	vadd.f32 v23, v17;
	v22 =	vld.idx.msk [tilespmem:v22+s13+$0x0], $0xffff;
	v23 =	vand.u32 $0xFFFFFFF8, v25;
	v25 =	vadd.s32 $0x2D91, v0  }
0x190: {  	v18 =	vadd.f32 v20, v18;
	v20 =	vor.u32 v1, v23;
	v23 =	vadd.s32 v25, v62  }
0x191: {  	v17 =	vadd.f32 v26, v17;
	v25 =	vadd.s32 $0x2D92, v0;
	v24 =	vld.idx.msk [tilespmem:v24+s13+$0x0], $0xffff;
	v23 =	vand.u32 $0xFFFFFFF8, v23  }
0x192: {  	v18 =	vadd.f32 v19, v18;
	v19 =	vor.u32 v3, v23;
	v23 =	vadd.s32 v25, v62  }
0x193: {  	v25 =	vor.u32 v3, v16;
	v16 =	vadd.f32 v28, v17;
	v17 =	vld.idx.msk [tilespmem:v21+s13+$0x0], $0xffff;
	v21 =	vand.u32 $0xFFFFFFF8, v23  }
0x194: {  	v29 =	vadd.s32 $0x2713, v0;
	v18 =	vadd.f32 v22, v18;
	v21 =	vor.u32 v51, v21  }
0x195: {  	v35 =	vand.u32 $0xFFFFFFF8, v35;
	v29 =	vadd.s32 v29, v62;
	v23 =	vadd.s32 $0x2714, v0;
	v20 =	vld.idx.msk [tilespmem:v20+s13+$0x0], $0xffff  }
0x196: {  	v22 =	vadd.s32 v23, v62;
	v23 =	vadd.s32 $0x2715, v0;
	v18 =	vadd.f32 v24, v18  }
0x197: {  	v26 =	vadd.s32 $0x2717, v0;
	v29 =	vand.u32 $0xFFFFFFF8, v29;
	v23 =	vadd.s32 v23, v62;
	v19 =	vld.idx.msk [tilespmem:v19+s13+$0x0], $0xffff  }
0x198: {  	v23 =	vand.u32 $0xFFFFFFF8, v23;
	v24 =	vadd.s32 $0x2716, v0;
	v17 =	vadd.f32 v17, v18  }
0x199: {  	v29 =	vor.u32 v7, v29;
	v24 =	vadd.s32 v24, v62;
	v18 =	vor.u32 v11, v23;
	v21 =	vld.idx.msk [tilespmem:v21+s13+$0x0], $0xffff  }
0x19a: {  	v23 =	vand.u32 $0xFFFFFFF8, v24;
	v24 =	vadd.s32 v26, v62;
	v17 =	vadd.f32 v20, v17  }
0x19b: {  	v26 =	vadd.s32 $0x2718, v0;
	v24 =	vand.u32 $0xFFFFFFF8, v24;
	v20 =	vor.u32 v13, v23  }
0x19c: {  	v23 =	vor.u32 v15, v24;
	v17 =	vadd.f32 v19, v17;
	v19 =	vor.u32 $0x3400, v0  }
0x19d: {  	v24 =	vadd.s32 v26, v62;
	v26 =	vor.u32 $0x3401, v0;
	v19 =	vadd.s32 v19, v62  }
0x19e: {  	v17 =	vadd.f32 v21, v17;
	v19 =	vand.u32 $0xFFFFFFF8, v19;
	v21 =	vadd.s32 v26, v62  }
0x19f: {  	v26 =	vadd.s32 $0x3402, v0;
	v19 =	vor.u32 v1, v19;
	v21 =	vand.u32 $0xFFFFFFF8, v21  }
0x1a0: {  	v32 =	vadd.s32 $0x3406, v0;
	v26 =	vadd.s32 v26, v62;
	v21 =	vor.u32 v3, v21  }
0x1a1: {  	v32 =	vadd.s32 v32, v62;
	v28 =	vadd.s32 $0x3403, v0;
	v26 =	vand.u32 $0xFFFFFFF8, v26  }
0x1a2: {  	v32 =	vand.u32 $0xFFFFFFF8, v32;
	v28 =	vadd.s32 v28, v62;
	v26 =	vor.u32 v51, v26  }
0x1a3: {  	v52 =	vadd.s32 $0x2D95, v0;
	v27 =	vld.idx.msk [tilespmem:v29+s13+$0x0], $0xffff;
	v29 =	vadd.s32 $0x3404, v0;
	v28 =	vand.u32 $0xFFFFFFF8, v28  }
0x1a4: {  	v34 =	vadd.s32 $0x2D96, v0;
	v29 =	vadd.s32 v29, v62;
	v28 =	vor.u32 v7, v28;
	v19 =	vld.idx.msk [tilespmem:v19+s13+$0x0], $0xffff  }
0x1a5: {  	v34 =	vadd.s32 v34, v62;
	v31 =	vadd.s32 $0x3405, v0;
	v29 =	vand.u32 $0xFFFFFFF8, v29;
	v21 =	vld.idx.msk [tilespmem:v21+s13+$0x0], $0xffff  }
0x1a6: {  	v31 =	vadd.s32 v31, v62;
	v30 =	vadd.s32 $0x2D94, v0;
	v29 =	vor.u32 v9, v29  }
0x1a7: {  	v2 =	vmovc v33;
	v33 =	vadd.s32 v52, v62;
	v31 =	vand.u32 $0xFFFFFFF8, v31;
	v30 =	vadd.s32 v30, v62;
	v26 =	vld.idx.msk [tilespmem:v26+s13+$0x0], $0xffff  }
0x1a8: {  	v52 =	vadd.s32 $0x3407, v0;
	v31 =	vor.u32 v11, v31;
	v30 =	vand.u32 $0xFFFFFFF8, v30  }
0x1a9: {  	v34 =	vand.u32 $0xFFFFFFF8, v34;
	v52 =	vadd.s32 v52, v62;
	v30 =	vor.u32 v9, v30;
	v28 =	vld.idx.msk [tilespmem:v28+s13+$0x0], $0xffff  }
0x1aa: {  	v16 =	vadd.f32 v27, v16;
	v19 =	vadd.f32 v21, v19;
	v21 =	vor.u32 v13, v32  }
0x1ab: {  	v27 =	vadd.s32 $0x2D93, v0;
	v29 =	vld.idx.msk [tilespmem:v29+s13+$0x0], $0xffff;
	v32 =	vand.u32 $0xFFFFFFF8, v52;
	v52 =	vadd.s32 $0x3408, v0  }
0x1ac: {  	v22 =	vand.u32 $0xFFFFFFF8, v22;
	v52 =	vadd.s32 v52, v62;
	v19 =	vadd.f32 v26, v19  }
0x1ad: {  	v31 =	vld.idx.msk [tilespmem:v31+s13+$0x0], $0xffff;
	v26 =	vor.u32 v15, v32;
	v32 =	vand.u32 $0xFFFFFFF8, v52;
	v52 =	vadd.s32 $0x3409, v0  }
0x1ae: {  	v27 =	vadd.s32 v27, v62;
	v52 =	vadd.s32 v52, v62;
	v19 =	vadd.f32 v28, v19  }
0x1af: {  	v28 =	vor.u32 v1, v32;
	v32 =	vand.u32 $0xFFFFFFF8, v52;
	v52 =	vadd.s32 $0x340A, v0;
	v21 =	vld.idx.msk [tilespmem:v21+s13+$0x0], $0xffff  }
0x1b0: {  	v14 =	vld.idx.msk [tilespmem:v14+s13+$0x0], $0xffff;
	v22 =	vor.u32 v9, v22;
	v52 =	vadd.s32 v52, v62;
	v19 =	vadd.f32 v29, v19  }
0x1b1: {  	v12 =	vld.idx.msk [tilespmem:v12+s13+$0x0], $0xffff;
	v29 =	vor.u32 v3, v32;
	v32 =	vand.u32 $0xFFFFFFF8, v52;
	v52 =	vadd.s32 $0x340B, v0  }
0x1b2: {  	v10 =	vld.idx.msk [tilespmem:v10+s13+$0x0], $0xffff;
	v27 =	vand.u32 $0xFFFFFFF8, v27;
	v52 =	vadd.s32 v52, v62;
	v19 =	vadd.f32 v31, v19  }
0x1b3: {  	v26 =	vld.idx.msk [tilespmem:v26+s13+$0x0], $0xffff;
	v31 =	vor.u32 v51, v32;
	v32 =	vand.u32 $0xFFFFFFF8, v52;
	v52 =	vadd.s32 $0x340C, v0  }
0x1b4: {  	v30 =	vld.idx.msk [tilespmem:v30+s13+$0x0], $0xffff;
	v27 =	vor.u32 v7, v27;
	v52 =	vadd.s32 v52, v62;
	v19 =	vadd.f32 v21, v19  }
0x1b5: {  	v28 =	vld.idx.msk [tilespmem:v28+s13+$0x0], $0xffff;
	v21 =	vor.u32 v7, v32;
	v32 =	vand.u32 $0xFFFFFFF8, v52;
	v52 =	vadd.s32 $0x340D, v0  }
0x1b6: {  	v33 =	vand.u32 $0xFFFFFFF8, v33;
	v8 =	vadd.f32 v14, v8;
	v25 =	vld.idx.msk [tilespmem:v25+s13+$0x0], $0xffff;
	v52 =	vadd.s32 v52, v62  }
0x1b7: {  	v35 =	vor.u32 v15, v35;
	v34 =	vor.u32 v13, v34;
	v33 =	vor.u32 v11, v33;
	v29 =	vld.idx.msk [tilespmem:v29+s13+$0x0], $0xffff  }
0x1b8: {  	v8 =	vadd.f32 v12, v8;
	v22 =	vld.idx.msk [tilespmem:v22+s13+$0x0], $0xffff;
	v19 =	vadd.f32 v26, v19;
	v26 =	vor.u32 v9, v32  }
0x1b9: {  	v32 =	vand.u32 $0xFFFFFFF8, v52;
	v31 =	vld.idx.msk [tilespmem:v31+s13+$0x0], $0xffff;
	v52 =	vmovc v48;
	v48 =	vmovc v47;
	v47 =	vmov v36;
	v36 =	vadd.s32 $0x340E, v0  }
0x1ba: {  	v27 =	vld.idx.msk [tilespmem:v27+s13+$0x0], $0xffff;
	v19 =	vadd.f32 v28, v19;
	v28 =	vor.u32 v11, v32;
	v36 =	vadd.s32 v36, v62  }
0x1bb: {  	v8 =	vadd.f32 v10, v8;
	v21 =	vld.idx.msk [tilespmem:v21+s13+$0x0], $0xffff;
	v32 =	vand.u32 $0xFFFFFFF8, v36;
	v36 =	vadd.s32 $0x340F, v0  }
0x1bc: {  	v18 =	vld.idx.msk [tilespmem:v18+s13+$0x0], $0xffff;
	v19 =	vadd.f32 v29, v19;
	v29 =	vor.u32 v13, v32;
	v36 =	vadd.s32 v36, v62  }
0x1bd: {  	v24 =	vand.u32 $0xFFFFFFF8, v24;
	v26 =	vld.idx.msk [tilespmem:v26+s13+$0x0], $0xffff;
	v32 =	vand.u32 $0xFFFFFFF8, v36;
	v36 =	vadd.s32 $0x3410, v0  }
0x1be: {  	v20 =	vld.idx.msk [tilespmem:v20+s13+$0x0], $0xffff;
	v19 =	vadd.f32 v31, v19;
	v31 =	vor.u32 v15, v32;
	v36 =	vadd.s32 v36, v62  }
0x1bf: {  	v8 =	vadd.f32 v25, v8;
	v28 =	vld.idx.msk [tilespmem:v28+s13+$0x0], $0xffff;
	v32 =	vand.u32 $0xFFFFFFF8, v36;
	v36 =	vadd.s32 $0x3411, v0  }
0x1c0: {  	v19 =	vadd.f32 v21, v19;
	v21 =	vld.idx.msk [tilespmem:v33+s13+$0x0], $0xffff;
	v32 =	vor.u32 v1, v32;
	v33 =	vadd.s32 v36, v62  }
0x1c1: {  	v14 =	vadd.f32 v22, v16;
	v17 =	vadd.f32 v27, v17;
	v16 =	vld.idx.msk [tilespmem:v29+s13+$0x0], $0xffff;
	v22 =	vand.u32 $0xFFFFFFF8, v33  }
0x1c2: {  	v25 =	vadd.s32 $0x3A83, v0;
	v19 =	vadd.f32 v26, v19;
	v26 =	vld.idx.msk [tilespmem:v34+s13+$0x0], $0xffff;
	v22 =	vor.u32 v3, v22  }
0x1c3: {  	v25 =	vadd.s32 v25, v62;
	v12 =	vadd.f32 v18, v14;
	v17 =	vadd.f32 v30, v17;
	v14 =	vld.idx.msk [tilespmem:v31+s13+$0x0], $0xffff  }
0x1c4: {  	v24 =	vor.u32 v1, v24;
	v25 =	vand.u32 $0xFFFFFFF8, v25;
	v18 =	vld.idx.msk [tilespmem:v35+s13+$0x0], $0xffff;
	v19 =	vadd.f32 v28, v19  }
0x1c5: {  	v25 =	vor.u32 v7, v25;
	v10 =	vadd.f32 v20, v12;
	v17 =	vadd.f32 v21, v17;
	v20 =	vld.idx.msk [tilespmem:v32+s13+$0x0], $0xffff  }
0x1c6: {  	v27 =	vadd.s32 $0x3415, v0;
	v12 =	vadd.s32 $0x2719, v0;
	v16 =	vadd.f32 v16, v19  }
0x1c7: {  	v27 =	vadd.s32 v27, v62;
	v12 =	vadd.s32 v12, v62;
	v17 =	vadd.f32 v26, v17;
	v19 =	vld.idx.msk [tilespmem:v22+s13+$0x0], $0xffff  }
0x1c8: {  	v23 =	vld.idx.msk [tilespmem:v23+s13+$0x0], $0xffff;
	v12 =	vand.u32 $0xFFFFFFF8, v12;
	v21 =	vadd.s32 $0x2D98, v0;
	v14 =	vadd.f32 v14, v16  }
0x1c9: {  	v21 =	vadd.s32 v21, v62;
	v16 =	vor.u32 v3, v12;
	v12 =	vadd.f32 v18, v17  }
0x1ca: {  	v17 =	vand.u32 $0xFFFFFFF8, v21;
	v21 =	vadd.s32 $0x3A81, v0;
	v18 =	vadd.f32 v20, v14  }
0x1cb: {  	v24 =	vld.idx.msk [tilespmem:v24+s13+$0x0], $0xffff;
	v35 =	vmovc v5;
	v5 =	vimm.s32 $0x1;
	v21 =	vadd.s32 v21, v62;
	v20 =	vadd.s32 $0x3412, v0  }
0x1cc: {  	v18 =	vadd.f32 v19, v18;
	v19 =	vadd.s32 v20, v62;
	v20 =	vadd.s32 $0x3A80, v0  }
0x1cd: {  	v10 =	vadd.f32 v23, v10;
	v21 =	vand.u32 $0xFFFFFFF8, v21;
	v20 =	vadd.s32 v20, v62  }
0x1ce: {  	v23 =	vadd.s32 $0x3A82, v0;
	v21 =	vor.u32 v3, v21;
	v20 =	vand.u32 $0xFFFFFFF8, v20  }
0x1cf: {  	v27 =	vand.u32 $0xFFFFFFF8, v27;
	v23 =	vadd.s32 v23, v62;
	v20 =	vor.u32 v1, v20  }
0x1d0: {  	v10 =	vadd.f32 v24, v10;
	v23 =	vand.u32 $0xFFFFFFF8, v23;
	v24 =	vadd.s32 $0x3414, v0  }
0x1d1: {  	v27 =	vor.u32 v11, v27;
	v23 =	vor.u32 v51, v23;
	v24 =	vadd.s32 v24, v62  }
0x1d2: {  	v24 =	vand.u32 $0xFFFFFFF8, v24;
	v22 =	vadd.s32 $0x3413, v0;
	v19 =	vand.u32 $0xFFFFFFF8, v19  }
0x1d3: {  	v26 =	vadd.s32 $0x3A84, v0;
	v22 =	vadd.s32 v22, v62;
	v19 =	vor.u32 v51, v19;
	v21 =	vld.idx.msk [tilespmem:v21+s13+$0x0], $0xffff  }
0x1d4: {  	v24 =	vor.u32 v9, v24;
	v26 =	vadd.s32 v26, v62;
	v22 =	vand.u32 $0xFFFFFFF8, v22;
	v20 =	vld.idx.msk [tilespmem:v20+s13+$0x0], $0xffff  }
0x1d5: {  	v28 =	vadd.s32 $0x3A85, v0;
	v26 =	vand.u32 $0xFFFFFFF8, v26;
	v22 =	vor.u32 v7, v22  }
0x1d6: {  	v23 =	vld.idx.msk [tilespmem:v23+s13+$0x0], $0xffff;
	v29 =	vadd.s32 $0x3A86, v0;
	v28 =	vadd.s32 v28, v62;
	v26 =	vor.u32 v9, v26  }
0x1d7: {  	v28 =	vand.u32 $0xFFFFFFF8, v28;
	v14 =	vor.u32 v1, v17;
	v17 =	vadd.s32 $0x2D99, v0  }
0x1d8: {  	v29 =	vadd.s32 v29, v62;
	v28 =	vor.u32 v11, v28;
	v17 =	vadd.s32 v17, v62;
	v19 =	vld.idx.msk [tilespmem:v19+s13+$0x0], $0xffff  }
0x1d9: {  	v20 =	vadd.f32 v21, v20;
	v21 =	vld.idx.msk [tilespmem:v25+s13+$0x0], $0xffff;
	v25 =	vand.u32 $0xFFFFFFF8, v29;
	v29 =	vadd.s32 $0x3A87, v0  }
0x1da: {  	v17 =	vand.u32 $0xFFFFFFF8, v17;
	v22 =	vld.idx.msk [tilespmem:v22+s13+$0x0], $0xffff;
	v25 =	vor.u32 v13, v25;
	v29 =	vadd.s32 v29, v62  }
0x1db: {  	v20 =	vadd.f32 v23, v20;
	v23 =	vld.idx.msk [tilespmem:v26+s13+$0x0], $0xffff;
	v26 =	vand.u32 $0xFFFFFFF8, v29;
	v29 =	vadd.s32 $0x3A88, v0  }
0x1dc: {  	v24 =	vld.idx.msk [tilespmem:v24+s13+$0x0], $0xffff;
	v17 =	vor.u32 v3, v17;
	v26 =	vor.u32 v15, v26;
	v29 =	vadd.s32 v29, v62  }
0x1dd: {  	v18 =	vadd.f32 v19, v18;
	v19 =	vld.idx.msk [tilespmem:v28+s13+$0x0], $0xffff;
	v28 =	vand.u32 $0xFFFFFFF8, v29;
	v29 =	vadd.s32 $0x3A89, v0  }
0x1de: {  	v27 =	vld.idx.msk [tilespmem:v27+s13+$0x0], $0xffff;
	v20 =	vadd.f32 v21, v20;
	v21 =	vor.u32 v1, v28;
	v28 =	vadd.s32 v29, v62  }
0x1df: {  	v18 =	vadd.f32 v22, v18;
	v22 =	vld.idx.msk [tilespmem:v25+s13+$0x0], $0xffff;
	v25 =	vand.u32 $0xFFFFFFF8, v28;
	v28 =	vadd.s32 $0x3A8A, v0  }
0x1e0: {  	v20 =	vadd.f32 v23, v20;
	v23 =	vor.u32 v3, v25;
	v25 =	vadd.s32 v28, v62  }
0x1e1: {  	v18 =	vadd.f32 v24, v18;
	v24 =	vld.idx.msk [tilespmem:v26+s13+$0x0], $0xffff;
	v25 =	vand.u32 $0xFFFFFFF8, v25;
	v26 =	vadd.s32 $0x3A8B, v0  }
0x1e2: {  	v19 =	vadd.f32 v19, v20;
	v20 =	vor.u32 v51, v25;
	v25 =	vadd.s32 v26, v62  }
0x1e3: {  	v18 =	vadd.f32 v27, v18;
	v26 =	vadd.s32 $0x3A8C, v0;
	v21 =	vld.idx.msk [tilespmem:v21+s13+$0x0], $0xffff;
	v25 =	vand.u32 $0xFFFFFFF8, v25  }
0x1e4: {  	v19 =	vadd.f32 v22, v19;
	v22 =	vor.u32 v7, v25;
	v25 =	vadd.s32 v26, v62  }
0x1e5: {  	v27 =	vadd.s32 $0x3A8D, v0;
	v29 =	vadd.s32 $0x3A95, v0;
	v23 =	vld.idx.msk [tilespmem:v23+s13+$0x0], $0xffff;
	v25 =	vand.u32 $0xFFFFFFF8, v25  }
0x1e6: {  	v19 =	vadd.f32 v24, v19;
	v24 =	vor.u32 v9, v25;
	v25 =	vadd.s32 v27, v62  }
0x1e7: {  	v26 =	vadd.s32 $0x3416, v0;
	v27 =	vadd.s32 $0x3A8E, v0;
	v20 =	vld.idx.msk [tilespmem:v20+s13+$0x0], $0xffff;
	v25 =	vand.u32 $0xFFFFFFF8, v25  }
0x1e8: {  	v19 =	vadd.f32 v21, v19;
	v21 =	vor.u32 v11, v25;
	v25 =	vadd.s32 v27, v62  }
0x1e9: {  	v26 =	vadd.s32 v26, v62;
	v27 =	vadd.s32 $0x3A8F, v0;
	v22 =	vld.idx.msk [tilespmem:v22+s13+$0x0], $0xffff;
	v25 =	vand.u32 $0xFFFFFFF8, v25  }
0x1ea: {  	v19 =	vadd.f32 v23, v19;
	v23 =	vor.u32 v13, v25;
	v25 =	vadd.s32 v27, v62  }
0x1eb: {  	v26 =	vand.u32 $0xFFFFFFF8, v26;
	v27 =	vadd.s32 $0x3A90, v0;
	v24 =	vld.idx.msk [tilespmem:v24+s13+$0x0], $0xffff;
	v25 =	vand.u32 $0xFFFFFFF8, v25  }
0x1ec: {  	v19 =	vadd.f32 v20, v19;
	v20 =	vor.u32 v15, v25;
	v25 =	vadd.s32 v27, v62  }
0x1ed: {  	v28 =	vadd.s32 $0x3A91, v0;
	v26 =	vor.u32 v13, v26;
	v21 =	vld.idx.msk [tilespmem:v21+s13+$0x0], $0xffff;
	v25 =	vand.u32 $0xFFFFFFF8, v25  }
0x1ee: {  	v19 =	vadd.f32 v22, v19;
	v22 =	vor.u32 v1, v25;
	v25 =	vadd.s32 v28, v62  }
0x1ef: {  	v27 =	vadd.s32 $0x3417, v0;
	v28 =	vadd.s32 $0x3A92, v0;
	v23 =	vld.idx.msk [tilespmem:v23+s13+$0x0], $0xffff;
	v25 =	vand.u32 $0xFFFFFFF8, v25  }
0x1f0: {  	v19 =	vadd.f32 v24, v19;
	v24 =	vor.u32 v3, v25;
	v25 =	vadd.s32 v28, v62  }
0x1f1: {  	v27 =	vadd.s32 v27, v62;
	v28 =	vadd.s32 $0x3A93, v0;
	v20 =	vld.idx.msk [tilespmem:v20+s13+$0x0], $0xffff;
	v25 =	vand.u32 $0xFFFFFFF8, v25  }
0x1f2: {  	v19 =	vadd.f32 v21, v19;
	v21 =	vor.u32 v51, v25;
	v25 =	vadd.s32 v28, v62  }
0x1f3: {  	v27 =	vand.u32 $0xFFFFFFF8, v27;
	v28 =	vadd.s32 $0x3A94, v0;
	v22 =	vld.idx.msk [tilespmem:v22+s13+$0x0], $0xffff;
	v25 =	vand.u32 $0xFFFFFFF8, v25  }
0x1f4: {  	v19 =	vadd.f32 v23, v19;
	v23 =	vor.u32 v7, v25;
	v25 =	vadd.s32 v28, v62  }
0x1f5: {  	v27 =	vor.u32 v15, v27;
	v28 =	vadd.s32 $0x3418, v0;
	v24 =	vld.idx.msk [tilespmem:v24+s13+$0x0], $0xffff;
	v25 =	vand.u32 $0xFFFFFFF8, v25  }
0x1f6: {  	v16 =	vld.idx.msk [tilespmem:v16+s13+$0x0], $0xffff;
	v19 =	vadd.f32 v20, v19;
	v20 =	vor.u32 v9, v25;
	v25 =	vadd.s32 v29, v62  }
0x1f7: {  	v28 =	vadd.s32 v28, v62;
	v29 =	vadd.s32 $0x3A96, v0;
	v21 =	vld.idx.msk [tilespmem:v21+s13+$0x0], $0xffff;
	v25 =	vand.u32 $0xFFFFFFF8, v25  }
0x1f8: {  	v14 =	vld.idx.msk [tilespmem:v14+s13+$0x0], $0xffff;
	v19 =	vadd.f32 v22, v19;
	v22 =	vor.u32 v11, v25;
	v25 =	vadd.s32 v29, v62  }
0x1f9: {  	v28 =	vand.u32 $0xFFFFFFF8, v28;
	v29 =	vadd.s32 $0x3A97, v0;
	v23 =	vld.idx.msk [tilespmem:v23+s13+$0x0], $0xffff;
	v25 =	vand.u32 $0xFFFFFFF8, v25  }
0x1fa: {  	v17 =	vld.idx.msk [tilespmem:v17+s13+$0x0], $0xffff;
	v19 =	vadd.f32 v24, v19;
	v24 =	vor.u32 v13, v25;
	v25 =	vadd.s32 v29, v62  }
0x1fb: {  	v28 =	vor.u32 v1, v28;
	v29 =	vadd.s32 $0x3419, v0;
	v20 =	vld.idx.msk [tilespmem:v20+s13+$0x0], $0xffff;
	v25 =	vand.u32 $0xFFFFFFF8, v25  }
0x1fc: {  	v26 =	vld.idx.msk [tilespmem:v26+s13+$0x0], $0xffff;
	v19 =	vadd.f32 v21, v19;
	v21 =	vor.u32 v15, v25;
	v25 =	vadd.s32 $0x3A98, v0  }
0x1fd: {  	v12 =	vadd.f32 v14, v12;
	v27 =	vld.idx.msk [tilespmem:v27+s13+$0x0], $0xffff;
	v29 =	vadd.s32 v29, v62;
	v25 =	vadd.s32 v25, v62  }
0x1fe: {  	v22 =	vld.idx.msk [tilespmem:v22+s13+$0x0], $0xffff;
	v19 =	vadd.f32 v23, v19;
	v23 =	vand.u32 $0xFFFFFFF8, v25;
	v25 =	vadd.s32 $0x3A99, v0  }
0x1ff: {  	v29 =	vand.u32 $0xFFFFFFF8, v29;
	v24 =	vld.idx.msk [tilespmem:v24+s13+$0x0], $0xffff;
	v23 =	vor.u32 v1, v23;
	v25 =	vadd.s32 v25, v62  }
0x200: {  	v19 =	vadd.f32 v20, v19;
	v20 =	vld.idx.msk [tilespmem:v28+s13+$0x0], $0xffff;
	v28 =	vor.u32 v3, v29;
	v25 =	vand.u32 $0xFFFFFFF8, v25  }
0x201: {  	v12 =	vadd.f32 v17, v12;
	v17 =	vadd.s32 $0x1A08, v0;
	v25 =	vor.u32 v3, v25  }
0x202: {  	v10 =	vadd.f32 v16, v10;
	v17 =	vadd.s32 v17, v62;
	v18 =	vadd.f32 v26, v18;
	v21 =	vld.idx.msk [tilespmem:v21+s13+$0x0], $0xffff  }
0x203: {  	v17 =	vand.u32 $0xFFFFFFF8, v17;
	v26 =	vadd.s32 $0x1395, v0;
	v16 =	vadd.f32 v22, v19  }
0x204: {  	v17 =	vor.u32 v1, v17;
	v14 =	vadd.f32 v27, v18;
	v19 =	vadd.s32 v26, v62;
	v22 =	vld.idx.msk [tilespmem:v23+s13+$0x0], $0xffff  }
0x205: {  	v18 =	vand.u32 $0xFFFFFFF8, v19;
	v19 =	vadd.s32 $0x1396, v0;
	v16 =	vadd.f32 v24, v16;
	v23 =	vld.idx.msk [tilespmem:v28+s13+$0x0], $0xffff  }
0x206: {  	v18 =	vor.u32 v11, v18;
	v19 =	vadd.s32 v19, v62;
	v14 =	vadd.f32 v20, v14;
	v24 =	vld.idx.msk [tilespmem:v25+s13+$0x0], $0xffff  }
0x207: {  	v20 =	vadd.s32 $0x1A06, v0;
	v19 =	vand.u32 $0xFFFFFFF8, v19;
	v16 =	vadd.f32 v21, v16  }
0x208: {  	v20 =	vadd.s32 v20, v62;
	v21 =	vadd.s32 $0x1A07, v0;
	v19 =	vor.u32 v13, v19  }
0x209: {  	v20 =	vand.u32 $0xFFFFFFF8, v20;
	v21 =	vadd.s32 v21, v62;
	v16 =	vadd.f32 v22, v16  }
0x20a: {  	v20 =	vor.u32 v13, v20;
	v22 =	vmax.f32 v8, v10;
	v14 =	vadd.f32 v23, v14;
	v23 =	vld.msk [tilespmem:s9+$0x0], $0xffff  }
0x20b: {  	v22 =	vmax.f32 v22, v12;
	v16 =	vadd.f32 v24, v16;
	v24 =	vadd.s32 $0x1A09, v0  }
0x20c: {  	v21 =	vand.u32 $0xFFFFFFF8, v21;
	v24 =	vadd.s32 v24, v62;
	v22 =	vmax.f32 v22, v14  }
0x20d: {  	v21 =	vor.u32 v15, v21;
	v24 =	vand.u32 $0xFFFFFFF8, v24;
	v22 =	vmax.f32 v22, v16  }
0x20e: {  	v24 =	vor.u32 v3, v24;
	v8 =	vsub.f32 v8, v22;
	v10 =	vsub.f32 v10, v22  }
0x20f: {  	v33 =	vmovc v2;
	v12 =	vsub.f32 v12, v22;
	v2 =	vadd.f32 v23, v38;
	v23 =	vadd.s32 $0x1A0A, v0  }
0x210: {  	v14 =	vsub.f32 v14, v22;
	v23 =	vadd.s32 v23, v62;
	v8 =	vmul.f32 $1.442695020e+00, v8  }
0x211: {  	v20 =	vld.idx.msk [tilespmem:v20+s13+$0x0], $0xffff;
	v10 =	vmul.f32 $1.442695020e+00, v10;
	v23 =	vand.u32 $0xFFFFFFF8, v23;
	v2 =	vsub.f32 $0.0e+00, v2  }
0x212: {  	(erf) = vpow2.f32 v8;
	v8 =	vmul.f32 $1.442695020e+00, v12;
	v12 =	vsub.f32 v16, v22;
	v16 =	vld.idx.msk [tilespmem:v18+s13+$0x0], $0xffff  }
0x213: {  	v18 =	vor.u32 v51, v23;
	(erf) = vpow2.f32 v10;
	v10 =	vmul.f32 $1.442695020e+00, v14;
	v14 =	vld.idx.msk [tilespmem:v21+s13+$0x0], $0xffff  }
0x214: {  	(erf) = vpow2.f32 v8;
	v8 =	vmul.f32 $1.442695020e+00, v12;
	v12 =	vld.idx.msk [tilespmem:v19+s13+$0x0], $0xffff;
	v19 =	vadd.s32 $0x1A0B, v0  }
0x215: {  	v2 =	vmul.f32 $1.442695020e+00, v2;
	(erf) = vpow2.f32 v10;
	v10 =	vld.idx.msk [tilespmem:v17+s13+$0x0], $0xffff;
	v17 =	vadd.s32 v19, v62  }
0x216: {  	v6 =	vadd.f32 v20, v6;
	(erf) = vpow2.f32 v8;
	v8 =	vand.u32 $0xFFFFFFF8, v17  }
0x217: {  	v17 =	vadd.s32 $0x1A0C, v0;
	(erf) = vpow2.f32 v2;
	v2 =	vadd.f32 v16, v4;
	v16 =	vld.idx.msk [tilespmem:v24+s13+$0x0], $0xffff  }
0x218: {  	v4 =	vadd.s32 v17, v62;
	v6 =	vadd.f32 v14, v6  }
0x219: {  	v8 =	vor.u32 v7, v8;
	v4 =	vand.u32 $0xFFFFFFF8, v4;
	v14 =	vadd.s32 $0x1A0D, v0  }
0x21a: {  	v17 =	vld.idx.msk [tilespmem:v5+s9+$0x0], $0xffff;
	v19 =	vor.u32 v9, v4;
	v4 =	vadd.s32 v14, v62;
	v10 =	vadd.f32 v10, v6  }
0x21b: {  	v26 =	vadd.s32 $0x1A15, v0;
	v18 =	vld.idx.msk [tilespmem:v18+s13+$0x0], $0xffff;
	v6 =	vand.u32 $0xFFFFFFF8, v4  }
0x21c: {  	v12 =	vadd.f32 v12, v2;
	v14 =	vadd.s32 $0x1A0E, v0;
	v2 =	vpop (erf);
	v10 =	vadd.f32 v16, v10  }
0x21d: {  	v20 =	vadd.s32 $0x1397, v0;
	v14 =	vadd.s32 v14, v62;
	v21 =	vor.u32 v11, v6;
	v4 =	vpop (erf)  }
0x21e: {  	v22 =	vadd.s32 $0x1A0F, v0;
	v23 =	vadd.s32 $0x1A10, v0;
	v14 =	vand.u32 $0xFFFFFFF8, v14;
	v16 =	vld.idx.msk [tilespmem:v8+s13+$0x0], $0xffff;
	v6 =	vpop (erf)  }
0x21f: {  	v22 =	vadd.s32 v22, v62;
	v14 =	vor.u32 v13, v14;
	v17 =	vadd.f32 v17, v61;
	v8 =	vpop (erf)  }
0x220: {  	v23 =	vadd.s32 v23, v62;
	v22 =	vand.u32 $0xFFFFFFF8, v22;
	v18 =	vadd.f32 v18, v10;
	v19 =	vld.idx.msk [tilespmem:v19+s13+$0x0], $0xffff;
	v10 =	vpop (erf)  }
0x221: {  	v20 =	vadd.s32 v20, v62;
	v22 =	vor.u32 v15, v22;
	v17 =	vsub.f32 $0.0e+00, v17;
	v24 =	vpop (erf)  }
0x222: {  	v23 =	vand.u32 $0xFFFFFFF8, v23;
	v5 =	vimm.s32 $0x2;
	v21 =	vld.idx.msk [tilespmem:v21+s13+$0x0], $0xffff;
	v24 =	vadd.f32 $1.000000000e+00, v24  }
0x223: {  	v17 =	vmul.f32 $1.442695020e+00, v17;
	v16 =	vadd.f32 v16, v18;
	v18 =	vor.u32 v1, v23  }
0x224: {  	v20 =	vand.u32 $0xFFFFFFF8, v20;
	v23 =	vadd.s32 $0x1398, v0;
	v14 =	vld.idx.msk [tilespmem:v14+s13+$0x0], $0xffff;
	(erf) = vrcp.f32 v24  }
0x225: {  	v23 =	vadd.s32 v23, v62;
	v16 =	vadd.f32 v19, v16;
	(erf) = vpow2.f32 v17  }
0x226: {  	v22 =	vld.idx.msk [tilespmem:v22+s13+$0x0], $0xffff;
	v19 =	vand.u32 $0xFFFFFFF8, v23;
	v17 =	vor.u32 v15, v20;
	v20 =	vadd.s32 $0x1399, v0  }
0x227: {  	v23 =	vld.idx.msk [tilespmem:v5+s9+$0x0], $0xffff;
	v16 =	vadd.f32 v21, v16;
	v21 =	vadd.s32 $0x1A11, v0;
	v20 =	vadd.s32 v20, v62  }
0x228: {  	v19 =	vor.u32 v1, v19;
	v18 =	vld.idx.msk [tilespmem:v18+s13+$0x0], $0xffff;
	v21 =	vadd.s32 v21, v62;
	v20 =	vand.u32 $0xFFFFFFF8, v20  }
0x229: {  	v14 =	vadd.f32 v14, v16;
	v16 =	vand.u32 $0xFFFFFFF8, v21;
	v21 =	vadd.s32 $0x1A12, v0  }
0x22a: {  	v20 =	vor.u32 v3, v20;
	v16 =	vor.u32 v3, v16;
	v21 =	vadd.s32 v21, v62  }
0x22b: {  	v14 =	vadd.f32 v22, v14;
	v21 =	vand.u32 $0xFFFFFFF8, v21;
	v22 =	vadd.s32 $0x1A13, v0  }
0x22c: {  	v23 =	vadd.f32 v23, v63;
	v21 =	vor.u32 v51, v21;
	v22 =	vadd.s32 v22, v62  }
0x22d: {  	v14 =	vadd.f32 v18, v14;
	v18 =	vand.u32 $0xFFFFFFF8, v22;
	v22 =	vadd.s32 $0x1A14, v0;
	v24 =	vpop (erf)  }
0x22e: {  	v17 =	vld.idx.msk [tilespmem:v17+s13+$0x0], $0xffff;
	v23 =	vsub.f32 $0.0e+00, v23;
	v18 =	vor.u32 v7, v18;
	v22 =	vadd.s32 v22, v62;
	v25 =	vpop (erf)  }
0x22f: {  	v28 =	vimm.s32 $0x3;
	v16 =	vld.idx.msk [tilespmem:v16+s13+$0x0], $0xffff;
	v22 =	vand.u32 $0xFFFFFFF8, v22;
	v25 =	vadd.f32 $1.000000000e+00, v25  }
0x230: {  	v26 =	vadd.s32 v26, v62;
	v19 =	vld.idx.msk [tilespmem:v19+s13+$0x0], $0xffff;
	v23 =	vmul.f32 $1.442695020e+00, v23;
	v22 =	vor.u32 v9, v22  }
0x231: {  	v26 =	vand.u32 $0xFFFFFFF8, v26;
	v21 =	vld.idx.msk [tilespmem:v21+s13+$0x0], $0xffff;
	(erf) = vrcp.f32 v25;
	v25 =	vadd.s32 $0x1A16, v0  }
0x232: {  	v20 =	vld.idx.msk [tilespmem:v20+s13+$0x0], $0xffff;
	(erf) = vpow2.f32 v23;
	v23 =	vor.u32 v11, v26;
	v25 =	vadd.s32 v25, v62  }
0x233: {  	v12 =	vadd.f32 v17, v12;
	v17 =	vld.idx.msk [tilespmem:v18+s13+$0x0], $0xffff;
	v18 =	vand.u32 $0xFFFFFFF8, v25;
	v25 =	vadd.s32 $0x1A17, v0  }
0x234: {  	v14 =	vadd.f32 v16, v14;
	v16 =	vor.u32 v13, v18;
	v18 =	vadd.s32 v25, v62;
	v25 =	vld.idx.msk [tilespmem:v28+s9+$0x0], $0xffff  }
0x235: {  	v12 =	vadd.f32 v19, v12;
	v19 =	vld.idx.msk [tilespmem:v22+s13+$0x0], $0xffff;
	v22 =	vadd.s32 $0x1A18, v0;
	v18 =	vand.u32 $0xFFFFFFF8, v18  }
0x236: {  	v14 =	vadd.f32 v21, v14;
	v21 =	vadd.s32 v22, v62;
	v18 =	vor.u32 v15, v18  }
0x237: {  	v12 =	vadd.f32 v20, v12;
	v22 =	vadd.s32 $0x1A19, v0;
	v21 =	vand.u32 $0xFFFFFFF8, v21;
	v20 =	vld.idx.msk [tilespmem:v23+s13+$0x0], $0xffff  }
0x238: {  	v14 =	vadd.f32 v17, v14;
	v17 =	vadd.s32 v22, v62;
	v21 =	vor.u32 v1, v21  }
0x239: {  	v17 =	vand.u32 $0xFFFFFFF8, v17;
	v16 =	vld.idx.msk [tilespmem:v16+s13+$0x0], $0xffff;
	v12 =	vadd.f32 v25, v12  }
0x23a: {  	v14 =	vadd.f32 v19, v14;
	v17 =	vor.u32 v3, v17;
	v19 =	vpop (erf)  }
0x23b: {  	v18 =	vld.idx.msk [tilespmem:v18+s13+$0x0], $0xffff;
	v22 =	vpop (erf);
	v12 =	vsub.f32 $0.0e+00, v12  }
0x23c: {  	v30 =	vimm.s32 $0x4;
	v14 =	vadd.f32 v20, v14;
	v20 =	vadd.f32 $1.000000000e+00, v22  }
0x23d: {  	v21 =	vld.idx.msk [tilespmem:v21+s13+$0x0], $0xffff;
	v12 =	vmul.f32 $1.442695020e+00, v12  }
0x23e: {  	v14 =	vadd.f32 v16, v14;
	(erf) = vrcp.f32 v20  }
0x23f: {  	(erf) = vpow2.f32 v12;
	v12 =	vld.idx.msk [tilespmem:v17+s13+$0x0], $0xffff  }
0x240: {  	v14 =	vadd.f32 v18, v14  }
0x241: {  	v16 =	vld.idx.msk [tilespmem:v30+s9+$0x0], $0xffff  }
0x242: {  	v14 =	vadd.f32 v21, v14;
	_ =	sdelay $0x1  }
0x243: {  	v12 =	vadd.f32 v12, v14;
	_ =	sdelay $0x1  }
0x244: {  	v12 =	vadd.f32 v16, v12  }
0x245: {  	v14 =	vpop (erf)  }
0x246: {  	v16 =	vpop (erf);
	v12 =	vsub.f32 $0.0e+00, v12  }
0x247: {  	v16 =	vadd.f32 $1.000000000e+00, v16  }
0x248: {  	v12 =	vmul.f32 $1.442695020e+00, v12  }
0x249: {  	(erf) = vrcp.f32 v16  }
0x24a: {  	(erf) = vpow2.f32 v12;
	_ =	sdelay $0x7  }
0x24b: {  	v16 =	vpop (erf)  }
0x24c: {  	v34 =	vld [tilespmem:$0x1FF50];
	v12 =	vadd.f32 v4, v2;
	v17 =	vpop (erf)  }
0x24d: {  	v36 =	vmovc v47;
	v47 =	vmov v48;
	v48 =	vmov v52;
	v52 =	vld [tilespmem:$0x1FFD0];
	v17 =	vadd.f32 $1.000000000e+00, v17  }
0x24e: {  	v31 =	vmov v37;
	v37 =	vmov v45;
	v45 =	vld [tilespmem:$0x1FFA0];
	v12 =	vadd.f32 v12, v6  }
0x24f: {  	v32 =	vld [tilespmem:$0x1FF40];
	(erf) = vrcp.f32 v17  }
0x250: {  	v27 =	vmov v40;
	v40 =	vld [tilespmem:$0x1FF70];
	v12 =	vadd.f32 v12, v8  }
0x251: {  	v29 =	vmov v39;
	v39 =	vld [tilespmem:$0x1FFC0]  }
0x252: {  	v38 =	vld [tilespmem:$0x1FFB0];
	v12 =	vadd.f32 v12, v10  }
0x253: {  	v5 =	vld [tilespmem:$0x1FF60];
	v2 =	vmul.f32 v24, v2;
	v4 =	vmul.f32 v19, v4  }
0x254: {  	v26 =	vld [tilespmem:$0x1FF10];
	(erf) = vrcp.f32 v12  }
0x255: {  	v28 =	vld [tilespmem:$0x1FF20];
	v2 =	vadd.f32 v4, v2;
	v4 =	vmul.f32 v14, v6  }
0x256: {  	v23 =	vmov v43;
	v43 =	vld [tilespmem:$0x1FF90]  }
0x257: {  	v25 =	vmov v41;
	v41 =	vld [tilespmem:$0x1FF80];
	v2 =	vadd.f32 v4, v2;
	v4 =	vmul.f32 v16, v8  }
0x258: {  	v22 =	vld [tilespmem:$0x1FEF0];
	v6 =	vpop (erf)  }
0x259: {  	v20 =	vld [tilespmem:$0x1FFE0];
	v2 =	vadd.f32 v4, v2;
	v4 =	vmul.f32 v6, v10  }
0x25a: {  	v30 =	vld [tilespmem:$0x1FF30]  }
0x25b: {  	p0 =	sne.s32 s12, $0x30;
	v18 =	vld [tilespmem:$0x1FED0]  }
.Ltmp1:
0x25c: {  	v21 =	vmov v50;
	v50 =	vmov v54;
	v54 =	vld [tilespmem:$0x1FFF0];
	v2 =	vadd.f32 v4, v2;
	(pc) =	sbr.rel @p0 .LBB2_5-.Ltmp1, $4  }
0x25d: {  	v24 =	vld [tilespmem:$0x1FF00];
	v4 =	vpop (erf)  }
0x25e: {  	v19 =	vld [tilespmem:$0x1FEE0];
	v2 =	vmul.f32 v2, v4  }
0x25f: {  	v16 =	vld [tilespmem:$0x1FEB0]  }
0x260: {  	s12 =	sadd.s32 $0x10, s12;
	v17 =	vld [tilespmem:$0x1FEC0];
	[tilespmem:s14+$0x0] =	vst v2;
	s14 =	sadd.s32 $0x10, s14  }
0x261: {  	s12 =	sshll.u32 s6, $0x3;
	s6 =	sadd.s32 $0x1, s6  }
0x262: {  	p0 =	sne.s32 s6, $0x8  }
.Ltmp2:
0x263: {  	s12 =	sadd.s32 s12, s7;
	(pc) =	sbr.rel @p0 .LBB2_2-.Ltmp2, $4  }
0x264: {  	[hbm4b:s12+s2] =	stream.linear.scatter [tilespmem:s5], [sflag:$0x2], $0x40, $0x38;
	[tilespmem:$0xB650] =	vst v63  }
0x265: {  	_ =	swait.ge [sflag:s10], $0x40  }
0x266: {  	[sflag:s10] =	ssyncset.done $0x0  }
0x267: {  	s8 =	sadd.s32 $0x680, s8;
	[sflag:s10] =	ssyncadd.s32 $0xFFFFFFC0  }
0x268: {  	s8 =	rddreg [dreg:$0x6]  }
0x269: {  	s6 =	rddreg [dreg:$0x5];
	s8 =	sadd.s32 $0x1, s8  }
0x26a: {  	p0 =	sne.s32 s8, s6  }
.Ltmp3:
0x26b: {  	_ = 	snop;
	(pc) =	sbr.rel @p0 .LBB2_1-.Ltmp3, $1  }
0x26c: {  	_ =	sdelay $0x3  }
0x26d: {  	_ =	sfence.sel $0x180000  }
0x26e: {  	[bflag:$0x0] =	sbarrier.arrive $0xFFFF  }
0x26f: {  	_ =	strace $0x90000047  }
0x270: {  	s0 =	stileid.u32;
	[bflag:$0x2] =	sbarrier.arrive $0xFFFF  }
0x271: {  	p0 =	sne.s32 s0, $0x0;
	s0 =	rddreg [dreg:$0x2]  }
0x272: {  	s0 =	sadd.s32 @!p0 $0x100000, s0  }
0x273: {  	[sflag:s0] =	ssyncadd.tile.s32 @!p0 $0x1;
	_ =	shalt  }
.Lfunc_end2:
_tile_overlayer_lowered:
.L_overlay_start_2:
0x274: {  	(tag) =	ssettag $0x2  }
0x275: {  	s0 =	rddreg [dreg:$0x0];
	s2 =	stileid.u32  }
0x276: {  	s1 =	rddreg [dreg:$0x1];
	p0 =	sne.s32 s2, $0x0  }
0x277: {  	s3 =	rddreg [dreg:$0x2];
	[bflag:$0x3] =	sbarrier.arrive $0xFFFF;
	s2 =	simm.s32 @!p0 $0x1C02  }
0x278: {  	[timem:s3], [sflag:s2] =	dma.local @!p0 [hbm:s0], s1  }
0x279: {  	s0 =	simm.s32 @!p0 $0x2  }
0x27a: {  	_ =	swait.ge @!p0 [sflag:s0], s1  }
0x27b: {  	s1 =	ssub.s32 @!p0 $0x0, s1;
	[sflag:s0] =	ssyncset.done @!p0 $0x0  }
0x27c: {  	[sflag:s0] =	ssyncadd.s32 @!p0 s1  }
0x27d: {  	[bflag:$0x3] =	sbarrier.arrive $0xFFFF  }
0x27e: {  	_ =	shalt  }

</sc_bundles>
